<compile_context>
chip_gen: v7x
topology: tpu7x:2x2x1
jax: 0.10.2.dev20260603
libtpu: 0.0.44.dev20260713+nightly
codegen_flags: <defaults>
</compile_context>

<pallas_src>
import functools

import jax
import jax.numpy as jnp
from jax import lax
from jax.experimental import pallas as pl
from jax.experimental.pallas import tpu as pltpu
from jax.experimental.pallas import tpu_sc as plsc

K = 20
B, N, F = 8, 2048, 3
C1, C2 = 64, 64
BNK = B * N * K
DPAD = 128
RBLK = 256
EPS = 1e-5


def _knn_body(x_ref, xt_ref, idx_ref):
    b = pl.program_id(0)
    x = x_ref[0]
    xt = xt_ref[0]
    dot = lax.dot_general(x, xt, (((1,), (0,)), ((), ())),
                          preferred_element_type=jnp.float32)
    sq_r = jnp.sum(x * x, axis=1, keepdims=True)
    sq_c = jnp.sum(xt * xt, axis=0, keepdims=True)
    dist = sq_r + sq_c - 2.0 * dot
    lane = lax.broadcasted_iota(jnp.int32, (RBLK, N), 1)
    inf = jnp.float32(jnp.inf)
    cols = []
    for k in range(K + 1):
        m = jnp.min(dist, axis=1, keepdims=True)
        cand = jnp.where(dist <= m, lane, N)
        sel = jnp.min(cand, axis=1, keepdims=True)
        if k > 0:
            cols.append(sel)
        dist = jnp.where(lane == sel, inf, dist)
    idx_ref[0] = jnp.concatenate(cols, axis=1) + b * N


def _knn_indices(x, xt):
    return pl.pallas_call(
        _knn_body,
        grid=(B, N // RBLK),
        in_specs=[
            pl.BlockSpec((1, RBLK, F), lambda b, rb: (b, rb, 0)),
            pl.BlockSpec((1, F, N), lambda b, rb: (b, 0, 0)),
        ],
        out_specs=pl.BlockSpec((1, RBLK, K), lambda b, rb: (b, rb, 0)),
        out_shape=jax.ShapeDtypeStruct((B, N, K), jnp.int32),
    )(x, xt)


_NC, _NS = 2, 16
_NW = _NC * _NS
_IDX_ROWS = BNK // 128
_ROWS_PER_W = _IDX_ROWS // _NW
_CHUNK_IR = 4
_NCHUNK = _ROWS_PER_W // _CHUNK_IR
_CHUNK_E = _CHUNK_IR * 128


@functools.cache
def _sc_gather_fn():
    @functools.partial(
        pl.kernel,
        out_type=jax.ShapeDtypeStruct((BNK, DPAD), jnp.float32),
        mesh=plsc.VectorSubcoreMesh(core_axis_name="c", subcore_axis_name="s",
                                    num_cores=_NC, num_subcores=_NS),
        scratch_types=[
            pltpu.VMEM((_CHUNK_IR, 128), jnp.int32),
            pltpu.VMEM((_CHUNK_E, DPAD), jnp.float32),
            pltpu.SemaphoreType.DMA,
        ],
    )
    def sc_gather(table_hbm, idx_hbm, out_hbm, idx_v, rows_v, sem):
        wid = lax.axis_index("s") * _NC + lax.axis_index("c")

        def chunk(ci, carry):
            row0 = wid * _ROWS_PER_W + ci * _CHUNK_IR
            pltpu.sync_copy(idx_hbm.at[pl.ds(row0, _CHUNK_IR)], idx_v)
            cps = []
            for j in range(_CHUNK_IR):
                cps.append(pltpu.async_copy(
                    table_hbm.at[idx_v.at[j]],
                    rows_v.at[pl.ds(j * 128, 128)], sem))
            for cp in cps:
                cp.wait()
            ebase = (wid * _NCHUNK + ci) * _CHUNK_E
            pltpu.sync_copy(rows_v, out_hbm.at[pl.ds(ebase, _CHUNK_E)])
            return carry

        lax.fori_loop(0, _NCHUNK, chunk, 0)

    return sc_gather


def _sc_gather(table, idx2d):
    return _sc_gather_fn()(table, idx2d)


NB = 256


def _stats1_body(x_ref, xj_ref, wu_ref, wv_ref, b1_ref, s_ref):
    first = (pl.program_id(0) == 0) & (pl.program_id(1) == 0)

    @pl.when(first)
    def _():
        s_ref[...] = jnp.zeros_like(s_ref)

    x = x_ref[0]
    u = lax.dot_general(x, wu_ref[...], (((1,), (0,)), ((), ())),
                        preferred_element_type=jnp.float32,
                        precision=lax.Precision.HIGHEST) + b1_ref[...]
    s = jnp.zeros((1, C1), jnp.float32)
    ssq = jnp.zeros((1, C1), jnp.float32)
    for k in range(K):
        xk = xj_ref[0][:, k * DPAD:(k + 1) * DPAD]
        v = lax.dot_general(xk, wv_ref[...], (((1,), (0,)), ((), ())),
                            preferred_element_type=jnp.float32,
                            precision=lax.Precision.HIGHEST)
        y = u + v
        s = s + jnp.sum(y, axis=0, keepdims=True)
        ssq = ssq + jnp.sum(y * y, axis=0, keepdims=True)
    s_ref[0:1, :C1] += s
    s_ref[1:2, :C1] += ssq


def _stats1(x, xj, wu, wv, b1r):
    return pl.pallas_call(
        _stats1_body,
        grid=(B, N // NB),
        in_specs=[
            pl.BlockSpec((1, NB, F), lambda b, nb: (b, nb, 0)),
            pl.BlockSpec((1, NB, K * DPAD), lambda b, nb: (b, nb, 0)),
            pl.BlockSpec((F, C1), lambda b, nb: (0, 0)),
            pl.BlockSpec((DPAD, C1), lambda b, nb: (0, 0)),
            pl.BlockSpec((1, C1), lambda b, nb: (0, 0)),
        ],
        out_specs=pl.BlockSpec((8, 128), lambda b, nb: (0, 0)),
        out_shape=jax.ShapeDtypeStruct((8, 128), jnp.float32),
    )(x, xj, wu, wv, b1r)


def _fused_body(x_ref, xj_ref, st1_ref, wu_ref, wv_ref, b1_ref, g1_ref,
                bt1_ref, w2t_ref, b2_ref, mx_ref, mn_ref, s2_ref):
    first = (pl.program_id(0) == 0) & (pl.program_id(1) == 0)

    @pl.when(first)
    def _():
        s2_ref[...] = jnp.zeros_like(s2_ref)

    cnt = jnp.float32(BNK)
    mean1 = st1_ref[0:1, :C1] / cnt
    var1 = st1_ref[1:2, :C1] / cnt - mean1 * mean1
    rstd1 = 1.0 / jnp.sqrt(var1 + EPS)
    a1 = g1_ref[...] * rstd1
    c1 = bt1_ref[...] - mean1 * a1

    x = x_ref[0]
    u = lax.dot_general(x, wu_ref[...], (((1,), (0,)), ((), ())),
                        preferred_element_type=jnp.float32,
                        precision=lax.Precision.HIGHEST) + b1_ref[...]
    mx = jnp.full((NB, C2), -jnp.inf, jnp.float32)
    mn = jnp.full((NB, C2), jnp.inf, jnp.float32)
    s2 = jnp.zeros((1, C2), jnp.float32)
    ssq2 = jnp.zeros((1, C2), jnp.float32)
    for k in range(K):
        xk = xj_ref[0][:, k * DPAD:(k + 1) * DPAD]
        v = lax.dot_general(xk, wv_ref[...], (((1,), (0,)), ((), ())),
                            preferred_element_type=jnp.float32,
                            precision=lax.Precision.HIGHEST)
        e = jnp.maximum(a1 * (u + v) + c1, 0.0)
        y2 = lax.dot_general(e, w2t_ref[...], (((1,), (0,)), ((), ())),
                             preferred_element_type=jnp.float32,
                             precision=lax.Precision.HIGHEST) + b2_ref[...]
        mx = jnp.maximum(mx, y2)
        mn = jnp.minimum(mn, y2)
        s2 = s2 + jnp.sum(y2, axis=0, keepdims=True)
        ssq2 = ssq2 + jnp.sum(y2 * y2, axis=0, keepdims=True)
    mx_ref[0] = mx
    mn_ref[0] = mn
    s2_ref[0:1, :C2] += s2
    s2_ref[1:2, :C2] += ssq2


def _fused(x, xj, st1, wu, wv, b1r, g1r, bt1r, w2t, b2r):
    return pl.pallas_call(
        _fused_body,
        grid=(B, N // NB),
        in_specs=[
            pl.BlockSpec((1, NB, F), lambda b, nb: (b, nb, 0)),
            pl.BlockSpec((1, NB, K * DPAD), lambda b, nb: (b, nb, 0)),
            pl.BlockSpec((8, 128), lambda b, nb: (0, 0)),
            pl.BlockSpec((F, C1), lambda b, nb: (0, 0)),
            pl.BlockSpec((DPAD, C1), lambda b, nb: (0, 0)),
            pl.BlockSpec((1, C1), lambda b, nb: (0, 0)),
            pl.BlockSpec((1, C1), lambda b, nb: (0, 0)),
            pl.BlockSpec((1, C1), lambda b, nb: (0, 0)),
            pl.BlockSpec((C1, C2), lambda b, nb: (0, 0)),
            pl.BlockSpec((1, C2), lambda b, nb: (0, 0)),
        ],
        out_specs=[
            pl.BlockSpec((1, NB, C2), lambda b, nb: (b, nb, 0)),
            pl.BlockSpec((1, NB, C2), lambda b, nb: (b, nb, 0)),
            pl.BlockSpec((8, 128), lambda b, nb: (0, 0)),
        ],
        out_shape=[
            jax.ShapeDtypeStruct((B, N, C2), jnp.float32),
            jax.ShapeDtypeStruct((B, N, C2), jnp.float32),
            jax.ShapeDtypeStruct((8, 128), jnp.float32),
        ],
    )(x, xj, st1, wu, wv, b1r, g1r, bt1r, w2t, b2r)


def _finish_body(mx_ref, mn_ref, s2_ref, g2_ref, bt2_ref, o_ref):
    cnt = jnp.float32(BNK)
    mean2 = s2_ref[0:1, :C2] / cnt
    var2 = s2_ref[1:2, :C2] / cnt - mean2 * mean2
    rstd2 = 1.0 / jnp.sqrt(var2 + EPS)
    a2 = g2_ref[...] * rstd2
    c2 = bt2_ref[...] - mean2 * a2
    t = jnp.where(a2 >= 0.0, mx_ref[0], mn_ref[0])
    o_ref[0] = jnp.maximum(a2 * t + c2, 0.0)


def _finish(mx, mn, s2, g2r, bt2r):
    return pl.pallas_call(
        _finish_body,
        grid=(B,),
        in_specs=[
            pl.BlockSpec((1, N, C2), lambda b: (b, 0, 0)),
            pl.BlockSpec((1, N, C2), lambda b: (b, 0, 0)),
            pl.BlockSpec((8, 128), lambda b: (0, 0)),
            pl.BlockSpec((1, C2), lambda b: (0, 0)),
            pl.BlockSpec((1, C2), lambda b: (0, 0)),
        ],
        out_specs=pl.BlockSpec((1, N, C2), lambda b: (b, 0, 0)),
        out_shape=jax.ShapeDtypeStruct((B, N, C2), jnp.float32),
    )(mx, mn, s2, g2r, bt2r)


def kernel(X, W1, b1, gamma1, beta1, W2, b2, gamma2, beta2):
    X = X.astype(jnp.float32)
    xt = jnp.transpose(X, (0, 2, 1))

    idx = _knn_indices(X, xt)
    idx2d = idx.reshape(_IDX_ROWS, 128)

    table = jnp.zeros((B * N, DPAD), jnp.float32)
    table = table.at[:, :F].set(X.reshape(B * N, F))
    xj = _sc_gather(table, idx2d).reshape(B, N, K * DPAD)

    wu = (W1[:, :F] - W1[:, F:]).T
    wv = jnp.zeros((DPAD, C1), jnp.float32).at[:F].set(W1[:, F:].T)
    w2t = W2.T
    b1r, g1r, bt1r = b1[None, :], gamma1[None, :], beta1[None, :]
    b2r, g2r, bt2r = b2[None, :], gamma2[None, :], beta2[None, :]

    st1 = _stats1(X, xj, wu, wv, b1r)
    mx, mn, st2 = _fused(X, xj, st1, wu, wv, b1r, g1r, bt1r, w2t, b2r)
    return _finish(mx, mn, st2, g2r, bt2r)

# --- scband reference (transcript-rebuilt; emitter-appended) ---
"""Pipeline reference for scband-edge-conv-31224412242416 (READ-ONLY COPY).

The authoritative reference and input builder live on the scoring server;
editing this copy changes nothing except your own understanding.
"""

import jax, jax.numpy as jnp
import numpy as np

K = 20
B, N, F = 8, 2048, 3
C1, C2 = 64, 64

def setup_inputs(seed: int = 0) -> dict:
    key = jax.random.key(seed)
    ks = jax.random.split(key, 8)
    X = jax.random.normal(ks[0], (B, N, F), dtype=jnp.float32)
    # conv1d kernel_size=1 weights squeezed to [out, in]
    W1 = jax.random.normal(ks[1], (C1, 2 * F), dtype=jnp.float32) * (1.0 / np.sqrt(2 * F))
    b1 = jnp.zeros((C1,), dtype=jnp.float32)
    gamma1 = jnp.ones((C1,), dtype=jnp.float32)
    beta1 = jnp.zeros((C1,), dtype=jnp.float32)
    W2 = jax.random.normal(ks[2], (C2, C1), dtype=jnp.float32) * (1.0 / np.sqrt(C1))
    b2 = jnp.zeros((C2,), dtype=jnp.float32)
    gamma2 = jnp.ones((C2,), dtype=jnp.float32)
    beta2 = jnp.zeros((C2,), dtype=jnp.float32)
    return {"X": X, "W1": W1, "b1": b1, "gamma1": gamma1, "beta1": beta1,
            "W2": W2, "b2": b2, "gamma2": gamma2, "beta2": beta2}

def _knn_graph(x):
    # x: [N, F] -> knn graph [N, K, F]
    sq = jnp.sum(x * x, axis=1, keepdims=True)  # [N,1]
    dist = sq + sq.T - 2.0 * (x @ x.T)          # [N,N]
    idx = jnp.argsort(dist, axis=1)[:, 1:K + 1]  # [N,K] skip self
    return x[idx]                                # [N,K,F]

def _conv_bn_relu(x, W, b, gamma, beta):
    # x: [B, Cin, L]; conv1d k=1 == per-position linear; BN in training mode (batch stats)
    y = jnp.einsum('oc,bcl->bol', W, x) + b[None, :, None]
    mean = jnp.mean(y, axis=(0, 2), keepdims=True)
    var = jnp.var(y, axis=(0, 2), keepdims=True)
    y = (y - mean) / jnp.sqrt(var + 1e-5)
    y = y * gamma[None, :, None] + beta[None, :, None]
    return jax.nn.relu(y)

def reference(X, W1, b1, gamma1, beta1, W2, b2, gamma2, beta2):
    Bb, Nn, Ff = X.shape
    knn = jax.vmap(_knn_graph)(X)                       # [B,N,K,F]
    x1 = jnp.broadcast_to(X[:, :, None, :], (Bb, Nn, K, Ff))
    x2 = knn - x1
    x_in = jnp.concatenate([x1, x2], axis=3)            # [B,N,K,2F]
    x_in = jnp.transpose(x_in, (0, 3, 1, 2)).reshape(Bb, 2 * Ff, Nn * K)
    out = _conv_bn_relu(x_in, W1, b1, gamma1, beta1)
    out = _conv_bn_relu(out, W2, b2, gamma2, beta2)
    an = out.shape[1]
    out = out.reshape(Bb, an, Nn, K)
    out = jnp.max(out, axis=3)                          # MaxPool1d(K)
    out = jnp.transpose(out, (0, 2, 1))                 # [B,N,an]
    return out

if __name__ == "__main__":
    import jax
    _d = setup_inputs()
    print(jax.jit(kernel)(*tuple(_d.values())))

</pallas_src>

<mosaic_0001>
#map = affine_map<(d0, d1) -> (0, 0)>
module attributes {stable_mosaic.version = 14 : i64} {
  func.func @sc_gather(%arg0: i32, %arg1: i32, %arg2: memref<16384x128xf32, #tpu.memory_space<hbm>>, %arg3: memref<2560x128xi32, #tpu.memory_space<hbm>>, %arg4: memref<327680x128xf32, #tpu.memory_space<hbm>>, %arg5: memref<4x128xi32, #tpu.memory_space<vmem>>, %arg6: memref<512x128xf32, #tpu.memory_space<vmem>>, %arg7: memref<!tpu.dma_semaphore, #tpu.memory_space<semaphore_mem>>) attributes {dimension_semantics = [#tpu.dimension_semantics<core_parallel>, #tpu.dimension_semantics<subcore_parallel>], iteration_bounds = array<i64: 2, 16>, scalar_prefetch = 0 : i64, scratch_operands = 3 : i64, tpu.core_type = #tpu.core_type<sc_vector_subcore>, window_params = [{transform_indices = #map}, {transform_indices = #map}, {transform_indices = #map}]} {
    %mul3A = arith.constant 2 : i32
    %mul3A_0 = arith.muli %arg1, %mul3A : i32
    %add3A = arith.addi %mul3A_0, %arg0 : i32
    %scan3A = arith.constant 0 : i32
    %scan3A_1 = arith.constant 0 : i32
    %scan3A_2 = arith.constant 20 : i32
    %scan3A_3 = arith.addi %scan3A_1, %scan3A_2 : i32
    %scan3A_4 = arith.constant 1 : i32
    scf.for %scan3A_6 = %scan3A_1 to %scan3A_3 step %scan3A_4  : i32 {
      %mul3A_7 = arith.constant 80 : i32
      %mul3A_8 = arith.muli %add3A, %mul3A_7 : i32
      %mul3A_9 = arith.constant 4 : i32
      %mul3A_10 = arith.muli %scan3A_6, %mul3A_9 : i32
      %add3A_11 = arith.addi %mul3A_8, %mul3A_10 : i32
      "tpu.region"() ({
        %run_scoped3A = tpu.sem_alloc : memref<!tpu.dma_semaphore, #tpu.memory_space<semaphore_mem>>
        %dma_start3A_95 = arith.constant 0 : i32
        %dma_start3A_96 = tpu.memref_slice %arg3[%add3A_11, %dma_start3A_95] : memref<2560x128xi32, #tpu.memory_space<hbm>> -> memref<4x128xi32, #tpu.memory_space<hbm>>
        %dma_start3A_97 = arith.constant 0 : i32
        %dma_start3A_98 = tpu.memref_slice %arg3[%add3A_11, %dma_start3A_97] : memref<2560x128xi32, #tpu.memory_space<hbm>> -> memref<4x128xi32, #tpu.memory_space<hbm>>
        tpu.enqueue_dma source(%dma_start3A_98 : memref<4x128xi32, #tpu.memory_space<hbm>>) target(%arg5 : memref<4x128xi32, #tpu.memory_space<vmem>>) target_semaphore(%run_scoped3A : memref<!tpu.dma_semaphore, #tpu.memory_space<semaphore_mem>>)
        %dma_wait3A_99 = arith.constant 0 : i32
        %dma_wait3A_100 = tpu.memref_slice %arg3[%add3A_11, %dma_wait3A_99] : memref<2560x128xi32, #tpu.memory_space<hbm>> -> memref<4x128xi32, #tpu.memory_space<hbm>>
        %dma_wait3A_101 = arith.constant 0 : i32
        %dma_wait3A_102 = tpu.memref_slice %arg3[%add3A_11, %dma_wait3A_101] : memref<2560x128xi32, #tpu.memory_space<hbm>> -> memref<4x128xi32, #tpu.memory_space<hbm>>
        tpu.wait_dma2 semaphore(%run_scoped3A : memref<!tpu.dma_semaphore, #tpu.memory_space<semaphore_mem>>) src(%dma_wait3A_102 : memref<4x128xi32, #tpu.memory_space<hbm>>) dst(%arg5 : memref<4x128xi32, #tpu.memory_space<vmem>>)
        tpu.yield
      }) : () -> ()
      %dma_start3A = arith.constant 0 : i32
      %dma_start3A_12 = arith.constant 0 : i32
      %dma_start3A_13 = arith.constant 0 : i32
      %dma_start3A_14 = tpu.memref_slice %arg6[%dma_start3A_12, %dma_start3A_13] : memref<512x128xf32, #tpu.memory_space<vmem>> -> memref<128x128xf32, #tpu.memory_space<vmem>>
      %dma_start3A_15 = arith.constant 0 : i32
      %dma_start3A_16 = tpu.memref_slice %arg5[%dma_start3A, %dma_start3A_15] : memref<4x128xi32, #tpu.memory_space<vmem>> -> memref<1x128xi32, #tpu.memory_space<vmem>>
      %dma_start3A_17 = tpu.memref_squeeze %dma_start3A_16 : memref<1x128xi32, #tpu.memory_space<vmem>> -> memref<128xi32, #tpu.memory_space<vmem>>
      %dma_start3A_18 = arith.constant 0 : i32
      %dma_start3A_19 = arith.constant 0 : i32
      %dma_start3A_20 = tpu.memref_slice %arg2[%dma_start3A_18, %dma_start3A_19] : memref<16384x128xf32, #tpu.memory_space<hbm>> -> memref<16384x128xf32, #tpu.memory_space<hbm>>
      tpu.enqueue_indirect_dma source(%dma_start3A_20 : memref<16384x128xf32, #tpu.memory_space<hbm>>) target(%dma_start3A_14 : memref<128x128xf32, #tpu.memory_space<vmem>>) offsets(%dma_start3A_17 : memref<128xi32, #tpu.memory_space<vmem>>) semaphore(%arg7 : memref<!tpu.dma_semaphore, #tpu.memory_space<semaphore_mem>>)
      %dma_start3A_21 = arith.constant 1 : i32
      %dma_start3A_22 = arith.constant 128 : i32
      %dma_start3A_23 = arith.constant 0 : i32
      %dma_start3A_24 = tpu.memref_slice %arg6[%dma_start3A_22, %dma_start3A_23] : memref<512x128xf32, #tpu.memory_space<vmem>> -> memref<128x128xf32, #tpu.memory_space<vmem>>
      %dma_start3A_25 = arith.constant 0 : i32
      %dma_start3A_26 = tpu.memref_slice %arg5[%dma_start3A_21, %dma_start3A_25] : memref<4x128xi32, #tpu.memory_space<vmem>> -> memref<1x128xi32, #tpu.memory_space<vmem>>
      %dma_start3A_27 = tpu.memref_squeeze %dma_start3A_26 : memref<1x128xi32, #tpu.memory_space<vmem>> -> memref<128xi32, #tpu.memory_space<vmem>>
      %dma_start3A_28 = arith.constant 0 : i32
      %dma_start3A_29 = arith.constant 0 : i32
      %dma_start3A_30 = tpu.memref_slice %arg2[%dma_start3A_28, %dma_start3A_29] : memref<16384x128xf32, #tpu.memory_space<hbm>> -> memref<16384x128xf32, #tpu.memory_space<hbm>>
      tpu.enqueue_indirect_dma source(%dma_start3A_30 : memref<16384x128xf32, #tpu.memory_space<hbm>>) target(%dma_start3A_24 : memref<128x128xf32, #tpu.memory_space<vmem>>) offsets(%dma_start3A_27 : memref<128xi32, #tpu.memory_space<vmem>>) semaphore(%arg7 : memref<!tpu.dma_semaphore, #tpu.memory_space<semaphore_mem>>)
      %dma_start3A_31 = arith.constant 2 : i32
      %dma_start3A_32 = arith.constant 256 : i32
      %dma_start3A_33 = arith.constant 0 : i32
      %dma_start3A_34 = tpu.memref_slice %arg6[%dma_start3A_32, %dma_start3A_33] : memref<512x128xf32, #tpu.memory_space<vmem>> -> memref<128x128xf32, #tpu.memory_space<vmem>>
      %dma_start3A_35 = arith.constant 0 : i32
      %dma_start3A_36 = tpu.memref_slice %arg5[%dma_start3A_31, %dma_start3A_35] : memref<4x128xi32, #tpu.memory_space<vmem>> -> memref<1x128xi32, #tpu.memory_space<vmem>>
      %dma_start3A_37 = tpu.memref_squeeze %dma_start3A_36 : memref<1x128xi32, #tpu.memory_space<vmem>> -> memref<128xi32, #tpu.memory_space<vmem>>
      %dma_start3A_38 = arith.constant 0 : i32
      %dma_start3A_39 = arith.constant 0 : i32
      %dma_start3A_40 = tpu.memref_slice %arg2[%dma_start3A_38, %dma_start3A_39] : memref<16384x128xf32, #tpu.memory_space<hbm>> -> memref<16384x128xf32, #tpu.memory_space<hbm>>
      tpu.enqueue_indirect_dma source(%dma_start3A_40 : memref<16384x128xf32, #tpu.memory_space<hbm>>) target(%dma_start3A_34 : memref<128x128xf32, #tpu.memory_space<vmem>>) offsets(%dma_start3A_37 : memref<128xi32, #tpu.memory_space<vmem>>) semaphore(%arg7 : memref<!tpu.dma_semaphore, #tpu.memory_space<semaphore_mem>>)
      %dma_start3A_41 = arith.constant 3 : i32
      %dma_start3A_42 = arith.constant 384 : i32
      %dma_start3A_43 = arith.constant 0 : i32
      %dma_start3A_44 = tpu.memref_slice %arg6[%dma_start3A_42, %dma_start3A_43] : memref<512x128xf32, #tpu.memory_space<vmem>> -> memref<128x128xf32, #tpu.memory_space<vmem>>
      %dma_start3A_45 = arith.constant 0 : i32
      %dma_start3A_46 = tpu.memref_slice %arg5[%dma_start3A_41, %dma_start3A_45] : memref<4x128xi32, #tpu.memory_space<vmem>> -> memref<1x128xi32, #tpu.memory_space<vmem>>
      %dma_start3A_47 = tpu.memref_squeeze %dma_start3A_46 : memref<1x128xi32, #tpu.memory_space<vmem>> -> memref<128xi32, #tpu.memory_space<vmem>>
      %dma_start3A_48 = arith.constant 0 : i32
      %dma_start3A_49 = arith.constant 0 : i32
      %dma_start3A_50 = tpu.memref_slice %arg2[%dma_start3A_48, %dma_start3A_49] : memref<16384x128xf32, #tpu.memory_space<hbm>> -> memref<16384x128xf32, #tpu.memory_space<hbm>>
      tpu.enqueue_indirect_dma source(%dma_start3A_50 : memref<16384x128xf32, #tpu.memory_space<hbm>>) target(%dma_start3A_44 : memref<128x128xf32, #tpu.memory_space<vmem>>) offsets(%dma_start3A_47 : memref<128xi32, #tpu.memory_space<vmem>>) semaphore(%arg7 : memref<!tpu.dma_semaphore, #tpu.memory_space<semaphore_mem>>)
      %dma_wait3A = arith.constant 0 : i32
      %dma_wait3A_51 = arith.constant 0 : i32
      %dma_wait3A_52 = arith.constant 0 : i32
      %dma_wait3A_53 = tpu.memref_slice %arg6[%dma_wait3A_51, %dma_wait3A_52] : memref<512x128xf32, #tpu.memory_space<vmem>> -> memref<128x128xf32, #tpu.memory_space<vmem>>
      %dma_wait3A_54 = arith.constant 0 : i32
      %dma_wait3A_55 = tpu.memref_slice %arg5[%dma_wait3A, %dma_wait3A_54] : memref<4x128xi32, #tpu.memory_space<vmem>> -> memref<1x128xi32, #tpu.memory_space<vmem>>
      %dma_wait3A_56 = tpu.memref_squeeze %dma_wait3A_55 : memref<1x128xi32, #tpu.memory_space<vmem>> -> memref<128xi32, #tpu.memory_space<vmem>>
      %dma_wait3A_57 = arith.constant 0 : i32
      %dma_wait3A_58 = arith.constant 0 : i32
      %dma_wait3A_59 = tpu.memref_slice %arg2[%dma_wait3A_57, %dma_wait3A_58] : memref<16384x128xf32, #tpu.memory_space<hbm>> -> memref<16384x128xf32, #tpu.memory_space<hbm>>
      tpu.wait_indirect_dma semaphore(%arg7 : memref<!tpu.dma_semaphore, #tpu.memory_space<semaphore_mem>>) src(%dma_wait3A_59 : memref<16384x128xf32, #tpu.memory_space<hbm>>) dst(%dma_wait3A_53 : memref<128x128xf32, #tpu.memory_space<vmem>>)
      %dma_wait3A_60 = arith.constant 1 : i32
      %dma_wait3A_61 = arith.constant 128 : i32
      %dma_wait3A_62 = arith.constant 0 : i32
      %dma_wait3A_63 = tpu.memref_slice %arg6[%dma_wait3A_61, %dma_wait3A_62] : memref<512x128xf32, #tpu.memory_space<vmem>> -> memref<128x128xf32, #tpu.memory_space<vmem>>
      %dma_wait3A_64 = arith.constant 0 : i32
      %dma_wait3A_65 = tpu.memref_slice %arg5[%dma_wait3A_60, %dma_wait3A_64] : memref<4x128xi32, #tpu.memory_space<vmem>> -> memref<1x128xi32, #tpu.memory_space<vmem>>
      %dma_wait3A_66 = tpu.memref_squeeze %dma_wait3A_65 : memref<1x128xi32, #tpu.memory_space<vmem>> -> memref<128xi32, #tpu.memory_space<vmem>>
      %dma_wait3A_67 = arith.constant 0 : i32
      %dma_wait3A_68 = arith.constant 0 : i32
      %dma_wait3A_69 = tpu.memref_slice %arg2[%dma_wait3A_67, %dma_wait3A_68] : memref<16384x128xf32, #tpu.memory_space<hbm>> -> memref<16384x128xf32, #tpu.memory_space<hbm>>
      tpu.wait_indirect_dma semaphore(%arg7 : memref<!tpu.dma_semaphore, #tpu.memory_space<semaphore_mem>>) src(%dma_wait3A_69 : memref<16384x128xf32, #tpu.memory_space<hbm>>) dst(%dma_wait3A_63 : memref<128x128xf32, #tpu.memory_space<vmem>>)
      %dma_wait3A_70 = arith.constant 2 : i32
      %dma_wait3A_71 = arith.constant 256 : i32
      %dma_wait3A_72 = arith.constant 0 : i32
      %dma_wait3A_73 = tpu.memref_slice %arg6[%dma_wait3A_71, %dma_wait3A_72] : memref<512x128xf32, #tpu.memory_space<vmem>> -> memref<128x128xf32, #tpu.memory_space<vmem>>
      %dma_wait3A_74 = arith.constant 0 : i32
      %dma_wait3A_75 = tpu.memref_slice %arg5[%dma_wait3A_70, %dma_wait3A_74] : memref<4x128xi32, #tpu.memory_space<vmem>> -> memref<1x128xi32, #tpu.memory_space<vmem>>
      %dma_wait3A_76 = tpu.memref_squeeze %dma_wait3A_75 : memref<1x128xi32, #tpu.memory_space<vmem>> -> memref<128xi32, #tpu.memory_space<vmem>>
      %dma_wait3A_77 = arith.constant 0 : i32
      %dma_wait3A_78 = arith.constant 0 : i32
      %dma_wait3A_79 = tpu.memref_slice %arg2[%dma_wait3A_77, %dma_wait3A_78] : memref<16384x128xf32, #tpu.memory_space<hbm>> -> memref<16384x128xf32, #tpu.memory_space<hbm>>
      tpu.wait_indirect_dma semaphore(%arg7 : memref<!tpu.dma_semaphore, #tpu.memory_space<semaphore_mem>>) src(%dma_wait3A_79 : memref<16384x128xf32, #tpu.memory_space<hbm>>) dst(%dma_wait3A_73 : memref<128x128xf32, #tpu.memory_space<vmem>>)
      %dma_wait3A_80 = arith.constant 3 : i32
      %dma_wait3A_81 = arith.constant 384 : i32
      %dma_wait3A_82 = arith.constant 0 : i32
      %dma_wait3A_83 = tpu.memref_slice %arg6[%dma_wait3A_81, %dma_wait3A_82] : memref<512x128xf32, #tpu.memory_space<vmem>> -> memref<128x128xf32, #tpu.memory_space<vmem>>
      %dma_wait3A_84 = arith.constant 0 : i32
      %dma_wait3A_85 = tpu.memref_slice %arg5[%dma_wait3A_80, %dma_wait3A_84] : memref<4x128xi32, #tpu.memory_space<vmem>> -> memref<1x128xi32, #tpu.memory_space<vmem>>
      %dma_wait3A_86 = tpu.memref_squeeze %dma_wait3A_85 : memref<1x128xi32, #tpu.memory_space<vmem>> -> memref<128xi32, #tpu.memory_space<vmem>>
      %dma_wait3A_87 = arith.constant 0 : i32
      %dma_wait3A_88 = arith.constant 0 : i32
      %dma_wait3A_89 = tpu.memref_slice %arg2[%dma_wait3A_87, %dma_wait3A_88] : memref<16384x128xf32, #tpu.memory_space<hbm>> -> memref<16384x128xf32, #tpu.memory_space<hbm>>
      tpu.wait_indirect_dma semaphore(%arg7 : memref<!tpu.dma_semaphore, #tpu.memory_space<semaphore_mem>>) src(%dma_wait3A_89 : memref<16384x128xf32, #tpu.memory_space<hbm>>) dst(%dma_wait3A_83 : memref<128x128xf32, #tpu.memory_space<vmem>>)
      %mul3A_90 = arith.constant 20 : i32
      %mul3A_91 = arith.muli %add3A, %mul3A_90 : i32
      %add3A_92 = arith.addi %mul3A_91, %scan3A_6 : i32
      %mul3A_93 = arith.constant 512 : i32
      %mul3A_94 = arith.muli %add3A_92, %mul3A_93 : i32
      "tpu.region"() ({
        %run_scoped3A = tpu.sem_alloc : memref<!tpu.dma_semaphore, #tpu.memory_space<semaphore_mem>>
        %dma_start3A_95 = arith.constant 0 : i32
        %dma_start3A_96 = tpu.memref_slice %arg4[%mul3A_94, %dma_start3A_95] : memref<327680x128xf32, #tpu.memory_space<hbm>> -> memref<512x128xf32, #tpu.memory_space<hbm>>
        %dma_start3A_97 = arith.constant 0 : i32
        %dma_start3A_98 = tpu.memref_slice %arg4[%mul3A_94, %dma_start3A_97] : memref<327680x128xf32, #tpu.memory_space<hbm>> -> memref<512x128xf32, #tpu.memory_space<hbm>>
        tpu.enqueue_dma source(%arg6 : memref<512x128xf32, #tpu.memory_space<vmem>>) target(%dma_start3A_98 : memref<512x128xf32, #tpu.memory_space<hbm>>) target_semaphore(%run_scoped3A : memref<!tpu.dma_semaphore, #tpu.memory_space<semaphore_mem>>)
        %dma_wait3A_99 = arith.constant 0 : i32
        %dma_wait3A_100 = tpu.memref_slice %arg4[%mul3A_94, %dma_wait3A_99] : memref<327680x128xf32, #tpu.memory_space<hbm>> -> memref<512x128xf32, #tpu.memory_space<hbm>>
        %dma_wait3A_101 = arith.constant 0 : i32
        %dma_wait3A_102 = tpu.memref_slice %arg4[%mul3A_94, %dma_wait3A_101] : memref<327680x128xf32, #tpu.memory_space<hbm>> -> memref<512x128xf32, #tpu.memory_space<hbm>>
        tpu.wait_dma2 semaphore(%run_scoped3A : memref<!tpu.dma_semaphore, #tpu.memory_space<semaphore_mem>>) src(%arg6 : memref<512x128xf32, #tpu.memory_space<vmem>>) dst(%dma_wait3A_102 : memref<512x128xf32, #tpu.memory_space<hbm>>)
        tpu.yield
      }) : () -> ()
    }
    %scan3A_5 = arith.constant 20 : i32
    return
  }
}

module attributes {stable_mosaic.version = 14 : i64} {
  func.func @_knn_body(%arg0: i32, %arg1: i32, %arg2: memref<1x256x3xf32, #tpu.memory_space<vmem>>, %arg3: memref<1x3x2048xf32, #tpu.memory_space<vmem>>, %arg4: memref<1x256x20xi32, #tpu.memory_space<vmem>>) attributes {dimension_semantics = [#tpu.dimension_semantics<arbitrary>, #tpu.dimension_semantics<arbitrary>], iteration_bounds = array<i64: 8, 8>, scalar_prefetch = 0 : i64, scratch_operands = 0 : i64, tpu.core_type = #tpu.core_type<tc>, window_params = [{transform_indices = @transform_0, window_bounds = array<i64: 1, 256, 3>}, {transform_indices = @transform_1, window_bounds = array<i64: 1, 3, 2048>}, {transform_indices = @transform_2, window_bounds = array<i64: 1, 256, 20>}]} {
    %get3A = arith.constant 0 : index
    %get3A_0 = arith.constant 0 : index
    %get3A_1 = arith.constant 0 : index
    %get3A_2 = vector.load %arg2[%get3A, %get3A_0, %get3A_1] : memref<1x256x3xf32, #tpu.memory_space<vmem>>, vector<1x256x3xf32>
    %get3A_3 = vector.shape_cast %get3A_2 : vector<1x256x3xf32> to vector<256x3xf32>
    %get3A_4 = arith.constant 0 : index
    %get3A_5 = arith.constant 0 : index
    %get3A_6 = arith.constant 0 : index
    %get3A_7 = vector.load %arg3[%get3A_4, %get3A_5, %get3A_6] : memref<1x3x2048xf32, #tpu.memory_space<vmem>>, vector<1x3x2048xf32>
    %get3A_8 = vector.shape_cast %get3A_7 : vector<1x3x2048xf32> to vector<3x2048xf32>
    %dot_general3A = arith.constant dense<0.000000e+00> : vector<256x2048xf32>
    %dot_general3A_9 = tpu.matmul %get3A_3, %get3A_8, %dot_general3A {dimension_numbers = #tpu.dot_dimension_numbers<[1], [0], [0], [1], [0, 0, 1, 1], [], []>, transpose_lhs_hint = false} : vector<256x3xf32>, vector<3x2048xf32>, vector<256x2048xf32> -> vector<256x2048xf32>
    %mul3A = arith.mulf %get3A_3, %get3A_3 : vector<256x3xf32>
    %reduce_sum3A = arith.constant dense<0.000000e+00> : vector<256xf32>
    %reduce_sum3A_10 = vector.multi_reduction <add>, %mul3A, %reduce_sum3A [1] : vector<256x3xf32> to vector<256xf32>
    %broadcast_in_dim3A = vector.shape_cast %reduce_sum3A_10 : vector<256xf32> to vector<256x1xf32>
    %mul3A_11 = arith.mulf %get3A_8, %get3A_8 : vector<3x2048xf32>
    %reduce_sum3A_12 = arith.constant dense<0.000000e+00> : vector<2048xf32>
    %reduce_sum3A_13 = vector.multi_reduction <add>, %mul3A_11, %reduce_sum3A_12 [0] : vector<3x2048xf32> to vector<2048xf32>
    %broadcast_in_dim3A_14 = vector.shape_cast %reduce_sum3A_13 : vector<2048xf32> to vector<1x2048xf32>
    %add3A = vector.broadcast %broadcast_in_dim3A : vector<256x1xf32> to vector<256x2048xf32>
    %add3A_15 = vector.broadcast %broadcast_in_dim3A_14 : vector<1x2048xf32> to vector<256x2048xf32>
    %add3A_16 = arith.addf %add3A, %add3A_15 : vector<256x2048xf32>
    %mul3A_17 = arith.constant 2.000000e+00 : f32
    %mul3A_18 = vector.broadcast %mul3A_17 : f32 to vector<256x2048xf32>
    %mul3A_19 = arith.mulf %mul3A_18, %dot_general3A_9 : vector<256x2048xf32>
    %sub3A = arith.subf %add3A_16, %mul3A_19 : vector<256x2048xf32>
    %iota3A = tpu.iota {dimensions = array<i32: 1>} : vector<256x2048xi32>
    %reduce_min3A = arith.constant dense<0x7F800000> : vector<256xf32>
    %reduce_min3A_20 = vector.multi_reduction <minimumf>, %sub3A, %reduce_min3A [1] : vector<256x2048xf32> to vector<256xf32>
    %broadcast_in_dim3A_21 = vector.shape_cast %reduce_min3A_20 : vector<256xf32> to vector<256x1xf32>
    %le3A = vector.broadcast %broadcast_in_dim3A_21 : vector<256x1xf32> to vector<256x2048xf32>
    %le3A_22 = arith.cmpf ole, %sub3A, %le3A : vector<256x2048xf32>
    %jit3A = arith.constant 2048 : i32
    %broadcast_in_dim3A_23 = vector.broadcast %jit3A : i32 to vector<256x2048xi32>
    %select_n3A = arith.select %le3A_22, %iota3A, %broadcast_in_dim3A_23 : vector<256x2048xi1>, vector<256x2048xi32>
    %reduce_min3A_24 = arith.constant dense<2147483647> : vector<256xi32>
    %reduce_min3A_25 = vector.multi_reduction <minsi>, %select_n3A, %reduce_min3A_24 [1] : vector<256x2048xi32> to vector<256xi32>
    %broadcast_in_dim3A_26 = vector.shape_cast %reduce_min3A_25 : vector<256xi32> to vector<256x1xi32>
    %eq3A = vector.broadcast %broadcast_in_dim3A_26 : vector<256x1xi32> to vector<256x2048xi32>
    %eq3A_27 = arith.cmpi eq, %iota3A, %eq3A : vector<256x2048xi32>
    %jit3A_28 = arith.constant 0x7F800000 : f32
    %broadcast_in_dim3A_29 = vector.broadcast %jit3A_28 : f32 to vector<256x2048xf32>
    %select_n3A_30 = arith.select %eq3A_27, %broadcast_in_dim3A_29, %sub3A : vector<256x2048xi1>, vector<256x2048xf32>
    %reduce_min3A_31 = arith.constant dense<0x7F800000> : vector<256xf32>
    %reduce_min3A_32 = vector.multi_reduction <minimumf>, %select_n3A_30, %reduce_min3A_31 [1] : vector<256x2048xf32> to vector<256xf32>
    %broadcast_in_dim3A_33 = vector.shape_cast %reduce_min3A_32 : vector<256xf32> to vector<256x1xf32>
    %le3A_34 = vector.broadcast %broadcast_in_dim3A_33 : vector<256x1xf32> to vector<256x2048xf32>
    %le3A_35 = arith.cmpf ole, %select_n3A_30, %le3A_34 : vector<256x2048xf32>
    %jit3A_36 = arith.constant 2048 : i32
    %broadcast_in_dim3A_37 = vector.broadcast %jit3A_36 : i32 to vector<256x2048xi32>
    %select_n3A_38 = arith.select %le3A_35, %iota3A, %broadcast_in_dim3A_37 : vector<256x2048xi1>, vector<256x2048xi32>
    %reduce_min3A_39 = arith.constant dense<2147483647> : vector<256xi32>
    %reduce_min3A_40 = vector.multi_reduction <minsi>, %select_n3A_38, %reduce_min3A_39 [1] : vector<256x2048xi32> to vector<256xi32>
    %broadcast_in_dim3A_41 = vector.shape_cast %reduce_min3A_40 : vector<256xi32> to vector<256x1xi32>
    %eq3A_42 = vector.broadcast %broadcast_in_dim3A_41 : vector<256x1xi32> to vector<256x2048xi32>
    %eq3A_43 = arith.cmpi eq, %iota3A, %eq3A_42 : vector<256x2048xi32>
    %jit3A_44 = arith.constant 0x7F800000 : f32
    %broadcast_in_dim3A_45 = vector.broadcast %jit3A_44 : f32 to vector<256x2048xf32>
    %select_n3A_46 = arith.select %eq3A_43, %broadcast_in_dim3A_45, %select_n3A_30 : vector<256x2048xi1>, vector<256x2048xf32>
    %reduce_min3A_47 = arith.constant dense<0x7F800000> : vector<256xf32>
    %reduce_min3A_48 = vector.multi_reduction <minimumf>, %select_n3A_46, %reduce_min3A_47 [1] : vector<256x2048xf32> to vector<256xf32>
    %broadcast_in_dim3A_49 = vector.shape_cast %reduce_min3A_48 : vector<256xf32> to vector<256x1xf32>
    %le3A_50 = vector.broadcast %broadcast_in_dim3A_49 : vector<256x1xf32> to vector<256x2048xf32>
    %le3A_51 = arith.cmpf ole, %select_n3A_46, %le3A_50 : vector<256x2048xf32>
    %jit3A_52 = arith.constant 2048 : i32
    %broadcast_in_dim3A_53 = vector.broadcast %jit3A_52 : i32 to vector<256x2048xi32>
    %select_n3A_54 = arith.select %le3A_51, %iota3A, %broadcast_in_dim3A_53 : vector<256x2048xi1>, vector<256x2048xi32>
    %reduce_min3A_55 = arith.constant dense<2147483647> : vector<256xi32>
    %reduce_min3A_56 = vector.multi_reduction <minsi>, %select_n3A_54, %reduce_min3A_55 [1] : vector<256x2048xi32> to vector<256xi32>
    %broadcast_in_dim3A_57 = vector.shape_cast %reduce_min3A_56 : vector<256xi32> to vector<256x1xi32>
    %eq3A_58 = vector.broadcast %broadcast_in_dim3A_57 : vector<256x1xi32> to vector<256x2048xi32>
    %eq3A_59 = arith.cmpi eq, %iota3A, %eq3A_58 : vector<256x2048xi32>
    %jit3A_60 = arith.constant 0x7F800000 : f32
    %broadcast_in_dim3A_61 = vector.broadcast %jit3A_60 : f32 to vector<256x2048xf32>
    %select_n3A_62 = arith.select %eq3A_59, %broadcast_in_dim3A_61, %select_n3A_46 : vector<256x2048xi1>, vector<256x2048xf32>
    %reduce_min3A_63 = arith.constant dense<0x7F800000> : vector<256xf32>
    %reduce_min3A_64 = vector.multi_reduction <minimumf>, %select_n3A_62, %reduce_min3A_63 [1] : vector<256x2048xf32> to vector<256xf32>
    %broadcast_in_dim3A_65 = vector.shape_cast %reduce_min3A_64 : vector<256xf32> to vector<256x1xf32>
    %le3A_66 = vector.broadcast %broadcast_in_dim3A_65 : vector<256x1xf32> to vector<256x2048xf32>
    %le3A_67 = arith.cmpf ole, %select_n3A_62, %le3A_66 : vector<256x2048xf32>
    %jit3A_68 = arith.constant 2048 : i32
    %broadcast_in_dim3A_69 = vector.broadcast %jit3A_68 : i32 to vector<256x2048xi32>
    %select_n3A_70 = arith.select %le3A_67, %iota3A, %broadcast_in_dim3A_69 : vector<256x2048xi1>, vector<256x2048xi32>
    %reduce_min3A_71 = arith.constant dense<2147483647> : vector<256xi32>
    %reduce_min3A_72 = vector.multi_reduction <minsi>, %select_n3A_70, %reduce_min3A_71 [1] : vector<256x2048xi32> to vector<256xi32>
    %broadcast_in_dim3A_73 = vector.shape_cast %reduce_min3A_72 : vector<256xi32> to vector<256x1xi32>
    %eq3A_74 = vector.broadcast %broadcast_in_dim3A_73 : vector<256x1xi32> to vector<256x2048xi32>
    %eq3A_75 = arith.cmpi eq, %iota3A, %eq3A_74 : vector<256x2048xi32>
    %jit3A_76 = arith.constant 0x7F800000 : f32
    %broadcast_in_dim3A_77 = vector.broadcast %jit3A_76 : f32 to vector<256x2048xf32>
    %select_n3A_78 = arith.select %eq3A_75, %broadcast_in_dim3A_77, %select_n3A_62 : vector<256x2048xi1>, vector<256x2048xf32>
    %reduce_min3A_79 = arith.constant dense<0x7F800000> : vector<256xf32>
    %reduce_min3A_80 = vector.multi_reduction <minimumf>, %select_n3A_78, %reduce_min3A_79 [1] : vector<256x2048xf32> to vector<256xf32>
    %broadcast_in_dim3A_81 = vector.shape_cast %reduce_min3A_80 : vector<256xf32> to vector<256x1xf32>
    %le3A_82 = vector.broadcast %broadcast_in_dim3A_81 : vector<256x1xf32> to vector<256x2048xf32>
    %le3A_83 = arith.cmpf ole, %select_n3A_78, %le3A_82 : vector<256x2048xf32>
    %jit3A_84 = arith.constant 2048 : i32
    %broadcast_in_dim3A_85 = vector.broadcast %jit3A_84 : i32 to vector<256x2048xi32>
    %select_n3A_86 = arith.select %le3A_83, %iota3A, %broadcast_in_dim3A_85 : vector<256x2048xi1>, vector<256x2048xi32>
    %reduce_min3A_87 = arith.constant dense<2147483647> : vector<256xi32>
    %reduce_min3A_88 = vector.multi_reduction <minsi>, %select_n3A_86, %reduce_min3A_87 [1] : vector<256x2048xi32> to vector<256xi32>
    %broadcast_in_dim3A_89 = vector.shape_cast %reduce_min3A_88 : vector<256xi32> to vector<256x1xi32>
    %eq3A_90 = vector.broadcast %broadcast_in_dim3A_89 : vector<256x1xi32> to vector<256x2048xi32>
    %eq3A_91 = arith.cmpi eq, %iota3A, %eq3A_90 : vector<256x2048xi32>
    %jit3A_92 = arith.constant 0x7F800000 : f32
    %broadcast_in_dim3A_93 = vector.broadcast %jit3A_92 : f32 to vector<256x2048xf32>
    %select_n3A_94 = arith.select %eq3A_91, %broadcast_in_dim3A_93, %select_n3A_78 : vector<256x2048xi1>, vector<256x2048xf32>
    %reduce_min3A_95 = arith.constant dense<0x7F800000> : vector<256xf32>
    %reduce_min3A_96 = vector.multi_reduction <minimumf>, %select_n3A_94, %reduce_min3A_95 [1] : vector<256x2048xf32> to vector<256xf32>
    %broadcast_in_dim3A_97 = vector.shape_cast %reduce_min3A_96 : vector<256xf32> to vector<256x1xf32>
    %le3A_98 = vector.broadcast %broadcast_in_dim3A_97 : vector<256x1xf32> to vector<256x2048xf32>
    %le3A_99 = arith.cmpf ole, %select_n3A_94, %le3A_98 : vector<256x2048xf32>
    %jit3A_100 = arith.constant 2048 : i32
    %broadcast_in_dim3A_101 = vector.broadcast %jit3A_100 : i32 to vector<256x2048xi32>
    %select_n3A_102 = arith.select %le3A_99, %iota3A, %broadcast_in_dim3A_101 : vector<256x2048xi1>, vector<256x2048xi32>
    %reduce_min3A_103 = arith.constant dense<2147483647> : vector<256xi32>
    %reduce_min3A_104 = vector.multi_reduction <minsi>, %select_n3A_102, %reduce_min3A_103 [1] : vector<256x2048xi32> to vector<256xi32>
    %broadcast_in_dim3A_105 = vector.shape_cast %reduce_min3A_104 : vector<256xi32> to vector<256x1xi32>
    %eq3A_106 = vector.broadcast %broadcast_in_dim3A_105 : vector<256x1xi32> to vector<256x2048xi32>
    %eq3A_107 = arith.cmpi eq, %iota3A, %eq3A_106 : vector<256x2048xi32>
    %jit3A_108 = arith.constant 0x7F800000 : f32
    %broadcast_in_dim3A_109 = vector.broadcast %jit3A_108 : f32 to vector<256x2048xf32>
    %select_n3A_110 = arith.select %eq3A_107, %broadcast_in_dim3A_109, %select_n3A_94 : vector<256x2048xi1>, vector<256x2048xf32>
    %reduce_min3A_111 = arith.constant dense<0x7F800000> : vector<256xf32>
    %reduce_min3A_112 = vector.multi_reduction <minimumf>, %select_n3A_110, %reduce_min3A_111 [1] : vector<256x2048xf32> to vector<256xf32>
    %broadcast_in_dim3A_113 = vector.shape_cast %reduce_min3A_112 : vector<256xf32> to vector<256x1xf32>
    %le3A_114 = vector.broadcast %broadcast_in_dim3A_113 : vector<256x1xf32> to vector<256x2048xf32>
    %le3A_115 = arith.cmpf ole, %select_n3A_110, %le3A_114 : vector<256x2048xf32>
    %jit3A_116 = arith.constant 2048 : i32
    %broadcast_in_dim3A_117 = vector.broadcast %jit3A_116 : i32 to vector<256x2048xi32>
    %select_n3A_118 = arith.select %le3A_115, %iota3A, %broadcast_in_dim3A_117 : vector<256x2048xi1>, vector<256x2048xi32>
    %reduce_min3A_119 = arith.constant dense<2147483647> : vector<256xi32>
    %reduce_min3A_120 = vector.multi_reduction <minsi>, %select_n3A_118, %reduce_min3A_119 [1] : vector<256x2048xi32> to vector<256xi32>
    %broadcast_in_dim3A_121 = vector.shape_cast %reduce_min3A_120 : vector<256xi32> to vector<256x1xi32>
    %eq3A_122 = vector.broadcast %broadcast_in_dim3A_121 : vector<256x1xi32> to vector<256x2048xi32>
    %eq3A_123 = arith.cmpi eq, %iota3A, %eq3A_122 : vector<256x2048xi32>
    %jit3A_124 = arith.constant 0x7F800000 : f32
    %broadcast_in_dim3A_125 = vector.broadcast %jit3A_124 : f32 to vector<256x2048xf32>
    %select_n3A_126 = arith.select %eq3A_123, %broadcast_in_dim3A_125, %select_n3A_110 : vector<256x2048xi1>, vector<256x2048xf32>
    %reduce_min3A_127 = arith.constant dense<0x7F800000> : vector<256xf32>
    %reduce_min3A_128 = vector.multi_reduction <minimumf>, %select_n3A_126, %reduce_min3A_127 [1] : vector<256x2048xf32> to vector<256xf32>
    %broadcast_in_dim3A_129 = vector.shape_cast %reduce_min3A_128 : vector<256xf32> to vector<256x1xf32>
    %le3A_130 = vector.broadcast %broadcast_in_dim3A_129 : vector<256x1xf32> to vector<256x2048xf32>
    %le3A_131 = arith.cmpf ole, %select_n3A_126, %le3A_130 : vector<256x2048xf32>
    %jit3A_132 = arith.constant 2048 : i32
    %broadcast_in_dim3A_133 = vector.broadcast %jit3A_132 : i32 to vector<256x2048xi32>
    %select_n3A_134 = arith.select %le3A_131, %iota3A, %broadcast_in_dim3A_133 : vector<256x2048xi1>, vector<256x2048xi32>
    %reduce_min3A_135 = arith.constant dense<2147483647> : vector<256xi32>
    %reduce_min3A_136 = vector.multi_reduction <minsi>, %select_n3A_134, %reduce_min3A_135 [1] : vector<256x2048xi32> to vector<256xi32>
    %broadcast_in_dim3A_137 = vector.shape_cast %reduce_min3A_136 : vector<256xi32> to vector<256x1xi32>
    %eq3A_138 = vector.broadcast %broadcast_in_dim3A_137 : vector<256x1xi32> to vector<256x2048xi32>
    %eq3A_139 = arith.cmpi eq, %iota3A, %eq3A_138 : vector<256x2048xi32>
    %jit3A_140 = arith.constant 0x7F800000 : f32
    %broadcast_in_dim3A_141 = vector.broadcast %jit3A_140 : f32 to vector<256x2048xf32>
    %select_n3A_142 = arith.select %eq3A_139, %broadcast_in_dim3A_141, %select_n3A_126 : vector<256x2048xi1>, vector<256x2048xf32>
    %reduce_min3A_143 = arith.constant dense<0x7F800000> : vector<256xf32>
    %reduce_min3A_144 = vector.multi_reduction <minimumf>, %select_n3A_142, %reduce_min3A_143 [1] : vector<256x2048xf32> to vector<256xf32>
    %broadcast_in_dim3A_145 = vector.shape_cast %reduce_min3A_144 : vector<256xf32> to vector<256x1xf32>
    %le3A_146 = vector.broadcast %broadcast_in_dim3A_145 : vector<256x1xf32> to vector<256x2048xf32>
    %le3A_147 = arith.cmpf ole, %select_n3A_142, %le3A_146 : vector<256x2048xf32>
    %jit3A_148 = arith.constant 2048 : i32
    %broadcast_in_dim3A_149 = vector.broadcast %jit3A_148 : i32 to vector<256x2048xi32>
    %select_n3A_150 = arith.select %le3A_147, %iota3A, %broadcast_in_dim3A_149 : vector<256x2048xi1>, vector<256x2048xi32>
    %reduce_min3A_151 = arith.constant dense<2147483647> : vector<256xi32>
    %reduce_min3A_152 = vector.multi_reduction <minsi>, %select_n3A_150, %reduce_min3A_151 [1] : vector<256x2048xi32> to vector<256xi32>
    %broadcast_in_dim3A_153 = vector.shape_cast %reduce_min3A_152 : vector<256xi32> to vector<256x1xi32>
    %eq3A_154 = vector.broadcast %broadcast_in_dim3A_153 : vector<256x1xi32> to vector<256x2048xi32>
    %eq3A_155 = arith.cmpi eq, %iota3A, %eq3A_154 : vector<256x2048xi32>
    %jit3A_156 = arith.constant 0x7F800000 : f32
    %broadcast_in_dim3A_157 = vector.broadcast %jit3A_156 : f32 to vector<256x2048xf32>
    %select_n3A_158 = arith.select %eq3A_155, %broadcast_in_dim3A_157, %select_n3A_142 : vector<256x2048xi1>, vector<256x2048xf32>
    %reduce_min3A_159 = arith.constant dense<0x7F800000> : vector<256xf32>
    %reduce_min3A_160 = vector.multi_reduction <minimumf>, %select_n3A_158, %reduce_min3A_159 [1] : vector<256x2048xf32> to vector<256xf32>
    %broadcast_in_dim3A_161 = vector.shape_cast %reduce_min3A_160 : vector<256xf32> to vector<256x1xf32>
    %le3A_162 = vector.broadcast %broadcast_in_dim3A_161 : vector<256x1xf32> to vector<256x2048xf32>
    %le3A_163 = arith.cmpf ole, %select_n3A_158, %le3A_162 : vector<256x2048xf32>
    %jit3A_164 = arith.constant 2048 : i32
    %broadcast_in_dim3A_165 = vector.broadcast %jit3A_164 : i32 to vector<256x2048xi32>
    %select_n3A_166 = arith.select %le3A_163, %iota3A, %broadcast_in_dim3A_165 : vector<256x2048xi1>, vector<256x2048xi32>
    %reduce_min3A_167 = arith.constant dense<2147483647> : vector<256xi32>
    %reduce_min3A_168 = vector.multi_reduction <minsi>, %select_n3A_166, %reduce_min3A_167 [1] : vector<256x2048xi32> to vector<256xi32>
    %broadcast_in_dim3A_169 = vector.shape_cast %reduce_min3A_168 : vector<256xi32> to vector<256x1xi32>
    %eq3A_170 = vector.broadcast %broadcast_in_dim3A_169 : vector<256x1xi32> to vector<256x2048xi32>
    %eq3A_171 = arith.cmpi eq, %iota3A, %eq3A_170 : vector<256x2048xi32>
    %jit3A_172 = arith.constant 0x7F800000 : f32
    %broadcast_in_dim3A_173 = vector.broadcast %jit3A_172 : f32 to vector<256x2048xf32>
    %select_n3A_174 = arith.select %eq3A_171, %broadcast_in_dim3A_173, %select_n3A_158 : vector<256x2048xi1>, vector<256x2048xf32>
    %reduce_min3A_175 = arith.constant dense<0x7F800000> : vector<256xf32>
    %reduce_min3A_176 = vector.multi_reduction <minimumf>, %select_n3A_174, %reduce_min3A_175 [1] : vector<256x2048xf32> to vector<256xf32>
    %broadcast_in_dim3A_177 = vector.shape_cast %reduce_min3A_176 : vector<256xf32> to vector<256x1xf32>
    %le3A_178 = vector.broadcast %broadcast_in_dim3A_177 : vector<256x1xf32> to vector<256x2048xf32>
    %le3A_179 = arith.cmpf ole, %select_n3A_174, %le3A_178 : vector<256x2048xf32>
    %jit3A_180 = arith.constant 2048 : i32
    %broadcast_in_dim3A_181 = vector.broadcast %jit3A_180 : i32 to vector<256x2048xi32>
    %select_n3A_182 = arith.select %le3A_179, %iota3A, %broadcast_in_dim3A_181 : vector<256x2048xi1>, vector<256x2048xi32>
    %reduce_min3A_183 = arith.constant dense<2147483647> : vector<256xi32>
    %reduce_min3A_184 = vector.multi_reduction <minsi>, %select_n3A_182, %reduce_min3A_183 [1] : vector<256x2048xi32> to vector<256xi32>
    %broadcast_in_dim3A_185 = vector.shape_cast %reduce_min3A_184 : vector<256xi32> to vector<256x1xi32>
    %eq3A_186 = vector.broadcast %broadcast_in_dim3A_185 : vector<256x1xi32> to vector<256x2048xi32>
    %eq3A_187 = arith.cmpi eq, %iota3A, %eq3A_186 : vector<256x2048xi32>
    %jit3A_188 = arith.constant 0x7F800000 : f32
    %broadcast_in_dim3A_189 = vector.broadcast %jit3A_188 : f32 to vector<256x2048xf32>
    %select_n3A_190 = arith.select %eq3A_187, %broadcast_in_dim3A_189, %select_n3A_174 : vector<256x2048xi1>, vector<256x2048xf32>
    %reduce_min3A_191 = arith.constant dense<0x7F800000> : vector<256xf32>
    %reduce_min3A_192 = vector.multi_reduction <minimumf>, %select_n3A_190, %reduce_min3A_191 [1] : vector<256x2048xf32> to vector<256xf32>
    %broadcast_in_dim3A_193 = vector.shape_cast %reduce_min3A_192 : vector<256xf32> to vector<256x1xf32>
    %le3A_194 = vector.broadcast %broadcast_in_dim3A_193 : vector<256x1xf32> to vector<256x2048xf32>
    %le3A_195 = arith.cmpf ole, %select_n3A_190, %le3A_194 : vector<256x2048xf32>
    %jit3A_196 = arith.constant 2048 : i32
    %broadcast_in_dim3A_197 = vector.broadcast %jit3A_196 : i32 to vector<256x2048xi32>
    %select_n3A_198 = arith.select %le3A_195, %iota3A, %broadcast_in_dim3A_197 : vector<256x2048xi1>, vector<256x2048xi32>
    %reduce_min3A_199 = arith.constant dense<2147483647> : vector<256xi32>
    %reduce_min3A_200 = vector.multi_reduction <minsi>, %select_n3A_198, %reduce_min3A_199 [1] : vector<256x2048xi32> to vector<256xi32>
    %broadcast_in_dim3A_201 = vector.shape_cast %reduce_min3A_200 : vector<256xi32> to vector<256x1xi32>
    %eq3A_202 = vector.broadcast %broadcast_in_dim3A_201 : vector<256x1xi32> to vector<256x2048xi32>
    %eq3A_203 = arith.cmpi eq, %iota3A, %eq3A_202 : vector<256x2048xi32>
    %jit3A_204 = arith.constant 0x7F800000 : f32
    %broadcast_in_dim3A_205 = vector.broadcast %jit3A_204 : f32 to vector<256x2048xf32>
    %select_n3A_206 = arith.select %eq3A_203, %broadcast_in_dim3A_205, %select_n3A_190 : vector<256x2048xi1>, vector<256x2048xf32>
    %reduce_min3A_207 = arith.constant dense<0x7F800000> : vector<256xf32>
    %reduce_min3A_208 = vector.multi_reduction <minimumf>, %select_n3A_206, %reduce_min3A_207 [1] : vector<256x2048xf32> to vector<256xf32>
    %broadcast_in_dim3A_209 = vector.shape_cast %reduce_min3A_208 : vector<256xf32> to vector<256x1xf32>
    %le3A_210 = vector.broadcast %broadcast_in_dim3A_209 : vector<256x1xf32> to vector<256x2048xf32>
    %le3A_211 = arith.cmpf ole, %select_n3A_206, %le3A_210 : vector<256x2048xf32>
    %jit3A_212 = arith.constant 2048 : i32
    %broadcast_in_dim3A_213 = vector.broadcast %jit3A_212 : i32 to vector<256x2048xi32>
    %select_n3A_214 = arith.select %le3A_211, %iota3A, %broadcast_in_dim3A_213 : vector<256x2048xi1>, vector<256x2048xi32>
    %reduce_min3A_215 = arith.constant dense<2147483647> : vector<256xi32>
    %reduce_min3A_216 = vector.multi_reduction <minsi>, %select_n3A_214, %reduce_min3A_215 [1] : vector<256x2048xi32> to vector<256xi32>
    %broadcast_in_dim3A_217 = vector.shape_cast %reduce_min3A_216 : vector<256xi32> to vector<256x1xi32>
    %eq3A_218 = vector.broadcast %broadcast_in_dim3A_217 : vector<256x1xi32> to vector<256x2048xi32>
    %eq3A_219 = arith.cmpi eq, %iota3A, %eq3A_218 : vector<256x2048xi32>
    %jit3A_220 = arith.constant 0x7F800000 : f32
    %broadcast_in_dim3A_221 = vector.broadcast %jit3A_220 : f32 to vector<256x2048xf32>
    %select_n3A_222 = arith.select %eq3A_219, %broadcast_in_dim3A_221, %select_n3A_206 : vector<256x2048xi1>, vector<256x2048xf32>
    %reduce_min3A_223 = arith.constant dense<0x7F800000> : vector<256xf32>
    %reduce_min3A_224 = vector.multi_reduction <minimumf>, %select_n3A_222, %reduce_min3A_223 [1] : vector<256x2048xf32> to vector<256xf32>
    %broadcast_in_dim3A_225 = vector.shape_cast %reduce_min3A_224 : vector<256xf32> to vector<256x1xf32>
    %le3A_226 = vector.broadcast %broadcast_in_dim3A_225 : vector<256x1xf32> to vector<256x2048xf32>
    %le3A_227 = arith.cmpf ole, %select_n3A_222, %le3A_226 : vector<256x2048xf32>
    %jit3A_228 = arith.constant 2048 : i32
    %broadcast_in_dim3A_229 = vector.broadcast %jit3A_228 : i32 to vector<256x2048xi32>
    %select_n3A_230 = arith.select %le3A_227, %iota3A, %broadcast_in_dim3A_229 : vector<256x2048xi1>, vector<256x2048xi32>
    %reduce_min3A_231 = arith.constant dense<2147483647> : vector<256xi32>
    %reduce_min3A_232 = vector.multi_reduction <minsi>, %select_n3A_230, %reduce_min3A_231 [1] : vector<256x2048xi32> to vector<256xi32>
    %broadcast_in_dim3A_233 = vector.shape_cast %reduce_min3A_232 : vector<256xi32> to vector<256x1xi32>
    %eq3A_234 = vector.broadcast %broadcast_in_dim3A_233 : vector<256x1xi32> to vector<256x2048xi32>
    %eq3A_235 = arith.cmpi eq, %iota3A, %eq3A_234 : vector<256x2048xi32>
    %jit3A_236 = arith.constant 0x7F800000 : f32
    %broadcast_in_dim3A_237 = vector.broadcast %jit3A_236 : f32 to vector<256x2048xf32>
    %select_n3A_238 = arith.select %eq3A_235, %broadcast_in_dim3A_237, %select_n3A_222 : vector<256x2048xi1>, vector<256x2048xf32>
    %reduce_min3A_239 = arith.constant dense<0x7F800000> : vector<256xf32>
    %reduce_min3A_240 = vector.multi_reduction <minimumf>, %select_n3A_238, %reduce_min3A_239 [1] : vector<256x2048xf32> to vector<256xf32>
    %broadcast_in_dim3A_241 = vector.shape_cast %reduce_min3A_240 : vector<256xf32> to vector<256x1xf32>
    %le3A_242 = vector.broadcast %broadcast_in_dim3A_241 : vector<256x1xf32> to vector<256x2048xf32>
    %le3A_243 = arith.cmpf ole, %select_n3A_238, %le3A_242 : vector<256x2048xf32>
    %jit3A_244 = arith.constant 2048 : i32
    %broadcast_in_dim3A_245 = vector.broadcast %jit3A_244 : i32 to vector<256x2048xi32>
    %select_n3A_246 = arith.select %le3A_243, %iota3A, %broadcast_in_dim3A_245 : vector<256x2048xi1>, vector<256x2048xi32>
    %reduce_min3A_247 = arith.constant dense<2147483647> : vector<256xi32>
    %reduce_min3A_248 = vector.multi_reduction <minsi>, %select_n3A_246, %reduce_min3A_247 [1] : vector<256x2048xi32> to vector<256xi32>
    %broadcast_in_dim3A_249 = vector.shape_cast %reduce_min3A_248 : vector<256xi32> to vector<256x1xi32>
    %eq3A_250 = vector.broadcast %broadcast_in_dim3A_249 : vector<256x1xi32> to vector<256x2048xi32>
    %eq3A_251 = arith.cmpi eq, %iota3A, %eq3A_250 : vector<256x2048xi32>
    %jit3A_252 = arith.constant 0x7F800000 : f32
    %broadcast_in_dim3A_253 = vector.broadcast %jit3A_252 : f32 to vector<256x2048xf32>
    %select_n3A_254 = arith.select %eq3A_251, %broadcast_in_dim3A_253, %select_n3A_238 : vector<256x2048xi1>, vector<256x2048xf32>
    %reduce_min3A_255 = arith.constant dense<0x7F800000> : vector<256xf32>
    %reduce_min3A_256 = vector.multi_reduction <minimumf>, %select_n3A_254, %reduce_min3A_255 [1] : vector<256x2048xf32> to vector<256xf32>
    %broadcast_in_dim3A_257 = vector.shape_cast %reduce_min3A_256 : vector<256xf32> to vector<256x1xf32>
    %le3A_258 = vector.broadcast %broadcast_in_dim3A_257 : vector<256x1xf32> to vector<256x2048xf32>
    %le3A_259 = arith.cmpf ole, %select_n3A_254, %le3A_258 : vector<256x2048xf32>
    %jit3A_260 = arith.constant 2048 : i32
    %broadcast_in_dim3A_261 = vector.broadcast %jit3A_260 : i32 to vector<256x2048xi32>
    %select_n3A_262 = arith.select %le3A_259, %iota3A, %broadcast_in_dim3A_261 : vector<256x2048xi1>, vector<256x2048xi32>
    %reduce_min3A_263 = arith.constant dense<2147483647> : vector<256xi32>
    %reduce_min3A_264 = vector.multi_reduction <minsi>, %select_n3A_262, %reduce_min3A_263 [1] : vector<256x2048xi32> to vector<256xi32>
    %broadcast_in_dim3A_265 = vector.shape_cast %reduce_min3A_264 : vector<256xi32> to vector<256x1xi32>
    %eq3A_266 = vector.broadcast %broadcast_in_dim3A_265 : vector<256x1xi32> to vector<256x2048xi32>
    %eq3A_267 = arith.cmpi eq, %iota3A, %eq3A_266 : vector<256x2048xi32>
    %jit3A_268 = arith.constant 0x7F800000 : f32
    %broadcast_in_dim3A_269 = vector.broadcast %jit3A_268 : f32 to vector<256x2048xf32>
    %select_n3A_270 = arith.select %eq3A_267, %broadcast_in_dim3A_269, %select_n3A_254 : vector<256x2048xi1>, vector<256x2048xf32>
    %reduce_min3A_271 = arith.constant dense<0x7F800000> : vector<256xf32>
    %reduce_min3A_272 = vector.multi_reduction <minimumf>, %select_n3A_270, %reduce_min3A_271 [1] : vector<256x2048xf32> to vector<256xf32>
    %broadcast_in_dim3A_273 = vector.shape_cast %reduce_min3A_272 : vector<256xf32> to vector<256x1xf32>
    %le3A_274 = vector.broadcast %broadcast_in_dim3A_273 : vector<256x1xf32> to vector<256x2048xf32>
    %le3A_275 = arith.cmpf ole, %select_n3A_270, %le3A_274 : vector<256x2048xf32>
    %jit3A_276 = arith.constant 2048 : i32
    %broadcast_in_dim3A_277 = vector.broadcast %jit3A_276 : i32 to vector<256x2048xi32>
    %select_n3A_278 = arith.select %le3A_275, %iota3A, %broadcast_in_dim3A_277 : vector<256x2048xi1>, vector<256x2048xi32>
    %reduce_min3A_279 = arith.constant dense<2147483647> : vector<256xi32>
    %reduce_min3A_280 = vector.multi_reduction <minsi>, %select_n3A_278, %reduce_min3A_279 [1] : vector<256x2048xi32> to vector<256xi32>
    %broadcast_in_dim3A_281 = vector.shape_cast %reduce_min3A_280 : vector<256xi32> to vector<256x1xi32>
    %eq3A_282 = vector.broadcast %broadcast_in_dim3A_281 : vector<256x1xi32> to vector<256x2048xi32>
    %eq3A_283 = arith.cmpi eq, %iota3A, %eq3A_282 : vector<256x2048xi32>
    %jit3A_284 = arith.constant 0x7F800000 : f32
    %broadcast_in_dim3A_285 = vector.broadcast %jit3A_284 : f32 to vector<256x2048xf32>
    %select_n3A_286 = arith.select %eq3A_283, %broadcast_in_dim3A_285, %select_n3A_270 : vector<256x2048xi1>, vector<256x2048xf32>
    %reduce_min3A_287 = arith.constant dense<0x7F800000> : vector<256xf32>
    %reduce_min3A_288 = vector.multi_reduction <minimumf>, %select_n3A_286, %reduce_min3A_287 [1] : vector<256x2048xf32> to vector<256xf32>
    %broadcast_in_dim3A_289 = vector.shape_cast %reduce_min3A_288 : vector<256xf32> to vector<256x1xf32>
    %le3A_290 = vector.broadcast %broadcast_in_dim3A_289 : vector<256x1xf32> to vector<256x2048xf32>
    %le3A_291 = arith.cmpf ole, %select_n3A_286, %le3A_290 : vector<256x2048xf32>
    %jit3A_292 = arith.constant 2048 : i32
    %broadcast_in_dim3A_293 = vector.broadcast %jit3A_292 : i32 to vector<256x2048xi32>
    %select_n3A_294 = arith.select %le3A_291, %iota3A, %broadcast_in_dim3A_293 : vector<256x2048xi1>, vector<256x2048xi32>
    %reduce_min3A_295 = arith.constant dense<2147483647> : vector<256xi32>
    %reduce_min3A_296 = vector.multi_reduction <minsi>, %select_n3A_294, %reduce_min3A_295 [1] : vector<256x2048xi32> to vector<256xi32>
    %broadcast_in_dim3A_297 = vector.shape_cast %reduce_min3A_296 : vector<256xi32> to vector<256x1xi32>
    %eq3A_298 = vector.broadcast %broadcast_in_dim3A_297 : vector<256x1xi32> to vector<256x2048xi32>
    %eq3A_299 = arith.cmpi eq, %iota3A, %eq3A_298 : vector<256x2048xi32>
    %jit3A_300 = arith.constant 0x7F800000 : f32
    %broadcast_in_dim3A_301 = vector.broadcast %jit3A_300 : f32 to vector<256x2048xf32>
    %select_n3A_302 = arith.select %eq3A_299, %broadcast_in_dim3A_301, %select_n3A_286 : vector<256x2048xi1>, vector<256x2048xf32>
    %reduce_min3A_303 = arith.constant dense<0x7F800000> : vector<256xf32>
    %reduce_min3A_304 = vector.multi_reduction <minimumf>, %select_n3A_302, %reduce_min3A_303 [1] : vector<256x2048xf32> to vector<256xf32>
    %broadcast_in_dim3A_305 = vector.shape_cast %reduce_min3A_304 : vector<256xf32> to vector<256x1xf32>
    %le3A_306 = vector.broadcast %broadcast_in_dim3A_305 : vector<256x1xf32> to vector<256x2048xf32>
    %le3A_307 = arith.cmpf ole, %select_n3A_302, %le3A_306 : vector<256x2048xf32>
    %jit3A_308 = arith.constant 2048 : i32
    %broadcast_in_dim3A_309 = vector.broadcast %jit3A_308 : i32 to vector<256x2048xi32>
    %select_n3A_310 = arith.select %le3A_307, %iota3A, %broadcast_in_dim3A_309 : vector<256x2048xi1>, vector<256x2048xi32>
    %reduce_min3A_311 = arith.constant dense<2147483647> : vector<256xi32>
    %reduce_min3A_312 = vector.multi_reduction <minsi>, %select_n3A_310, %reduce_min3A_311 [1] : vector<256x2048xi32> to vector<256xi32>
    %broadcast_in_dim3A_313 = vector.shape_cast %reduce_min3A_312 : vector<256xi32> to vector<256x1xi32>
    %eq3A_314 = vector.broadcast %broadcast_in_dim3A_313 : vector<256x1xi32> to vector<256x2048xi32>
    %eq3A_315 = arith.cmpi eq, %iota3A, %eq3A_314 : vector<256x2048xi32>
    %jit3A_316 = arith.constant 0x7F800000 : f32
    %broadcast_in_dim3A_317 = vector.broadcast %jit3A_316 : f32 to vector<256x2048xf32>
    %select_n3A_318 = arith.select %eq3A_315, %broadcast_in_dim3A_317, %select_n3A_302 : vector<256x2048xi1>, vector<256x2048xf32>
    %reduce_min3A_319 = arith.constant dense<0x7F800000> : vector<256xf32>
    %reduce_min3A_320 = vector.multi_reduction <minimumf>, %select_n3A_318, %reduce_min3A_319 [1] : vector<256x2048xf32> to vector<256xf32>
    %broadcast_in_dim3A_321 = vector.shape_cast %reduce_min3A_320 : vector<256xf32> to vector<256x1xf32>
    %le3A_322 = vector.broadcast %broadcast_in_dim3A_321 : vector<256x1xf32> to vector<256x2048xf32>
    %le3A_323 = arith.cmpf ole, %select_n3A_318, %le3A_322 : vector<256x2048xf32>
    %jit3A_324 = arith.constant 2048 : i32
    %broadcast_in_dim3A_325 = vector.broadcast %jit3A_324 : i32 to vector<256x2048xi32>
    %select_n3A_326 = arith.select %le3A_323, %iota3A, %broadcast_in_dim3A_325 : vector<256x2048xi1>, vector<256x2048xi32>
    %reduce_min3A_327 = arith.constant dense<2147483647> : vector<256xi32>
    %reduce_min3A_328 = vector.multi_reduction <minsi>, %select_n3A_326, %reduce_min3A_327 [1] : vector<256x2048xi32> to vector<256xi32>
    %broadcast_in_dim3A_329 = vector.shape_cast %reduce_min3A_328 : vector<256xi32> to vector<256x1xi32>
    %eq3A_330 = vector.broadcast %broadcast_in_dim3A_329 : vector<256x1xi32> to vector<256x2048xi32>
    %eq3A_331 = arith.cmpi eq, %iota3A, %eq3A_330 : vector<256x2048xi32>
    %jit3A_332 = arith.constant 0x7F800000 : f32
    %broadcast_in_dim3A_333 = vector.broadcast %jit3A_332 : f32 to vector<256x2048xf32>
    %select_n3A_334 = arith.select %eq3A_331, %broadcast_in_dim3A_333, %select_n3A_318 : vector<256x2048xi1>, vector<256x2048xf32>
    %reduce_min3A_335 = arith.constant dense<0x7F800000> : vector<256xf32>
    %reduce_min3A_336 = vector.multi_reduction <minimumf>, %select_n3A_334, %reduce_min3A_335 [1] : vector<256x2048xf32> to vector<256xf32>
    %broadcast_in_dim3A_337 = vector.shape_cast %reduce_min3A_336 : vector<256xf32> to vector<256x1xf32>
    %le3A_338 = vector.broadcast %broadcast_in_dim3A_337 : vector<256x1xf32> to vector<256x2048xf32>
    %le3A_339 = arith.cmpf ole, %select_n3A_334, %le3A_338 : vector<256x2048xf32>
    %jit3A_340 = arith.constant 2048 : i32
    %broadcast_in_dim3A_341 = vector.broadcast %jit3A_340 : i32 to vector<256x2048xi32>
    %select_n3A_342 = arith.select %le3A_339, %iota3A, %broadcast_in_dim3A_341 : vector<256x2048xi1>, vector<256x2048xi32>
    %reduce_min3A_343 = arith.constant dense<2147483647> : vector<256xi32>
    %reduce_min3A_344 = vector.multi_reduction <minsi>, %select_n3A_342, %reduce_min3A_343 [1] : vector<256x2048xi32> to vector<256xi32>
    %broadcast_in_dim3A_345 = vector.shape_cast %reduce_min3A_344 : vector<256xi32> to vector<256x1xi32>
    %concatenate3A = tpu.concatenate %broadcast_in_dim3A_41, %broadcast_in_dim3A_57, %broadcast_in_dim3A_73, %broadcast_in_dim3A_89, %broadcast_in_dim3A_105, %broadcast_in_dim3A_121, %broadcast_in_dim3A_137, %broadcast_in_dim3A_153, %broadcast_in_dim3A_169, %broadcast_in_dim3A_185, %broadcast_in_dim3A_201, %broadcast_in_dim3A_217, %broadcast_in_dim3A_233, %broadcast_in_dim3A_249, %broadcast_in_dim3A_265, %broadcast_in_dim3A_281, %broadcast_in_dim3A_297, %broadcast_in_dim3A_313, %broadcast_in_dim3A_329, %broadcast_in_dim3A_345 in 1 : vector<256x1xi32>, vector<256x1xi32>, vector<256x1xi32>, vector<256x1xi32>, vector<256x1xi32>, vector<256x1xi32>, vector<256x1xi32>, vector<256x1xi32>, vector<256x1xi32>, vector<256x1xi32>, vector<256x1xi32>, vector<256x1xi32>, vector<256x1xi32>, vector<256x1xi32>, vector<256x1xi32>, vector<256x1xi32>, vector<256x1xi32>, vector<256x1xi32>, vector<256x1xi32>, vector<256x1xi32> -> vector<256x20xi32>
    %mul3A_346 = arith.constant 2048 : i32
    %mul3A_347 = arith.muli %arg0, %mul3A_346 : i32
    %add3A_348 = vector.broadcast %mul3A_347 : i32 to vector<256x20xi32>
    %add3A_349 = arith.addi %concatenate3A, %add3A_348 : vector<256x20xi32>
    %swap3A = arith.constant 0 : index
    %swap3A_350 = arith.constant 0 : index
    %swap3A_351 = arith.constant 0 : index
    %swap3A_352 = vector.load %arg4[%swap3A, %swap3A_350, %swap3A_351] : memref<1x256x20xi32, #tpu.memory_space<vmem>>, vector<1x256x20xi32>
    %swap3A_353 = vector.shape_cast %swap3A_352 : vector<1x256x20xi32> to vector<256x20xi32>
    %swap3A_354 = vector.shape_cast %add3A_349 : vector<256x20xi32> to vector<1x256x20xi32>
    tpu.vector_store %arg4[%swap3A, %swap3A_350, %swap3A_351], %swap3A_354 {strides = array<i32>} : memref<1x256x20xi32, #tpu.memory_space<vmem>>, vector<1x256x20xi32>,
    return
  }
  func.func @transform_0(%arg0: i32, %arg1: i32) -> (i32, i32, i32) {
    %c0_i32 = arith.constant 0 : i32
    %c0_i32_0 = arith.constant 0 : i32
    return %arg0, %arg1, %c0_i32 : i32, i32, i32
  }
  func.func @transform_1(%arg0: i32, %arg1: i32) -> (i32, i32, i32) {
    %c0_i32 = arith.constant 0 : i32
    %c0_i32_0 = arith.constant 0 : i32
    %c0_i32_1 = arith.constant 0 : i32
    return %arg0, %c0_i32, %c0_i32_0 : i32, i32, i32
  }
  func.func @transform_2(%arg0: i32, %arg1: i32) -> (i32, i32, i32) {
    %c0_i32 = arith.constant 0 : i32
    %c0_i32_0 = arith.constant 0 : i32
    return %arg0, %arg1, %c0_i32 : i32, i32, i32
  }
}

module attributes {stable_mosaic.version = 14 : i64} {
  func.func @_stats1_body(%arg0: i32, %arg1: i32, %arg2: memref<1x256x3xf32, #tpu.memory_space<vmem>>, %arg3: memref<1x256x2560xf32, #tpu.memory_space<vmem>>, %arg4: memref<3x64xf32, #tpu.memory_space<vmem>>, %arg5: memref<128x64xf32, #tpu.memory_space<vmem>>, %arg6: memref<1x64xf32, #tpu.memory_space<vmem>>, %arg7: memref<8x128xf32, #tpu.memory_space<vmem>>) attributes {dimension_semantics = [#tpu.dimension_semantics<arbitrary>, #tpu.dimension_semantics<arbitrary>], iteration_bounds = array<i64: 8, 8>, scalar_prefetch = 0 : i64, scratch_operands = 0 : i64, tpu.core_type = #tpu.core_type<tc>, window_params = [{transform_indices = @transform_0, window_bounds = array<i64: 1, 256, 3>}, {transform_indices = @transform_1, window_bounds = array<i64: 1, 256, 2560>}, {pipeline_mode = #tpu.pipeline_mode<synchronous>, transform_indices = @transform_2, window_bounds = array<i64: 3, 64>}, {pipeline_mode = #tpu.pipeline_mode<synchronous>, transform_indices = @transform_3, window_bounds = array<i64: 128, 64>}, {pipeline_mode = #tpu.pipeline_mode<synchronous>, transform_indices = @transform_4, window_bounds = array<i64: 1, 64>}, {pipeline_mode = #tpu.pipeline_mode<synchronous>, transform_indices = @transform_5, window_bounds = array<i64: 8, 128>}]} {
    %eq3A = arith.constant 0 : i32
    %eq3A_0 = arith.cmpi eq, %arg0, %eq3A : i32
    %eq3A_1 = arith.constant 0 : i32
    %eq3A_2 = arith.cmpi eq, %arg1, %eq3A_1 : i32
    %and3A = arith.andi %eq3A_0, %eq3A_2 : i1
    %convert_element_type3A = arith.extui %and3A : i1 to i32
    %cond3A = arith.constant 0 : i32
    %cond3A_3 = arith.cmpi ne, %convert_element_type3A, %cond3A : i32
    scf.if %cond3A_3 {
      %broadcast_in_dim3A_449 = arith.constant 0.000000e+00 : f32
      %broadcast_in_dim3A_450 = vector.broadcast %broadcast_in_dim3A_449 : f32 to vector<8x128xf32>
      %swap3A_451 = arith.constant 0 : index
      %swap3A_452 = arith.constant 0 : index
      %swap3A_453 = vector.load %arg7[%swap3A_451, %swap3A_452] : memref<8x128xf32, #tpu.memory_space<vmem>>, vector<8x128xf32>
      tpu.vector_store %arg7[%swap3A_451, %swap3A_452], %broadcast_in_dim3A_450 {strides = array<i32>} : memref<8x128xf32, #tpu.memory_space<vmem>>, vector<8x128xf32>,
    } else {
    }
    %get3A = arith.constant 0 : index
    %get3A_4 = arith.constant 0 : index
    %get3A_5 = arith.constant 0 : index
    %get3A_6 = vector.load %arg2[%get3A, %get3A_4, %get3A_5] : memref<1x256x3xf32, #tpu.memory_space<vmem>>, vector<1x256x3xf32>
    %get3A_7 = vector.shape_cast %get3A_6 : vector<1x256x3xf32> to vector<256x3xf32>
    %get3A_8 = arith.constant 0 : index
    %get3A_9 = arith.constant 0 : index
    %get3A_10 = vector.load %arg4[%get3A_8, %get3A_9] : memref<3x64xf32, #tpu.memory_space<vmem>>, vector<3x64xf32>
    %dot_general3A = arith.constant dense<0.000000e+00> : vector<256x64xf32>
    %dot_general3A_11 = tpu.matmul %get3A_7, %get3A_10, %dot_general3A {dimension_numbers = #tpu.dot_dimension_numbers<[1], [0], [0], [1], [0, 0, 1, 1], [], []>, precision = #tpu.contract_precision<fp32>, transpose_lhs_hint = false} : vector<256x3xf32>, vector<3x64xf32>, vector<256x64xf32> -> vector<256x64xf32>
    %get3A_12 = arith.constant 0 : index
    %get3A_13 = arith.constant 0 : index
    %get3A_14 = vector.load %arg6[%get3A_12, %get3A_13] : memref<1x64xf32, #tpu.memory_space<vmem>>, vector<1x64xf32>
    %add3A = vector.broadcast %get3A_14 : vector<1x64xf32> to vector<256x64xf32>
    %add3A_15 = arith.addf %dot_general3A_11, %add3A : vector<256x64xf32>
    %broadcast_in_dim3A = arith.constant 0.000000e+00 : f32
    %broadcast_in_dim3A_16 = vector.broadcast %broadcast_in_dim3A : f32 to vector<1x64xf32>
    %broadcast_in_dim3A_17 = arith.constant 0.000000e+00 : f32
    %broadcast_in_dim3A_18 = vector.broadcast %broadcast_in_dim3A_17 : f32 to vector<1x64xf32>
    %get3A_19 = arith.constant 0 : index
    %get3A_20 = arith.constant 0 : index
    %get3A_21 = arith.constant 0 : index
    %get3A_22 = vector.load %arg3[%get3A_19, %get3A_20, %get3A_21] : memref<1x256x2560xf32, #tpu.memory_space<vmem>>, vector<1x256x2560xf32>
    %get3A_23 = vector.shape_cast %get3A_22 : vector<1x256x2560xf32> to vector<256x2560xf32>
    %slice3A = vector.extract_strided_slice %get3A_23 {offsets = [0, 0], sizes = [256, 128], strides = [1, 1]} : vector<256x2560xf32> to vector<256x128xf32>
    %get3A_24 = arith.constant 0 : index
    %get3A_25 = arith.constant 0 : index
    %get3A_26 = vector.load %arg5[%get3A_24, %get3A_25] : memref<128x64xf32, #tpu.memory_space<vmem>>, vector<128x64xf32>
    %dot_general3A_27 = arith.constant dense<0.000000e+00> : vector<256x64xf32>
    %dot_general3A_28 = tpu.matmul %slice3A, %get3A_26, %dot_general3A_27 {dimension_numbers = #tpu.dot_dimension_numbers<[1], [0], [0], [1], [0, 0, 1, 1], [], []>, precision = #tpu.contract_precision<fp32>, transpose_lhs_hint = false} : vector<256x128xf32>, vector<128x64xf32>, vector<256x64xf32> -> vector<256x64xf32>
    %add3A_29 = arith.addf %add3A_15, %dot_general3A_28 : vector<256x64xf32>
    %reduce_sum3A = arith.constant dense<0.000000e+00> : vector<64xf32>
    %reduce_sum3A_30 = vector.multi_reduction <add>, %add3A_29, %reduce_sum3A [0] : vector<256x64xf32> to vector<64xf32>
    %broadcast_in_dim3A_31 = vector.shape_cast %reduce_sum3A_30 : vector<64xf32> to vector<1x64xf32>
    %add3A_32 = arith.addf %broadcast_in_dim3A_16, %broadcast_in_dim3A_31 : vector<1x64xf32>
    %mul3A = arith.mulf %add3A_29, %add3A_29 : vector<256x64xf32>
    %reduce_sum3A_33 = arith.constant dense<0.000000e+00> : vector<64xf32>
    %reduce_sum3A_34 = vector.multi_reduction <add>, %mul3A, %reduce_sum3A_33 [0] : vector<256x64xf32> to vector<64xf32>
    %broadcast_in_dim3A_35 = vector.shape_cast %reduce_sum3A_34 : vector<64xf32> to vector<1x64xf32>
    %add3A_36 = arith.addf %broadcast_in_dim3A_18, %broadcast_in_dim3A_35 : vector<1x64xf32>
    %get3A_37 = arith.constant 0 : index
    %get3A_38 = arith.constant 0 : index
    %get3A_39 = arith.constant 0 : index
    %get3A_40 = vector.load %arg3[%get3A_37, %get3A_38, %get3A_39] : memref<1x256x2560xf32, #tpu.memory_space<vmem>>, vector<1x256x2560xf32>
    %get3A_41 = vector.shape_cast %get3A_40 : vector<1x256x2560xf32> to vector<256x2560xf32>
    %slice3A_42 = vector.extract_strided_slice %get3A_41 {offsets = [0, 128], sizes = [256, 128], strides = [1, 1]} : vector<256x2560xf32> to vector<256x128xf32>
    %get3A_43 = arith.constant 0 : index
    %get3A_44 = arith.constant 0 : index
    %get3A_45 = vector.load %arg5[%get3A_43, %get3A_44] : memref<128x64xf32, #tpu.memory_space<vmem>>, vector<128x64xf32>
    %dot_general3A_46 = arith.constant dense<0.000000e+00> : vector<256x64xf32>
    %dot_general3A_47 = tpu.matmul %slice3A_42, %get3A_45, %dot_general3A_46 {dimension_numbers = #tpu.dot_dimension_numbers<[1], [0], [0], [1], [0, 0, 1, 1], [], []>, precision = #tpu.contract_precision<fp32>, transpose_lhs_hint = false} : vector<256x128xf32>, vector<128x64xf32>, vector<256x64xf32> -> vector<256x64xf32>
    %add3A_48 = arith.addf %add3A_15, %dot_general3A_47 : vector<256x64xf32>
    %reduce_sum3A_49 = arith.constant dense<0.000000e+00> : vector<64xf32>
    %reduce_sum3A_50 = vector.multi_reduction <add>, %add3A_48, %reduce_sum3A_49 [0] : vector<256x64xf32> to vector<64xf32>
    %broadcast_in_dim3A_51 = vector.shape_cast %reduce_sum3A_50 : vector<64xf32> to vector<1x64xf32>
    %add3A_52 = arith.addf %add3A_32, %broadcast_in_dim3A_51 : vector<1x64xf32>
    %mul3A_53 = arith.mulf %add3A_48, %add3A_48 : vector<256x64xf32>
    %reduce_sum3A_54 = arith.constant dense<0.000000e+00> : vector<64xf32>
    %reduce_sum3A_55 = vector.multi_reduction <add>, %mul3A_53, %reduce_sum3A_54 [0] : vector<256x64xf32> to vector<64xf32>
    %broadcast_in_dim3A_56 = vector.shape_cast %reduce_sum3A_55 : vector<64xf32> to vector<1x64xf32>
    %add3A_57 = arith.addf %add3A_36, %broadcast_in_dim3A_56 : vector<1x64xf32>
    %get3A_58 = arith.constant 0 : index
    %get3A_59 = arith.constant 0 : index
    %get3A_60 = arith.constant 0 : index
    %get3A_61 = vector.load %arg3[%get3A_58, %get3A_59, %get3A_60] : memref<1x256x2560xf32, #tpu.memory_space<vmem>>, vector<1x256x2560xf32>
    %get3A_62 = vector.shape_cast %get3A_61 : vector<1x256x2560xf32> to vector<256x2560xf32>
    %slice3A_63 = vector.extract_strided_slice %get3A_62 {offsets = [0, 256], sizes = [256, 128], strides = [1, 1]} : vector<256x2560xf32> to vector<256x128xf32>
    %get3A_64 = arith.constant 0 : index
    %get3A_65 = arith.constant 0 : index
    %get3A_66 = vector.load %arg5[%get3A_64, %get3A_65] : memref<128x64xf32, #tpu.memory_space<vmem>>, vector<128x64xf32>
    %dot_general3A_67 = arith.constant dense<0.000000e+00> : vector<256x64xf32>
    %dot_general3A_68 = tpu.matmul %slice3A_63, %get3A_66, %dot_general3A_67 {dimension_numbers = #tpu.dot_dimension_numbers<[1], [0], [0], [1], [0, 0, 1, 1], [], []>, precision = #tpu.contract_precision<fp32>, transpose_lhs_hint = false} : vector<256x128xf32>, vector<128x64xf32>, vector<256x64xf32> -> vector<256x64xf32>
    %add3A_69 = arith.addf %add3A_15, %dot_general3A_68 : vector<256x64xf32>
    %reduce_sum3A_70 = arith.constant dense<0.000000e+00> : vector<64xf32>
    %reduce_sum3A_71 = vector.multi_reduction <add>, %add3A_69, %reduce_sum3A_70 [0] : vector<256x64xf32> to vector<64xf32>
    %broadcast_in_dim3A_72 = vector.shape_cast %reduce_sum3A_71 : vector<64xf32> to vector<1x64xf32>
    %add3A_73 = arith.addf %add3A_52, %broadcast_in_dim3A_72 : vector<1x64xf32>
    %mul3A_74 = arith.mulf %add3A_69, %add3A_69 : vector<256x64xf32>
    %reduce_sum3A_75 = arith.constant dense<0.000000e+00> : vector<64xf32>
    %reduce_sum3A_76 = vector.multi_reduction <add>, %mul3A_74, %reduce_sum3A_75 [0] : vector<256x64xf32> to vector<64xf32>
    %broadcast_in_dim3A_77 = vector.shape_cast %reduce_sum3A_76 : vector<64xf32> to vector<1x64xf32>
    %add3A_78 = arith.addf %add3A_57, %broadcast_in_dim3A_77 : vector<1x64xf32>
    %get3A_79 = arith.constant 0 : index
    %get3A_80 = arith.constant 0 : index
    %get3A_81 = arith.constant 0 : index
    %get3A_82 = vector.load %arg3[%get3A_79, %get3A_80, %get3A_81] : memref<1x256x2560xf32, #tpu.memory_space<vmem>>, vector<1x256x2560xf32>
    %get3A_83 = vector.shape_cast %get3A_82 : vector<1x256x2560xf32> to vector<256x2560xf32>
    %slice3A_84 = vector.extract_strided_slice %get3A_83 {offsets = [0, 384], sizes = [256, 128], strides = [1, 1]} : vector<256x2560xf32> to vector<256x128xf32>
    %get3A_85 = arith.constant 0 : index
    %get3A_86 = arith.constant 0 : index
    %get3A_87 = vector.load %arg5[%get3A_85, %get3A_86] : memref<128x64xf32, #tpu.memory_space<vmem>>, vector<128x64xf32>
    %dot_general3A_88 = arith.constant dense<0.000000e+00> : vector<256x64xf32>
    %dot_general3A_89 = tpu.matmul %slice3A_84, %get3A_87, %dot_general3A_88 {dimension_numbers = #tpu.dot_dimension_numbers<[1], [0], [0], [1], [0, 0, 1, 1], [], []>, precision = #tpu.contract_precision<fp32>, transpose_lhs_hint = false} : vector<256x128xf32>, vector<128x64xf32>, vector<256x64xf32> -> vector<256x64xf32>
    %add3A_90 = arith.addf %add3A_15, %dot_general3A_89 : vector<256x64xf32>
    %reduce_sum3A_91 = arith.constant dense<0.000000e+00> : vector<64xf32>
    %reduce_sum3A_92 = vector.multi_reduction <add>, %add3A_90, %reduce_sum3A_91 [0] : vector<256x64xf32> to vector<64xf32>
    %broadcast_in_dim3A_93 = vector.shape_cast %reduce_sum3A_92 : vector<64xf32> to vector<1x64xf32>
    %add3A_94 = arith.addf %add3A_73, %broadcast_in_dim3A_93 : vector<1x64xf32>
    %mul3A_95 = arith.mulf %add3A_90, %add3A_90 : vector<256x64xf32>
    %reduce_sum3A_96 = arith.constant dense<0.000000e+00> : vector<64xf32>
    %reduce_sum3A_97 = vector.multi_reduction <add>, %mul3A_95, %reduce_sum3A_96 [0] : vector<256x64xf32> to vector<64xf32>
    %broadcast_in_dim3A_98 = vector.shape_cast %reduce_sum3A_97 : vector<64xf32> to vector<1x64xf32>
    %add3A_99 = arith.addf %add3A_78, %broadcast_in_dim3A_98 : vector<1x64xf32>
    %get3A_100 = arith.constant 0 : index
    %get3A_101 = arith.constant 0 : index
    %get3A_102 = arith.constant 0 : index
    %get3A_103 = vector.load %arg3[%get3A_100, %get3A_101, %get3A_102] : memref<1x256x2560xf32, #tpu.memory_space<vmem>>, vector<1x256x2560xf32>
    %get3A_104 = vector.shape_cast %get3A_103 : vector<1x256x2560xf32> to vector<256x2560xf32>
    %slice3A_105 = vector.extract_strided_slice %get3A_104 {offsets = [0, 512], sizes = [256, 128], strides = [1, 1]} : vector<256x2560xf32> to vector<256x128xf32>
    %get3A_106 = arith.constant 0 : index
    %get3A_107 = arith.constant 0 : index
    %get3A_108 = vector.load %arg5[%get3A_106, %get3A_107] : memref<128x64xf32, #tpu.memory_space<vmem>>, vector<128x64xf32>
    %dot_general3A_109 = arith.constant dense<0.000000e+00> : vector<256x64xf32>
    %dot_general3A_110 = tpu.matmul %slice3A_105, %get3A_108, %dot_general3A_109 {dimension_numbers = #tpu.dot_dimension_numbers<[1], [0], [0], [1], [0, 0, 1, 1], [], []>, precision = #tpu.contract_precision<fp32>, transpose_lhs_hint = false} : vector<256x128xf32>, vector<128x64xf32>, vector<256x64xf32> -> vector<256x64xf32>
    %add3A_111 = arith.addf %add3A_15, %dot_general3A_110 : vector<256x64xf32>
    %reduce_sum3A_112 = arith.constant dense<0.000000e+00> : vector<64xf32>
    %reduce_sum3A_113 = vector.multi_reduction <add>, %add3A_111, %reduce_sum3A_112 [0] : vector<256x64xf32> to vector<64xf32>
    %broadcast_in_dim3A_114 = vector.shape_cast %reduce_sum3A_113 : vector<64xf32> to vector<1x64xf32>
    %add3A_115 = arith.addf %add3A_94, %broadcast_in_dim3A_114 : vector<1x64xf32>
    %mul3A_116 = arith.mulf %add3A_111, %add3A_111 : vector<256x64xf32>
    %reduce_sum3A_117 = arith.constant dense<0.000000e+00> : vector<64xf32>
    %reduce_sum3A_118 = vector.multi_reduction <add>, %mul3A_116, %reduce_sum3A_117 [0] : vector<256x64xf32> to vector<64xf32>
    %broadcast_in_dim3A_119 = vector.shape_cast %reduce_sum3A_118 : vector<64xf32> to vector<1x64xf32>
    %add3A_120 = arith.addf %add3A_99, %broadcast_in_dim3A_119 : vector<1x64xf32>
    %get3A_121 = arith.constant 0 : index
    %get3A_122 = arith.constant 0 : index
    %get3A_123 = arith.constant 0 : index
    %get3A_124 = vector.load %arg3[%get3A_121, %get3A_122, %get3A_123] : memref<1x256x2560xf32, #tpu.memory_space<vmem>>, vector<1x256x2560xf32>
    %get3A_125 = vector.shape_cast %get3A_124 : vector<1x256x2560xf32> to vector<256x2560xf32>
    %slice3A_126 = vector.extract_strided_slice %get3A_125 {offsets = [0, 640], sizes = [256, 128], strides = [1, 1]} : vector<256x2560xf32> to vector<256x128xf32>
    %get3A_127 = arith.constant 0 : index
    %get3A_128 = arith.constant 0 : index
    %get3A_129 = vector.load %arg5[%get3A_127, %get3A_128] : memref<128x64xf32, #tpu.memory_space<vmem>>, vector<128x64xf32>
    %dot_general3A_130 = arith.constant dense<0.000000e+00> : vector<256x64xf32>
    %dot_general3A_131 = tpu.matmul %slice3A_126, %get3A_129, %dot_general3A_130 {dimension_numbers = #tpu.dot_dimension_numbers<[1], [0], [0], [1], [0, 0, 1, 1], [], []>, precision = #tpu.contract_precision<fp32>, transpose_lhs_hint = false} : vector<256x128xf32>, vector<128x64xf32>, vector<256x64xf32> -> vector<256x64xf32>
    %add3A_132 = arith.addf %add3A_15, %dot_general3A_131 : vector<256x64xf32>
    %reduce_sum3A_133 = arith.constant dense<0.000000e+00> : vector<64xf32>
    %reduce_sum3A_134 = vector.multi_reduction <add>, %add3A_132, %reduce_sum3A_133 [0] : vector<256x64xf32> to vector<64xf32>
    %broadcast_in_dim3A_135 = vector.shape_cast %reduce_sum3A_134 : vector<64xf32> to vector<1x64xf32>
    %add3A_136 = arith.addf %add3A_115, %broadcast_in_dim3A_135 : vector<1x64xf32>
    %mul3A_137 = arith.mulf %add3A_132, %add3A_132 : vector<256x64xf32>
    %reduce_sum3A_138 = arith.constant dense<0.000000e+00> : vector<64xf32>
    %reduce_sum3A_139 = vector.multi_reduction <add>, %mul3A_137, %reduce_sum3A_138 [0] : vector<256x64xf32> to vector<64xf32>
    %broadcast_in_dim3A_140 = vector.shape_cast %reduce_sum3A_139 : vector<64xf32> to vector<1x64xf32>
    %add3A_141 = arith.addf %add3A_120, %broadcast_in_dim3A_140 : vector<1x64xf32>
    %get3A_142 = arith.constant 0 : index
    %get3A_143 = arith.constant 0 : index
    %get3A_144 = arith.constant 0 : index
    %get3A_145 = vector.load %arg3[%get3A_142, %get3A_143, %get3A_144] : memref<1x256x2560xf32, #tpu.memory_space<vmem>>, vector<1x256x2560xf32>
    %get3A_146 = vector.shape_cast %get3A_145 : vector<1x256x2560xf32> to vector<256x2560xf32>
    %slice3A_147 = vector.extract_strided_slice %get3A_146 {offsets = [0, 768], sizes = [256, 128], strides = [1, 1]} : vector<256x2560xf32> to vector<256x128xf32>
    %get3A_148 = arith.constant 0 : index
    %get3A_149 = arith.constant 0 : index
    %get3A_150 = vector.load %arg5[%get3A_148, %get3A_149] : memref<128x64xf32, #tpu.memory_space<vmem>>, vector<128x64xf32>
    %dot_general3A_151 = arith.constant dense<0.000000e+00> : vector<256x64xf32>
    %dot_general3A_152 = tpu.matmul %slice3A_147, %get3A_150, %dot_general3A_151 {dimension_numbers = #tpu.dot_dimension_numbers<[1], [0], [0], [1], [0, 0, 1, 1], [], []>, precision = #tpu.contract_precision<fp32>, transpose_lhs_hint = false} : vector<256x128xf32>, vector<128x64xf32>, vector<256x64xf32> -> vector<256x64xf32>
    %add3A_153 = arith.addf %add3A_15, %dot_general3A_152 : vector<256x64xf32>
    %reduce_sum3A_154 = arith.constant dense<0.000000e+00> : vector<64xf32>
    %reduce_sum3A_155 = vector.multi_reduction <add>, %add3A_153, %reduce_sum3A_154 [0] : vector<256x64xf32> to vector<64xf32>
    %broadcast_in_dim3A_156 = vector.shape_cast %reduce_sum3A_155 : vector<64xf32> to vector<1x64xf32>
    %add3A_157 = arith.addf %add3A_136, %broadcast_in_dim3A_156 : vector<1x64xf32>
    %mul3A_158 = arith.mulf %add3A_153, %add3A_153 : vector<256x64xf32>
    %reduce_sum3A_159 = arith.constant dense<0.000000e+00> : vector<64xf32>
    %reduce_sum3A_160 = vector.multi_reduction <add>, %mul3A_158, %reduce_sum3A_159 [0] : vector<256x64xf32> to vector<64xf32>
    %broadcast_in_dim3A_161 = vector.shape_cast %reduce_sum3A_160 : vector<64xf32> to vector<1x64xf32>
    %add3A_162 = arith.addf %add3A_141, %broadcast_in_dim3A_161 : vector<1x64xf32>
    %get3A_163 = arith.constant 0 : index
    %get3A_164 = arith.constant 0 : index
    %get3A_165 = arith.constant 0 : index
    %get3A_166 = vector.load %arg3[%get3A_163, %get3A_164, %get3A_165] : memref<1x256x2560xf32, #tpu.memory_space<vmem>>, vector<1x256x2560xf32>
    %get3A_167 = vector.shape_cast %get3A_166 : vector<1x256x2560xf32> to vector<256x2560xf32>
    %slice3A_168 = vector.extract_strided_slice %get3A_167 {offsets = [0, 896], sizes = [256, 128], strides = [1, 1]} : vector<256x2560xf32> to vector<256x128xf32>
    %get3A_169 = arith.constant 0 : index
    %get3A_170 = arith.constant 0 : index
    %get3A_171 = vector.load %arg5[%get3A_169, %get3A_170] : memref<128x64xf32, #tpu.memory_space<vmem>>, vector<128x64xf32>
    %dot_general3A_172 = arith.constant dense<0.000000e+00> : vector<256x64xf32>
    %dot_general3A_173 = tpu.matmul %slice3A_168, %get3A_171, %dot_general3A_172 {dimension_numbers = #tpu.dot_dimension_numbers<[1], [0], [0], [1], [0, 0, 1, 1], [], []>, precision = #tpu.contract_precision<fp32>, transpose_lhs_hint = false} : vector<256x128xf32>, vector<128x64xf32>, vector<256x64xf32> -> vector<256x64xf32>
    %add3A_174 = arith.addf %add3A_15, %dot_general3A_173 : vector<256x64xf32>
    %reduce_sum3A_175 = arith.constant dense<0.000000e+00> : vector<64xf32>
    %reduce_sum3A_176 = vector.multi_reduction <add>, %add3A_174, %reduce_sum3A_175 [0] : vector<256x64xf32> to vector<64xf32>
    %broadcast_in_dim3A_177 = vector.shape_cast %reduce_sum3A_176 : vector<64xf32> to vector<1x64xf32>
    %add3A_178 = arith.addf %add3A_157, %broadcast_in_dim3A_177 : vector<1x64xf32>
    %mul3A_179 = arith.mulf %add3A_174, %add3A_174 : vector<256x64xf32>
    %reduce_sum3A_180 = arith.constant dense<0.000000e+00> : vector<64xf32>
    %reduce_sum3A_181 = vector.multi_reduction <add>, %mul3A_179, %reduce_sum3A_180 [0] : vector<256x64xf32> to vector<64xf32>
    %broadcast_in_dim3A_182 = vector.shape_cast %reduce_sum3A_181 : vector<64xf32> to vector<1x64xf32>
    %add3A_183 = arith.addf %add3A_162, %broadcast_in_dim3A_182 : vector<1x64xf32>
    %get3A_184 = arith.constant 0 : index
    %get3A_185 = arith.constant 0 : index
    %get3A_186 = arith.constant 0 : index
    %get3A_187 = vector.load %arg3[%get3A_184, %get3A_185, %get3A_186] : memref<1x256x2560xf32, #tpu.memory_space<vmem>>, vector<1x256x2560xf32>
    %get3A_188 = vector.shape_cast %get3A_187 : vector<1x256x2560xf32> to vector<256x2560xf32>
    %slice3A_189 = vector.extract_strided_slice %get3A_188 {offsets = [0, 1024], sizes = [256, 128], strides = [1, 1]} : vector<256x2560xf32> to vector<256x128xf32>
    %get3A_190 = arith.constant 0 : index
    %get3A_191 = arith.constant 0 : index
    %get3A_192 = vector.load %arg5[%get3A_190, %get3A_191] : memref<128x64xf32, #tpu.memory_space<vmem>>, vector<128x64xf32>
    %dot_general3A_193 = arith.constant dense<0.000000e+00> : vector<256x64xf32>
    %dot_general3A_194 = tpu.matmul %slice3A_189, %get3A_192, %dot_general3A_193 {dimension_numbers = #tpu.dot_dimension_numbers<[1], [0], [0], [1], [0, 0, 1, 1], [], []>, precision = #tpu.contract_precision<fp32>, transpose_lhs_hint = false} : vector<256x128xf32>, vector<128x64xf32>, vector<256x64xf32> -> vector<256x64xf32>
    %add3A_195 = arith.addf %add3A_15, %dot_general3A_194 : vector<256x64xf32>
    %reduce_sum3A_196 = arith.constant dense<0.000000e+00> : vector<64xf32>
    %reduce_sum3A_197 = vector.multi_reduction <add>, %add3A_195, %reduce_sum3A_196 [0] : vector<256x64xf32> to vector<64xf32>
    %broadcast_in_dim3A_198 = vector.shape_cast %reduce_sum3A_197 : vector<64xf32> to vector<1x64xf32>
    %add3A_199 = arith.addf %add3A_178, %broadcast_in_dim3A_198 : vector<1x64xf32>
    %mul3A_200 = arith.mulf %add3A_195, %add3A_195 : vector<256x64xf32>
    %reduce_sum3A_201 = arith.constant dense<0.000000e+00> : vector<64xf32>
    %reduce_sum3A_202 = vector.multi_reduction <add>, %mul3A_200, %reduce_sum3A_201 [0] : vector<256x64xf32> to vector<64xf32>
    %broadcast_in_dim3A_203 = vector.shape_cast %reduce_sum3A_202 : vector<64xf32> to vector<1x64xf32>
    %add3A_204 = arith.addf %add3A_183, %broadcast_in_dim3A_203 : vector<1x64xf32>
    %get3A_205 = arith.constant 0 : index
    %get3A_206 = arith.constant 0 : index
    %get3A_207 = arith.constant 0 : index
    %get3A_208 = vector.load %arg3[%get3A_205, %get3A_206, %get3A_207] : memref<1x256x2560xf32, #tpu.memory_space<vmem>>, vector<1x256x2560xf32>
    %get3A_209 = vector.shape_cast %get3A_208 : vector<1x256x2560xf32> to vector<256x2560xf32>
    %slice3A_210 = vector.extract_strided_slice %get3A_209 {offsets = [0, 1152], sizes = [256, 128], strides = [1, 1]} : vector<256x2560xf32> to vector<256x128xf32>
    %get3A_211 = arith.constant 0 : index
    %get3A_212 = arith.constant 0 : index
    %get3A_213 = vector.load %arg5[%get3A_211, %get3A_212] : memref<128x64xf32, #tpu.memory_space<vmem>>, vector<128x64xf32>
    %dot_general3A_214 = arith.constant dense<0.000000e+00> : vector<256x64xf32>
    %dot_general3A_215 = tpu.matmul %slice3A_210, %get3A_213, %dot_general3A_214 {dimension_numbers = #tpu.dot_dimension_numbers<[1], [0], [0], [1], [0, 0, 1, 1], [], []>, precision = #tpu.contract_precision<fp32>, transpose_lhs_hint = false} : vector<256x128xf32>, vector<128x64xf32>, vector<256x64xf32> -> vector<256x64xf32>
    %add3A_216 = arith.addf %add3A_15, %dot_general3A_215 : vector<256x64xf32>
    %reduce_sum3A_217 = arith.constant dense<0.000000e+00> : vector<64xf32>
    %reduce_sum3A_218 = vector.multi_reduction <add>, %add3A_216, %reduce_sum3A_217 [0] : vector<256x64xf32> to vector<64xf32>
    %broadcast_in_dim3A_219 = vector.shape_cast %reduce_sum3A_218 : vector<64xf32> to vector<1x64xf32>
    %add3A_220 = arith.addf %add3A_199, %broadcast_in_dim3A_219 : vector<1x64xf32>
    %mul3A_221 = arith.mulf %add3A_216, %add3A_216 : vector<256x64xf32>
    %reduce_sum3A_222 = arith.constant dense<0.000000e+00> : vector<64xf32>
    %reduce_sum3A_223 = vector.multi_reduction <add>, %mul3A_221, %reduce_sum3A_222 [0] : vector<256x64xf32> to vector<64xf32>
    %broadcast_in_dim3A_224 = vector.shape_cast %reduce_sum3A_223 : vector<64xf32> to vector<1x64xf32>
    %add3A_225 = arith.addf %add3A_204, %broadcast_in_dim3A_224 : vector<1x64xf32>
    %get3A_226 = arith.constant 0 : index
    %get3A_227 = arith.constant 0 : index
    %get3A_228 = arith.constant 0 : index
    %get3A_229 = vector.load %arg3[%get3A_226, %get3A_227, %get3A_228] : memref<1x256x2560xf32, #tpu.memory_space<vmem>>, vector<1x256x2560xf32>
    %get3A_230 = vector.shape_cast %get3A_229 : vector<1x256x2560xf32> to vector<256x2560xf32>
    %slice3A_231 = vector.extract_strided_slice %get3A_230 {offsets = [0, 1280], sizes = [256, 128], strides = [1, 1]} : vector<256x2560xf32> to vector<256x128xf32>
    %get3A_232 = arith.constant 0 : index
    %get3A_233 = arith.constant 0 : index
    %get3A_234 = vector.load %arg5[%get3A_232, %get3A_233] : memref<128x64xf32, #tpu.memory_space<vmem>>, vector<128x64xf32>
    %dot_general3A_235 = arith.constant dense<0.000000e+00> : vector<256x64xf32>
    %dot_general3A_236 = tpu.matmul %slice3A_231, %get3A_234, %dot_general3A_235 {dimension_numbers = #tpu.dot_dimension_numbers<[1], [0], [0], [1], [0, 0, 1, 1], [], []>, precision = #tpu.contract_precision<fp32>, transpose_lhs_hint = false} : vector<256x128xf32>, vector<128x64xf32>, vector<256x64xf32> -> vector<256x64xf32>
    %add3A_237 = arith.addf %add3A_15, %dot_general3A_236 : vector<256x64xf32>
    %reduce_sum3A_238 = arith.constant dense<0.000000e+00> : vector<64xf32>
    %reduce_sum3A_239 = vector.multi_reduction <add>, %add3A_237, %reduce_sum3A_238 [0] : vector<256x64xf32> to vector<64xf32>
    %broadcast_in_dim3A_240 = vector.shape_cast %reduce_sum3A_239 : vector<64xf32> to vector<1x64xf32>
    %add3A_241 = arith.addf %add3A_220, %broadcast_in_dim3A_240 : vector<1x64xf32>
    %mul3A_242 = arith.mulf %add3A_237, %add3A_237 : vector<256x64xf32>
    %reduce_sum3A_243 = arith.constant dense<0.000000e+00> : vector<64xf32>
    %reduce_sum3A_244 = vector.multi_reduction <add>, %mul3A_242, %reduce_sum3A_243 [0] : vector<256x64xf32> to vector<64xf32>
    %broadcast_in_dim3A_245 = vector.shape_cast %reduce_sum3A_244 : vector<64xf32> to vector<1x64xf32>
    %add3A_246 = arith.addf %add3A_225, %broadcast_in_dim3A_245 : vector<1x64xf32>
    %get3A_247 = arith.constant 0 : index
    %get3A_248 = arith.constant 0 : index
    %get3A_249 = arith.constant 0 : index
    %get3A_250 = vector.load %arg3[%get3A_247, %get3A_248, %get3A_249] : memref<1x256x2560xf32, #tpu.memory_space<vmem>>, vector<1x256x2560xf32>
    %get3A_251 = vector.shape_cast %get3A_250 : vector<1x256x2560xf32> to vector<256x2560xf32>
    %slice3A_252 = vector.extract_strided_slice %get3A_251 {offsets = [0, 1408], sizes = [256, 128], strides = [1, 1]} : vector<256x2560xf32> to vector<256x128xf32>
    %get3A_253 = arith.constant 0 : index
    %get3A_254 = arith.constant 0 : index
    %get3A_255 = vector.load %arg5[%get3A_253, %get3A_254] : memref<128x64xf32, #tpu.memory_space<vmem>>, vector<128x64xf32>
    %dot_general3A_256 = arith.constant dense<0.000000e+00> : vector<256x64xf32>
    %dot_general3A_257 = tpu.matmul %slice3A_252, %get3A_255, %dot_general3A_256 {dimension_numbers = #tpu.dot_dimension_numbers<[1], [0], [0], [1], [0, 0, 1, 1], [], []>, precision = #tpu.contract_precision<fp32>, transpose_lhs_hint = false} : vector<256x128xf32>, vector<128x64xf32>, vector<256x64xf32> -> vector<256x64xf32>
    %add3A_258 = arith.addf %add3A_15, %dot_general3A_257 : vector<256x64xf32>
    %reduce_sum3A_259 = arith.constant dense<0.000000e+00> : vector<64xf32>
    %reduce_sum3A_260 = vector.multi_reduction <add>, %add3A_258, %reduce_sum3A_259 [0] : vector<256x64xf32> to vector<64xf32>
    %broadcast_in_dim3A_261 = vector.shape_cast %reduce_sum3A_260 : vector<64xf32> to vector<1x64xf32>
    %add3A_262 = arith.addf %add3A_241, %broadcast_in_dim3A_261 : vector<1x64xf32>
    %mul3A_263 = arith.mulf %add3A_258, %add3A_258 : vector<256x64xf32>
    %reduce_sum3A_264 = arith.constant dense<0.000000e+00> : vector<64xf32>
    %reduce_sum3A_265 = vector.multi_reduction <add>, %mul3A_263, %reduce_sum3A_264 [0] : vector<256x64xf32> to vector<64xf32>
    %broadcast_in_dim3A_266 = vector.shape_cast %reduce_sum3A_265 : vector<64xf32> to vector<1x64xf32>
    %add3A_267 = arith.addf %add3A_246, %broadcast_in_dim3A_266 : vector<1x64xf32>
    %get3A_268 = arith.constant 0 : index
    %get3A_269 = arith.constant 0 : index
    %get3A_270 = arith.constant 0 : index
    %get3A_271 = vector.load %arg3[%get3A_268, %get3A_269, %get3A_270] : memref<1x256x2560xf32, #tpu.memory_space<vmem>>, vector<1x256x2560xf32>
    %get3A_272 = vector.shape_cast %get3A_271 : vector<1x256x2560xf32> to vector<256x2560xf32>
    %slice3A_273 = vector.extract_strided_slice %get3A_272 {offsets = [0, 1536], sizes = [256, 128], strides = [1, 1]} : vector<256x2560xf32> to vector<256x128xf32>
    %get3A_274 = arith.constant 0 : index
    %get3A_275 = arith.constant 0 : index
    %get3A_276 = vector.load %arg5[%get3A_274, %get3A_275] : memref<128x64xf32, #tpu.memory_space<vmem>>, vector<128x64xf32>
    %dot_general3A_277 = arith.constant dense<0.000000e+00> : vector<256x64xf32>
    %dot_general3A_278 = tpu.matmul %slice3A_273, %get3A_276, %dot_general3A_277 {dimension_numbers = #tpu.dot_dimension_numbers<[1], [0], [0], [1], [0, 0, 1, 1], [], []>, precision = #tpu.contract_precision<fp32>, transpose_lhs_hint = false} : vector<256x128xf32>, vector<128x64xf32>, vector<256x64xf32> -> vector<256x64xf32>
    %add3A_279 = arith.addf %add3A_15, %dot_general3A_278 : vector<256x64xf32>
    %reduce_sum3A_280 = arith.constant dense<0.000000e+00> : vector<64xf32>
    %reduce_sum3A_281 = vector.multi_reduction <add>, %add3A_279, %reduce_sum3A_280 [0] : vector<256x64xf32> to vector<64xf32>
    %broadcast_in_dim3A_282 = vector.shape_cast %reduce_sum3A_281 : vector<64xf32> to vector<1x64xf32>
    %add3A_283 = arith.addf %add3A_262, %broadcast_in_dim3A_282 : vector<1x64xf32>
    %mul3A_284 = arith.mulf %add3A_279, %add3A_279 : vector<256x64xf32>
    %reduce_sum3A_285 = arith.constant dense<0.000000e+00> : vector<64xf32>
    %reduce_sum3A_286 = vector.multi_reduction <add>, %mul3A_284, %reduce_sum3A_285 [0] : vector<256x64xf32> to vector<64xf32>
    %broadcast_in_dim3A_287 = vector.shape_cast %reduce_sum3A_286 : vector<64xf32> to vector<1x64xf32>
    %add3A_288 = arith.addf %add3A_267, %broadcast_in_dim3A_287 : vector<1x64xf32>
    %get3A_289 = arith.constant 0 : index
    %get3A_290 = arith.constant 0 : index
    %get3A_291 = arith.constant 0 : index
    %get3A_292 = vector.load %arg3[%get3A_289, %get3A_290, %get3A_291] : memref<1x256x2560xf32, #tpu.memory_space<vmem>>, vector<1x256x2560xf32>
    %get3A_293 = vector.shape_cast %get3A_292 : vector<1x256x2560xf32> to vector<256x2560xf32>
    %slice3A_294 = vector.extract_strided_slice %get3A_293 {offsets = [0, 1664], sizes = [256, 128], strides = [1, 1]} : vector<256x2560xf32> to vector<256x128xf32>
    %get3A_295 = arith.constant 0 : index
    %get3A_296 = arith.constant 0 : index
    %get3A_297 = vector.load %arg5[%get3A_295, %get3A_296] : memref<128x64xf32, #tpu.memory_space<vmem>>, vector<128x64xf32>
    %dot_general3A_298 = arith.constant dense<0.000000e+00> : vector<256x64xf32>
    %dot_general3A_299 = tpu.matmul %slice3A_294, %get3A_297, %dot_general3A_298 {dimension_numbers = #tpu.dot_dimension_numbers<[1], [0], [0], [1], [0, 0, 1, 1], [], []>, precision = #tpu.contract_precision<fp32>, transpose_lhs_hint = false} : vector<256x128xf32>, vector<128x64xf32>, vector<256x64xf32> -> vector<256x64xf32>
    %add3A_300 = arith.addf %add3A_15, %dot_general3A_299 : vector<256x64xf32>
    %reduce_sum3A_301 = arith.constant dense<0.000000e+00> : vector<64xf32>
    %reduce_sum3A_302 = vector.multi_reduction <add>, %add3A_300, %reduce_sum3A_301 [0] : vector<256x64xf32> to vector<64xf32>
    %broadcast_in_dim3A_303 = vector.shape_cast %reduce_sum3A_302 : vector<64xf32> to vector<1x64xf32>
    %add3A_304 = arith.addf %add3A_283, %broadcast_in_dim3A_303 : vector<1x64xf32>
    %mul3A_305 = arith.mulf %add3A_300, %add3A_300 : vector<256x64xf32>
    %reduce_sum3A_306 = arith.constant dense<0.000000e+00> : vector<64xf32>
    %reduce_sum3A_307 = vector.multi_reduction <add>, %mul3A_305, %reduce_sum3A_306 [0] : vector<256x64xf32> to vector<64xf32>
    %broadcast_in_dim3A_308 = vector.shape_cast %reduce_sum3A_307 : vector<64xf32> to vector<1x64xf32>
    %add3A_309 = arith.addf %add3A_288, %broadcast_in_dim3A_308 : vector<1x64xf32>
    %get3A_310 = arith.constant 0 : index
    %get3A_311 = arith.constant 0 : index
    %get3A_312 = arith.constant 0 : index
    %get3A_313 = vector.load %arg3[%get3A_310, %get3A_311, %get3A_312] : memref<1x256x2560xf32, #tpu.memory_space<vmem>>, vector<1x256x2560xf32>
    %get3A_314 = vector.shape_cast %get3A_313 : vector<1x256x2560xf32> to vector<256x2560xf32>
    %slice3A_315 = vector.extract_strided_slice %get3A_314 {offsets = [0, 1792], sizes = [256, 128], strides = [1, 1]} : vector<256x2560xf32> to vector<256x128xf32>
    %get3A_316 = arith.constant 0 : index
    %get3A_317 = arith.constant 0 : index
    %get3A_318 = vector.load %arg5[%get3A_316, %get3A_317] : memref<128x64xf32, #tpu.memory_space<vmem>>, vector<128x64xf32>
    %dot_general3A_319 = arith.constant dense<0.000000e+00> : vector<256x64xf32>
    %dot_general3A_320 = tpu.matmul %slice3A_315, %get3A_318, %dot_general3A_319 {dimension_numbers = #tpu.dot_dimension_numbers<[1], [0], [0], [1], [0, 0, 1, 1], [], []>, precision = #tpu.contract_precision<fp32>, transpose_lhs_hint = false} : vector<256x128xf32>, vector<128x64xf32>, vector<256x64xf32> -> vector<256x64xf32>
    %add3A_321 = arith.addf %add3A_15, %dot_general3A_320 : vector<256x64xf32>
    %reduce_sum3A_322 = arith.constant dense<0.000000e+00> : vector<64xf32>
    %reduce_sum3A_323 = vector.multi_reduction <add>, %add3A_321, %reduce_sum3A_322 [0] : vector<256x64xf32> to vector<64xf32>
    %broadcast_in_dim3A_324 = vector.shape_cast %reduce_sum3A_323 : vector<64xf32> to vector<1x64xf32>
    %add3A_325 = arith.addf %add3A_304, %broadcast_in_dim3A_324 : vector<1x64xf32>
    %mul3A_326 = arith.mulf %add3A_321, %add3A_321 : vector<256x64xf32>
    %reduce_sum3A_327 = arith.constant dense<0.000000e+00> : vector<64xf32>
    %reduce_sum3A_328 = vector.multi_reduction <add>, %mul3A_326, %reduce_sum3A_327 [0] : vector<256x64xf32> to vector<64xf32>
    %broadcast_in_dim3A_329 = vector.shape_cast %reduce_sum3A_328 : vector<64xf32> to vector<1x64xf32>
    %add3A_330 = arith.addf %add3A_309, %broadcast_in_dim3A_329 : vector<1x64xf32>
    %get3A_331 = arith.constant 0 : index
    %get3A_332 = arith.constant 0 : index
    %get3A_333 = arith.constant 0 : index
    %get3A_334 = vector.load %arg3[%get3A_331, %get3A_332, %get3A_333] : memref<1x256x2560xf32, #tpu.memory_space<vmem>>, vector<1x256x2560xf32>
    %get3A_335 = vector.shape_cast %get3A_334 : vector<1x256x2560xf32> to vector<256x2560xf32>
    %slice3A_336 = vector.extract_strided_slice %get3A_335 {offsets = [0, 1920], sizes = [256, 128], strides = [1, 1]} : vector<256x2560xf32> to vector<256x128xf32>
    %get3A_337 = arith.constant 0 : index
    %get3A_338 = arith.constant 0 : index
    %get3A_339 = vector.load %arg5[%get3A_337, %get3A_338] : memref<128x64xf32, #tpu.memory_space<vmem>>, vector<128x64xf32>
    %dot_general3A_340 = arith.constant dense<0.000000e+00> : vector<256x64xf32>
    %dot_general3A_341 = tpu.matmul %slice3A_336, %get3A_339, %dot_general3A_340 {dimension_numbers = #tpu.dot_dimension_numbers<[1], [0], [0], [1], [0, 0, 1, 1], [], []>, precision = #tpu.contract_precision<fp32>, transpose_lhs_hint = false} : vector<256x128xf32>, vector<128x64xf32>, vector<256x64xf32> -> vector<256x64xf32>
    %add3A_342 = arith.addf %add3A_15, %dot_general3A_341 : vector<256x64xf32>
    %reduce_sum3A_343 = arith.constant dense<0.000000e+00> : vector<64xf32>
    %reduce_sum3A_344 = vector.multi_reduction <add>, %add3A_342, %reduce_sum3A_343 [0] : vector<256x64xf32> to vector<64xf32>
    %broadcast_in_dim3A_345 = vector.shape_cast %reduce_sum3A_344 : vector<64xf32> to vector<1x64xf32>
    %add3A_346 = arith.addf %add3A_325, %broadcast_in_dim3A_345 : vector<1x64xf32>
    %mul3A_347 = arith.mulf %add3A_342, %add3A_342 : vector<256x64xf32>
    %reduce_sum3A_348 = arith.constant dense<0.000000e+00> : vector<64xf32>
    %reduce_sum3A_349 = vector.multi_reduction <add>, %mul3A_347, %reduce_sum3A_348 [0] : vector<256x64xf32> to vector<64xf32>
    %broadcast_in_dim3A_350 = vector.shape_cast %reduce_sum3A_349 : vector<64xf32> to vector<1x64xf32>
    %add3A_351 = arith.addf %add3A_330, %broadcast_in_dim3A_350 : vector<1x64xf32>
    %get3A_352 = arith.constant 0 : index
    %get3A_353 = arith.constant 0 : index
    %get3A_354 = arith.constant 0 : index
    %get3A_355 = vector.load %arg3[%get3A_352, %get3A_353, %get3A_354] : memref<1x256x2560xf32, #tpu.memory_space<vmem>>, vector<1x256x2560xf32>
    %get3A_356 = vector.shape_cast %get3A_355 : vector<1x256x2560xf32> to vector<256x2560xf32>
    %slice3A_357 = vector.extract_strided_slice %get3A_356 {offsets = [0, 2048], sizes = [256, 128], strides = [1, 1]} : vector<256x2560xf32> to vector<256x128xf32>
    %get3A_358 = arith.constant 0 : index
    %get3A_359 = arith.constant 0 : index
    %get3A_360 = vector.load %arg5[%get3A_358, %get3A_359] : memref<128x64xf32, #tpu.memory_space<vmem>>, vector<128x64xf32>
    %dot_general3A_361 = arith.constant dense<0.000000e+00> : vector<256x64xf32>
    %dot_general3A_362 = tpu.matmul %slice3A_357, %get3A_360, %dot_general3A_361 {dimension_numbers = #tpu.dot_dimension_numbers<[1], [0], [0], [1], [0, 0, 1, 1], [], []>, precision = #tpu.contract_precision<fp32>, transpose_lhs_hint = false} : vector<256x128xf32>, vector<128x64xf32>, vector<256x64xf32> -> vector<256x64xf32>
    %add3A_363 = arith.addf %add3A_15, %dot_general3A_362 : vector<256x64xf32>
    %reduce_sum3A_364 = arith.constant dense<0.000000e+00> : vector<64xf32>
    %reduce_sum3A_365 = vector.multi_reduction <add>, %add3A_363, %reduce_sum3A_364 [0] : vector<256x64xf32> to vector<64xf32>
    %broadcast_in_dim3A_366 = vector.shape_cast %reduce_sum3A_365 : vector<64xf32> to vector<1x64xf32>
    %add3A_367 = arith.addf %add3A_346, %broadcast_in_dim3A_366 : vector<1x64xf32>
    %mul3A_368 = arith.mulf %add3A_363, %add3A_363 : vector<256x64xf32>
    %reduce_sum3A_369 = arith.constant dense<0.000000e+00> : vector<64xf32>
    %reduce_sum3A_370 = vector.multi_reduction <add>, %mul3A_368, %reduce_sum3A_369 [0] : vector<256x64xf32> to vector<64xf32>
    %broadcast_in_dim3A_371 = vector.shape_cast %reduce_sum3A_370 : vector<64xf32> to vector<1x64xf32>
    %add3A_372 = arith.addf %add3A_351, %broadcast_in_dim3A_371 : vector<1x64xf32>
    %get3A_373 = arith.constant 0 : index
    %get3A_374 = arith.constant 0 : index
    %get3A_375 = arith.constant 0 : index
    %get3A_376 = vector.load %arg3[%get3A_373, %get3A_374, %get3A_375] : memref<1x256x2560xf32, #tpu.memory_space<vmem>>, vector<1x256x2560xf32>
    %get3A_377 = vector.shape_cast %get3A_376 : vector<1x256x2560xf32> to vector<256x2560xf32>
    %slice3A_378 = vector.extract_strided_slice %get3A_377 {offsets = [0, 2176], sizes = [256, 128], strides = [1, 1]} : vector<256x2560xf32> to vector<256x128xf32>
    %get3A_379 = arith.constant 0 : index
    %get3A_380 = arith.constant 0 : index
    %get3A_381 = vector.load %arg5[%get3A_379, %get3A_380] : memref<128x64xf32, #tpu.memory_space<vmem>>, vector<128x64xf32>
    %dot_general3A_382 = arith.constant dense<0.000000e+00> : vector<256x64xf32>
    %dot_general3A_383 = tpu.matmul %slice3A_378, %get3A_381, %dot_general3A_382 {dimension_numbers = #tpu.dot_dimension_numbers<[1], [0], [0], [1], [0, 0, 1, 1], [], []>, precision = #tpu.contract_precision<fp32>, transpose_lhs_hint = false} : vector<256x128xf32>, vector<128x64xf32>, vector<256x64xf32> -> vector<256x64xf32>
    %add3A_384 = arith.addf %add3A_15, %dot_general3A_383 : vector<256x64xf32>
    %reduce_sum3A_385 = arith.constant dense<0.000000e+00> : vector<64xf32>
    %reduce_sum3A_386 = vector.multi_reduction <add>, %add3A_384, %reduce_sum3A_385 [0] : vector<256x64xf32> to vector<64xf32>
    %broadcast_in_dim3A_387 = vector.shape_cast %reduce_sum3A_386 : vector<64xf32> to vector<1x64xf32>
    %add3A_388 = arith.addf %add3A_367, %broadcast_in_dim3A_387 : vector<1x64xf32>
    %mul3A_389 = arith.mulf %add3A_384, %add3A_384 : vector<256x64xf32>
    %reduce_sum3A_390 = arith.constant dense<0.000000e+00> : vector<64xf32>
    %reduce_sum3A_391 = vector.multi_reduction <add>, %mul3A_389, %reduce_sum3A_390 [0] : vector<256x64xf32> to vector<64xf32>
    %broadcast_in_dim3A_392 = vector.shape_cast %reduce_sum3A_391 : vector<64xf32> to vector<1x64xf32>
    %add3A_393 = arith.addf %add3A_372, %broadcast_in_dim3A_392 : vector<1x64xf32>
    %get3A_394 = arith.constant 0 : index
    %get3A_395 = arith.constant 0 : index
    %get3A_396 = arith.constant 0 : index
    %get3A_397 = vector.load %arg3[%get3A_394, %get3A_395, %get3A_396] : memref<1x256x2560xf32, #tpu.memory_space<vmem>>, vector<1x256x2560xf32>
    %get3A_398 = vector.shape_cast %get3A_397 : vector<1x256x2560xf32> to vector<256x2560xf32>
    %slice3A_399 = vector.extract_strided_slice %get3A_398 {offsets = [0, 2304], sizes = [256, 128], strides = [1, 1]} : vector<256x2560xf32> to vector<256x128xf32>
    %get3A_400 = arith.constant 0 : index
    %get3A_401 = arith.constant 0 : index
    %get3A_402 = vector.load %arg5[%get3A_400, %get3A_401] : memref<128x64xf32, #tpu.memory_space<vmem>>, vector<128x64xf32>
    %dot_general3A_403 = arith.constant dense<0.000000e+00> : vector<256x64xf32>
    %dot_general3A_404 = tpu.matmul %slice3A_399, %get3A_402, %dot_general3A_403 {dimension_numbers = #tpu.dot_dimension_numbers<[1], [0], [0], [1], [0, 0, 1, 1], [], []>, precision = #tpu.contract_precision<fp32>, transpose_lhs_hint = false} : vector<256x128xf32>, vector<128x64xf32>, vector<256x64xf32> -> vector<256x64xf32>
    %add3A_405 = arith.addf %add3A_15, %dot_general3A_404 : vector<256x64xf32>
    %reduce_sum3A_406 = arith.constant dense<0.000000e+00> : vector<64xf32>
    %reduce_sum3A_407 = vector.multi_reduction <add>, %add3A_405, %reduce_sum3A_406 [0] : vector<256x64xf32> to vector<64xf32>
    %broadcast_in_dim3A_408 = vector.shape_cast %reduce_sum3A_407 : vector<64xf32> to vector<1x64xf32>
    %add3A_409 = arith.addf %add3A_388, %broadcast_in_dim3A_408 : vector<1x64xf32>
    %mul3A_410 = arith.mulf %add3A_405, %add3A_405 : vector<256x64xf32>
    %reduce_sum3A_411 = arith.constant dense<0.000000e+00> : vector<64xf32>
    %reduce_sum3A_412 = vector.multi_reduction <add>, %mul3A_410, %reduce_sum3A_411 [0] : vector<256x64xf32> to vector<64xf32>
    %broadcast_in_dim3A_413 = vector.shape_cast %reduce_sum3A_412 : vector<64xf32> to vector<1x64xf32>
    %add3A_414 = arith.addf %add3A_393, %broadcast_in_dim3A_413 : vector<1x64xf32>
    %get3A_415 = arith.constant 0 : index
    %get3A_416 = arith.constant 0 : index
    %get3A_417 = arith.constant 0 : index
    %get3A_418 = vector.load %arg3[%get3A_415, %get3A_416, %get3A_417] : memref<1x256x2560xf32, #tpu.memory_space<vmem>>, vector<1x256x2560xf32>
    %get3A_419 = vector.shape_cast %get3A_418 : vector<1x256x2560xf32> to vector<256x2560xf32>
    %slice3A_420 = vector.extract_strided_slice %get3A_419 {offsets = [0, 2432], sizes = [256, 128], strides = [1, 1]} : vector<256x2560xf32> to vector<256x128xf32>
    %get3A_421 = arith.constant 0 : index
    %get3A_422 = arith.constant 0 : index
    %get3A_423 = vector.load %arg5[%get3A_421, %get3A_422] : memref<128x64xf32, #tpu.memory_space<vmem>>, vector<128x64xf32>
    %dot_general3A_424 = arith.constant dense<0.000000e+00> : vector<256x64xf32>
    %dot_general3A_425 = tpu.matmul %slice3A_420, %get3A_423, %dot_general3A_424 {dimension_numbers = #tpu.dot_dimension_numbers<[1], [0], [0], [1], [0, 0, 1, 1], [], []>, precision = #tpu.contract_precision<fp32>, transpose_lhs_hint = false} : vector<256x128xf32>, vector<128x64xf32>, vector<256x64xf32> -> vector<256x64xf32>
    %add3A_426 = arith.addf %add3A_15, %dot_general3A_425 : vector<256x64xf32>
    %reduce_sum3A_427 = arith.constant dense<0.000000e+00> : vector<64xf32>
    %reduce_sum3A_428 = vector.multi_reduction <add>, %add3A_426, %reduce_sum3A_427 [0] : vector<256x64xf32> to vector<64xf32>
    %broadcast_in_dim3A_429 = vector.shape_cast %reduce_sum3A_428 : vector<64xf32> to vector<1x64xf32>
    %add3A_430 = arith.addf %add3A_409, %broadcast_in_dim3A_429 : vector<1x64xf32>
    %mul3A_431 = arith.mulf %add3A_426, %add3A_426 : vector<256x64xf32>
    %reduce_sum3A_432 = arith.constant dense<0.000000e+00> : vector<64xf32>
    %reduce_sum3A_433 = vector.multi_reduction <add>, %mul3A_431, %reduce_sum3A_432 [0] : vector<256x64xf32> to vector<64xf32>
    %broadcast_in_dim3A_434 = vector.shape_cast %reduce_sum3A_433 : vector<64xf32> to vector<1x64xf32>
    %add3A_435 = arith.addf %add3A_414, %broadcast_in_dim3A_434 : vector<1x64xf32>
    %get3A_436 = arith.constant 0 : index
    %get3A_437 = arith.constant 0 : index
    %get3A_438 = vector.load %arg7[%get3A_436, %get3A_437] : memref<8x128xf32, #tpu.memory_space<vmem>>, vector<1x64xf32>
    %add3A_439 = arith.addf %get3A_438, %add3A_430 : vector<1x64xf32>
    %swap3A = arith.constant 0 : index
    %swap3A_440 = arith.constant 0 : index
    %swap3A_441 = vector.load %arg7[%swap3A, %swap3A_440] : memref<8x128xf32, #tpu.memory_space<vmem>>, vector<1x64xf32>
    tpu.vector_store %arg7[%swap3A, %swap3A_440], %add3A_439 {strides = array<i32>} : memref<8x128xf32, #tpu.memory_space<vmem>>, vector<1x64xf32>,
    %get3A_442 = arith.constant 1 : index
    %get3A_443 = arith.constant 0 : index
    %get3A_444 = vector.load %arg7[%get3A_442, %get3A_443] : memref<8x128xf32, #tpu.memory_space<vmem>>, vector<1x64xf32>
    %add3A_445 = arith.addf %get3A_444, %add3A_435 : vector<1x64xf32>
    %swap3A_446 = arith.constant 1 : index
    %swap3A_447 = arith.constant 0 : index
    %swap3A_448 = vector.load %arg7[%swap3A_446, %swap3A_447] : memref<8x128xf32, #tpu.memory_space<vmem>>, vector<1x64xf32>
    tpu.vector_store %arg7[%swap3A_446, %swap3A_447], %add3A_445 {strides = array<i32>} : memref<8x128xf32, #tpu.memory_space<vmem>>, vector<1x64xf32>,
    return
  }
  func.func @transform_0(%arg0: i32, %arg1: i32) -> (i32, i32, i32) {
    %c0_i32 = arith.constant 0 : i32
    %c0_i32_0 = arith.constant 0 : i32
    return %arg0, %arg1, %c0_i32 : i32, i32, i32
  }
  func.func @transform_1(%arg0: i32, %arg1: i32) -> (i32, i32, i32) {
    %c0_i32 = arith.constant 0 : i32
    %c0_i32_0 = arith.constant 0 : i32
    return %arg0, %arg1, %c0_i32 : i32, i32, i32
  }
  func.func @transform_2(%arg0: i32, %arg1: i32) -> (i32, i32) {
    %c0_i32 = arith.constant 0 : i32
    %c0_i32_0 = arith.constant 0 : i32
    %c0_i32_1 = arith.constant 0 : i32
    return %c0_i32, %c0_i32_0 : i32, i32
  }
  func.func @transform_3(%arg0: i32, %arg1: i32) -> (i32, i32) {
    %c0_i32 = arith.constant 0 : i32
    %c0_i32_0 = arith.constant 0 : i32
    %c0_i32_1 = arith.constant 0 : i32
    return %c0_i32, %c0_i32_0 : i32, i32
  }
  func.func @transform_4(%arg0: i32, %arg1: i32) -> (i32, i32) {
    %c0_i32 = arith.constant 0 : i32
    %c0_i32_0 = arith.constant 0 : i32
    %c0_i32_1 = arith.constant 0 : i32
    return %c0_i32, %c0_i32_0 : i32, i32
  }
  func.func @transform_5(%arg0: i32, %arg1: i32) -> (i32, i32) {
    %c0_i32 = arith.constant 0 : i32
    %c0_i32_0 = arith.constant 0 : i32
    %c0_i32_1 = arith.constant 0 : i32
    return %c0_i32, %c0_i32_0 : i32, i32
  }
}

module attributes {stable_mosaic.version = 14 : i64} {
  func.func @_fused_body(%arg0: i32, %arg1: i32, %arg2: memref<1x256x3xf32, #tpu.memory_space<vmem>>, %arg3: memref<1x256x2560xf32, #tpu.memory_space<vmem>>, %arg4: memref<8x128xf32, #tpu.memory_space<vmem>>, %arg5: memref<3x64xf32, #tpu.memory_space<vmem>>, %arg6: memref<128x64xf32, #tpu.memory_space<vmem>>, %arg7: memref<1x64xf32, #tpu.memory_space<vmem>>, %arg8: memref<1x64xf32, #tpu.memory_space<vmem>>, %arg9: memref<1x64xf32, #tpu.memory_space<vmem>>, %arg10: memref<64x64xf32, #tpu.memory_space<vmem>>, %arg11: memref<1x64xf32, #tpu.memory_space<vmem>>, %arg12: memref<1x256x64xf32, #tpu.memory_space<vmem>>, %arg13: memref<1x256x64xf32, #tpu.memory_space<vmem>>, %arg14: memref<8x128xf32, #tpu.memory_space<vmem>>) attributes {dimension_semantics = [#tpu.dimension_semantics<arbitrary>, #tpu.dimension_semantics<arbitrary>], iteration_bounds = array<i64: 8, 8>, scalar_prefetch = 0 : i64, scratch_operands = 0 : i64, tpu.core_type = #tpu.core_type<tc>, window_params = [{transform_indices = @transform_0, window_bounds = array<i64: 1, 256, 3>}, {transform_indices = @transform_1, window_bounds = array<i64: 1, 256, 2560>}, {pipeline_mode = #tpu.pipeline_mode<synchronous>, transform_indices = @transform_2, window_bounds = array<i64: 8, 128>}, {pipeline_mode = #tpu.pipeline_mode<synchronous>, transform_indices = @transform_3, window_bounds = array<i64: 3, 64>}, {pipeline_mode = #tpu.pipeline_mode<synchronous>, transform_indices = @transform_4, window_bounds = array<i64: 128, 64>}, {pipeline_mode = #tpu.pipeline_mode<synchronous>, transform_indices = @transform_5, window_bounds = array<i64: 1, 64>}, {pipeline_mode = #tpu.pipeline_mode<synchronous>, transform_indices = @transform_6, window_bounds = array<i64: 1, 64>}, {pipeline_mode = #tpu.pipeline_mode<synchronous>, transform_indices = @transform_7, window_bounds = array<i64: 1, 64>}, {pipeline_mode = #tpu.pipeline_mode<synchronous>, transform_indices = @transform_8, window_bounds = array<i64: 64, 64>}, {pipeline_mode = #tpu.pipeline_mode<synchronous>, transform_indices = @transform_9, window_bounds = array<i64: 1, 64>}, {transform_indices = @transform_10, window_bounds = array<i64: 1, 256, 64>}, {transform_indices = @transform_11, window_bounds = array<i64: 1, 256, 64>}, {pipeline_mode = #tpu.pipeline_mode<synchronous>, transform_indices = @transform_12, window_bounds = array<i64: 8, 128>}]} {
    %eq3A = arith.constant 0 : i32
    %eq3A_0 = arith.cmpi eq, %arg0, %eq3A : i32
    %eq3A_1 = arith.constant 0 : i32
    %eq3A_2 = arith.cmpi eq, %arg1, %eq3A_1 : i32
    %and3A = arith.andi %eq3A_0, %eq3A_2 : i1
    %convert_element_type3A = arith.extui %and3A : i1 to i32
    %cond3A = arith.constant 0 : i32
    %cond3A_3 = arith.cmpi ne, %convert_element_type3A, %cond3A : i32
    scf.if %cond3A_3 {
      %broadcast_in_dim3A_870 = arith.constant 0.000000e+00 : f32
      %broadcast_in_dim3A_871 = vector.broadcast %broadcast_in_dim3A_870 : f32 to vector<8x128xf32>
      %swap3A_872 = arith.constant 0 : index
      %swap3A_873 = arith.constant 0 : index
      %swap3A_874 = vector.load %arg14[%swap3A_872, %swap3A_873] : memref<8x128xf32, #tpu.memory_space<vmem>>, vector<8x128xf32>
      tpu.vector_store %arg14[%swap3A_872, %swap3A_873], %broadcast_in_dim3A_871 {strides = array<i32>} : memref<8x128xf32, #tpu.memory_space<vmem>>, vector<8x128xf32>,
    } else {
    }
    %get3A = arith.constant 0 : index
    %get3A_4 = arith.constant 0 : index
    %get3A_5 = vector.load %arg4[%get3A, %get3A_4] : memref<8x128xf32, #tpu.memory_space<vmem>>, vector<1x64xf32>
    %div3A = arith.constant 3.276800e+05 : f32
    %div3A_6 = vector.broadcast %div3A : f32 to vector<1x64xf32>
    %div3A_7 = arith.divf %get3A_5, %div3A_6 : vector<1x64xf32>
    %get3A_8 = arith.constant 1 : index
    %get3A_9 = arith.constant 0 : index
    %get3A_10 = vector.load %arg4[%get3A_8, %get3A_9] : memref<8x128xf32, #tpu.memory_space<vmem>>, vector<1x64xf32>
    %div3A_11 = arith.constant 3.276800e+05 : f32
    %div3A_12 = vector.broadcast %div3A_11 : f32 to vector<1x64xf32>
    %div3A_13 = arith.divf %get3A_10, %div3A_12 : vector<1x64xf32>
    %mul3A = arith.mulf %div3A_7, %div3A_7 : vector<1x64xf32>
    %sub3A = arith.subf %div3A_13, %mul3A : vector<1x64xf32>
    %add3A = arith.constant 9.99999974E-6 : f32
    %add3A_14 = vector.broadcast %add3A : f32 to vector<1x64xf32>
    %add3A_15 = arith.addf %sub3A, %add3A_14 : vector<1x64xf32>
    %sqrt3A = math.sqrt %add3A_15 : vector<1x64xf32>
    %div3A_16 = arith.constant 1.000000e+00 : f32
    %div3A_17 = vector.broadcast %div3A_16 : f32 to vector<1x64xf32>
    %div3A_18 = arith.divf %div3A_17, %sqrt3A : vector<1x64xf32>
    %get3A_19 = arith.constant 0 : index
    %get3A_20 = arith.constant 0 : index
    %get3A_21 = vector.load %arg8[%get3A_19, %get3A_20] : memref<1x64xf32, #tpu.memory_space<vmem>>, vector<1x64xf32>
    %mul3A_22 = arith.mulf %get3A_21, %div3A_18 : vector<1x64xf32>
    %get3A_23 = arith.constant 0 : index
    %get3A_24 = arith.constant 0 : index
    %get3A_25 = vector.load %arg9[%get3A_23, %get3A_24] : memref<1x64xf32, #tpu.memory_space<vmem>>, vector<1x64xf32>
    %mul3A_26 = arith.mulf %div3A_7, %mul3A_22 : vector<1x64xf32>
    %sub3A_27 = arith.subf %get3A_25, %mul3A_26 : vector<1x64xf32>
    %get3A_28 = arith.constant 0 : index
    %get3A_29 = arith.constant 0 : index
    %get3A_30 = arith.constant 0 : index
    %get3A_31 = vector.load %arg2[%get3A_28, %get3A_29, %get3A_30] : memref<1x256x3xf32, #tpu.memory_space<vmem>>, vector<1x256x3xf32>
    %get3A_32 = vector.shape_cast %get3A_31 : vector<1x256x3xf32> to vector<256x3xf32>
    %get3A_33 = arith.constant 0 : index
    %get3A_34 = arith.constant 0 : index
    %get3A_35 = vector.load %arg5[%get3A_33, %get3A_34] : memref<3x64xf32, #tpu.memory_space<vmem>>, vector<3x64xf32>
    %dot_general3A = arith.constant dense<0.000000e+00> : vector<256x64xf32>
    %dot_general3A_36 = tpu.matmul %get3A_32, %get3A_35, %dot_general3A {dimension_numbers = #tpu.dot_dimension_numbers<[1], [0], [0], [1], [0, 0, 1, 1], [], []>, precision = #tpu.contract_precision<fp32>, transpose_lhs_hint = false} : vector<256x3xf32>, vector<3x64xf32>, vector<256x64xf32> -> vector<256x64xf32>
    %get3A_37 = arith.constant 0 : index
    %get3A_38 = arith.constant 0 : index
    %get3A_39 = vector.load %arg7[%get3A_37, %get3A_38] : memref<1x64xf32, #tpu.memory_space<vmem>>, vector<1x64xf32>
    %add3A_40 = vector.broadcast %get3A_39 : vector<1x64xf32> to vector<256x64xf32>
    %add3A_41 = arith.addf %dot_general3A_36, %add3A_40 : vector<256x64xf32>
    %broadcast_in_dim3A = arith.constant 0xFF800000 : f32
    %broadcast_in_dim3A_42 = vector.broadcast %broadcast_in_dim3A : f32 to vector<256x64xf32>
    %broadcast_in_dim3A_43 = arith.constant 0x7F800000 : f32
    %broadcast_in_dim3A_44 = vector.broadcast %broadcast_in_dim3A_43 : f32 to vector<256x64xf32>
    %broadcast_in_dim3A_45 = arith.constant 0.000000e+00 : f32
    %broadcast_in_dim3A_46 = vector.broadcast %broadcast_in_dim3A_45 : f32 to vector<1x64xf32>
    %broadcast_in_dim3A_47 = arith.constant 0.000000e+00 : f32
    %broadcast_in_dim3A_48 = vector.broadcast %broadcast_in_dim3A_47 : f32 to vector<1x64xf32>
    %get3A_49 = arith.constant 0 : index
    %get3A_50 = arith.constant 0 : index
    %get3A_51 = arith.constant 0 : index
    %get3A_52 = vector.load %arg3[%get3A_49, %get3A_50, %get3A_51] : memref<1x256x2560xf32, #tpu.memory_space<vmem>>, vector<1x256x2560xf32>
    %get3A_53 = vector.shape_cast %get3A_52 : vector<1x256x2560xf32> to vector<256x2560xf32>
    %slice3A = vector.extract_strided_slice %get3A_53 {offsets = [0, 0], sizes = [256, 128], strides = [1, 1]} : vector<256x2560xf32> to vector<256x128xf32>
    %get3A_54 = arith.constant 0 : index
    %get3A_55 = arith.constant 0 : index
    %get3A_56 = vector.load %arg6[%get3A_54, %get3A_55] : memref<128x64xf32, #tpu.memory_space<vmem>>, vector<128x64xf32>
    %dot_general3A_57 = arith.constant dense<0.000000e+00> : vector<256x64xf32>
    %dot_general3A_58 = tpu.matmul %slice3A, %get3A_56, %dot_general3A_57 {dimension_numbers = #tpu.dot_dimension_numbers<[1], [0], [0], [1], [0, 0, 1, 1], [], []>, precision = #tpu.contract_precision<fp32>, transpose_lhs_hint = false} : vector<256x128xf32>, vector<128x64xf32>, vector<256x64xf32> -> vector<256x64xf32>
    %add3A_59 = arith.addf %add3A_41, %dot_general3A_58 : vector<256x64xf32>
    %mul3A_60 = vector.broadcast %mul3A_22 : vector<1x64xf32> to vector<256x64xf32>
    %mul3A_61 = arith.mulf %mul3A_60, %add3A_59 : vector<256x64xf32>
    %add3A_62 = vector.broadcast %sub3A_27 : vector<1x64xf32> to vector<256x64xf32>
    %add3A_63 = arith.addf %mul3A_61, %add3A_62 : vector<256x64xf32>
    %max3A = arith.constant 0.000000e+00 : f32
    %max3A_64 = vector.broadcast %max3A : f32 to vector<256x64xf32>
    %max3A_65 = arith.maximumf %add3A_63, %max3A_64 : vector<256x64xf32>
    %get3A_66 = arith.constant 0 : index
    %get3A_67 = arith.constant 0 : index
    %get3A_68 = vector.load %arg10[%get3A_66, %get3A_67] : memref<64x64xf32, #tpu.memory_space<vmem>>, vector<64x64xf32>
    %dot_general3A_69 = arith.constant dense<0.000000e+00> : vector<256x64xf32>
    %dot_general3A_70 = tpu.matmul %max3A_65, %get3A_68, %dot_general3A_69 {dimension_numbers = #tpu.dot_dimension_numbers<[1], [0], [0], [1], [0, 0, 1, 1], [], []>, precision = #tpu.contract_precision<fp32>, transpose_lhs_hint = false} : vector<256x64xf32>, vector<64x64xf32>, vector<256x64xf32> -> vector<256x64xf32>
    %get3A_71 = arith.constant 0 : index
    %get3A_72 = arith.constant 0 : index
    %get3A_73 = vector.load %arg11[%get3A_71, %get3A_72] : memref<1x64xf32, #tpu.memory_space<vmem>>, vector<1x64xf32>
    %add3A_74 = vector.broadcast %get3A_73 : vector<1x64xf32> to vector<256x64xf32>
    %add3A_75 = arith.addf %dot_general3A_70, %add3A_74 : vector<256x64xf32>
    %max3A_76 = arith.maximumf %broadcast_in_dim3A_42, %add3A_75 : vector<256x64xf32>
    %min3A = arith.minimumf %broadcast_in_dim3A_44, %add3A_75 : vector<256x64xf32>
    %reduce_sum3A = arith.constant dense<0.000000e+00> : vector<64xf32>
    %reduce_sum3A_77 = vector.multi_reduction <add>, %add3A_75, %reduce_sum3A [0] : vector<256x64xf32> to vector<64xf32>
    %broadcast_in_dim3A_78 = vector.shape_cast %reduce_sum3A_77 : vector<64xf32> to vector<1x64xf32>
    %add3A_79 = arith.addf %broadcast_in_dim3A_46, %broadcast_in_dim3A_78 : vector<1x64xf32>
    %mul3A_80 = arith.mulf %add3A_75, %add3A_75 : vector<256x64xf32>
    %reduce_sum3A_81 = arith.constant dense<0.000000e+00> : vector<64xf32>
    %reduce_sum3A_82 = vector.multi_reduction <add>, %mul3A_80, %reduce_sum3A_81 [0] : vector<256x64xf32> to vector<64xf32>
    %broadcast_in_dim3A_83 = vector.shape_cast %reduce_sum3A_82 : vector<64xf32> to vector<1x64xf32>
    %add3A_84 = arith.addf %broadcast_in_dim3A_48, %broadcast_in_dim3A_83 : vector<1x64xf32>
    %get3A_85 = arith.constant 0 : index
    %get3A_86 = arith.constant 0 : index
    %get3A_87 = arith.constant 0 : index
    %get3A_88 = vector.load %arg3[%get3A_85, %get3A_86, %get3A_87] : memref<1x256x2560xf32, #tpu.memory_space<vmem>>, vector<1x256x2560xf32>
    %get3A_89 = vector.shape_cast %get3A_88 : vector<1x256x2560xf32> to vector<256x2560xf32>
    %slice3A_90 = vector.extract_strided_slice %get3A_89 {offsets = [0, 128], sizes = [256, 128], strides = [1, 1]} : vector<256x2560xf32> to vector<256x128xf32>
    %get3A_91 = arith.constant 0 : index
    %get3A_92 = arith.constant 0 : index
    %get3A_93 = vector.load %arg6[%get3A_91, %get3A_92] : memref<128x64xf32, #tpu.memory_space<vmem>>, vector<128x64xf32>
    %dot_general3A_94 = arith.constant dense<0.000000e+00> : vector<256x64xf32>
    %dot_general3A_95 = tpu.matmul %slice3A_90, %get3A_93, %dot_general3A_94 {dimension_numbers = #tpu.dot_dimension_numbers<[1], [0], [0], [1], [0, 0, 1, 1], [], []>, precision = #tpu.contract_precision<fp32>, transpose_lhs_hint = false} : vector<256x128xf32>, vector<128x64xf32>, vector<256x64xf32> -> vector<256x64xf32>
    %add3A_96 = arith.addf %add3A_41, %dot_general3A_95 : vector<256x64xf32>
    %mul3A_97 = vector.broadcast %mul3A_22 : vector<1x64xf32> to vector<256x64xf32>
    %mul3A_98 = arith.mulf %mul3A_97, %add3A_96 : vector<256x64xf32>
    %add3A_99 = vector.broadcast %sub3A_27 : vector<1x64xf32> to vector<256x64xf32>
    %add3A_100 = arith.addf %mul3A_98, %add3A_99 : vector<256x64xf32>
    %max3A_101 = arith.constant 0.000000e+00 : f32
    %max3A_102 = vector.broadcast %max3A_101 : f32 to vector<256x64xf32>
    %max3A_103 = arith.maximumf %add3A_100, %max3A_102 : vector<256x64xf32>
    %get3A_104 = arith.constant 0 : index
    %get3A_105 = arith.constant 0 : index
    %get3A_106 = vector.load %arg10[%get3A_104, %get3A_105] : memref<64x64xf32, #tpu.memory_space<vmem>>, vector<64x64xf32>
    %dot_general3A_107 = arith.constant dense<0.000000e+00> : vector<256x64xf32>
    %dot_general3A_108 = tpu.matmul %max3A_103, %get3A_106, %dot_general3A_107 {dimension_numbers = #tpu.dot_dimension_numbers<[1], [0], [0], [1], [0, 0, 1, 1], [], []>, precision = #tpu.contract_precision<fp32>, transpose_lhs_hint = false} : vector<256x64xf32>, vector<64x64xf32>, vector<256x64xf32> -> vector<256x64xf32>
    %get3A_109 = arith.constant 0 : index
    %get3A_110 = arith.constant 0 : index
    %get3A_111 = vector.load %arg11[%get3A_109, %get3A_110] : memref<1x64xf32, #tpu.memory_space<vmem>>, vector<1x64xf32>
    %add3A_112 = vector.broadcast %get3A_111 : vector<1x64xf32> to vector<256x64xf32>
    %add3A_113 = arith.addf %dot_general3A_108, %add3A_112 : vector<256x64xf32>
    %max3A_114 = arith.maximumf %max3A_76, %add3A_113 : vector<256x64xf32>
    %min3A_115 = arith.minimumf %min3A, %add3A_113 : vector<256x64xf32>
    %reduce_sum3A_116 = arith.constant dense<0.000000e+00> : vector<64xf32>
    %reduce_sum3A_117 = vector.multi_reduction <add>, %add3A_113, %reduce_sum3A_116 [0] : vector<256x64xf32> to vector<64xf32>
    %broadcast_in_dim3A_118 = vector.shape_cast %reduce_sum3A_117 : vector<64xf32> to vector<1x64xf32>
    %add3A_119 = arith.addf %add3A_79, %broadcast_in_dim3A_118 : vector<1x64xf32>
    %mul3A_120 = arith.mulf %add3A_113, %add3A_113 : vector<256x64xf32>
    %reduce_sum3A_121 = arith.constant dense<0.000000e+00> : vector<64xf32>
    %reduce_sum3A_122 = vector.multi_reduction <add>, %mul3A_120, %reduce_sum3A_121 [0] : vector<256x64xf32> to vector<64xf32>
    %broadcast_in_dim3A_123 = vector.shape_cast %reduce_sum3A_122 : vector<64xf32> to vector<1x64xf32>
    %add3A_124 = arith.addf %add3A_84, %broadcast_in_dim3A_123 : vector<1x64xf32>
    %get3A_125 = arith.constant 0 : index
    %get3A_126 = arith.constant 0 : index
    %get3A_127 = arith.constant 0 : index
    %get3A_128 = vector.load %arg3[%get3A_125, %get3A_126, %get3A_127] : memref<1x256x2560xf32, #tpu.memory_space<vmem>>, vector<1x256x2560xf32>
    %get3A_129 = vector.shape_cast %get3A_128 : vector<1x256x2560xf32> to vector<256x2560xf32>
    %slice3A_130 = vector.extract_strided_slice %get3A_129 {offsets = [0, 256], sizes = [256, 128], strides = [1, 1]} : vector<256x2560xf32> to vector<256x128xf32>
    %get3A_131 = arith.constant 0 : index
    %get3A_132 = arith.constant 0 : index
    %get3A_133 = vector.load %arg6[%get3A_131, %get3A_132] : memref<128x64xf32, #tpu.memory_space<vmem>>, vector<128x64xf32>
    %dot_general3A_134 = arith.constant dense<0.000000e+00> : vector<256x64xf32>
    %dot_general3A_135 = tpu.matmul %slice3A_130, %get3A_133, %dot_general3A_134 {dimension_numbers = #tpu.dot_dimension_numbers<[1], [0], [0], [1], [0, 0, 1, 1], [], []>, precision = #tpu.contract_precision<fp32>, transpose_lhs_hint = false} : vector<256x128xf32>, vector<128x64xf32>, vector<256x64xf32> -> vector<256x64xf32>
    %add3A_136 = arith.addf %add3A_41, %dot_general3A_135 : vector<256x64xf32>
    %mul3A_137 = vector.broadcast %mul3A_22 : vector<1x64xf32> to vector<256x64xf32>
    %mul3A_138 = arith.mulf %mul3A_137, %add3A_136 : vector<256x64xf32>
    %add3A_139 = vector.broadcast %sub3A_27 : vector<1x64xf32> to vector<256x64xf32>
    %add3A_140 = arith.addf %mul3A_138, %add3A_139 : vector<256x64xf32>
    %max3A_141 = arith.constant 0.000000e+00 : f32
    %max3A_142 = vector.broadcast %max3A_141 : f32 to vector<256x64xf32>
    %max3A_143 = arith.maximumf %add3A_140, %max3A_142 : vector<256x64xf32>
    %get3A_144 = arith.constant 0 : index
    %get3A_145 = arith.constant 0 : index
    %get3A_146 = vector.load %arg10[%get3A_144, %get3A_145] : memref<64x64xf32, #tpu.memory_space<vmem>>, vector<64x64xf32>
    %dot_general3A_147 = arith.constant dense<0.000000e+00> : vector<256x64xf32>
    %dot_general3A_148 = tpu.matmul %max3A_143, %get3A_146, %dot_general3A_147 {dimension_numbers = #tpu.dot_dimension_numbers<[1], [0], [0], [1], [0, 0, 1, 1], [], []>, precision = #tpu.contract_precision<fp32>, transpose_lhs_hint = false} : vector<256x64xf32>, vector<64x64xf32>, vector<256x64xf32> -> vector<256x64xf32>
    %get3A_149 = arith.constant 0 : index
    %get3A_150 = arith.constant 0 : index
    %get3A_151 = vector.load %arg11[%get3A_149, %get3A_150] : memref<1x64xf32, #tpu.memory_space<vmem>>, vector<1x64xf32>
    %add3A_152 = vector.broadcast %get3A_151 : vector<1x64xf32> to vector<256x64xf32>
    %add3A_153 = arith.addf %dot_general3A_148, %add3A_152 : vector<256x64xf32>
    %max3A_154 = arith.maximumf %max3A_114, %add3A_153 : vector<256x64xf32>
    %min3A_155 = arith.minimumf %min3A_115, %add3A_153 : vector<256x64xf32>
    %reduce_sum3A_156 = arith.constant dense<0.000000e+00> : vector<64xf32>
    %reduce_sum3A_157 = vector.multi_reduction <add>, %add3A_153, %reduce_sum3A_156 [0] : vector<256x64xf32> to vector<64xf32>
    %broadcast_in_dim3A_158 = vector.shape_cast %reduce_sum3A_157 : vector<64xf32> to vector<1x64xf32>
    %add3A_159 = arith.addf %add3A_119, %broadcast_in_dim3A_158 : vector<1x64xf32>
    %mul3A_160 = arith.mulf %add3A_153, %add3A_153 : vector<256x64xf32>
    %reduce_sum3A_161 = arith.constant dense<0.000000e+00> : vector<64xf32>
    %reduce_sum3A_162 = vector.multi_reduction <add>, %mul3A_160, %reduce_sum3A_161 [0] : vector<256x64xf32> to vector<64xf32>
    %broadcast_in_dim3A_163 = vector.shape_cast %reduce_sum3A_162 : vector<64xf32> to vector<1x64xf32>
    %add3A_164 = arith.addf %add3A_124, %broadcast_in_dim3A_163 : vector<1x64xf32>
    %get3A_165 = arith.constant 0 : index
    %get3A_166 = arith.constant 0 : index
    %get3A_167 = arith.constant 0 : index
    %get3A_168 = vector.load %arg3[%get3A_165, %get3A_166, %get3A_167] : memref<1x256x2560xf32, #tpu.memory_space<vmem>>, vector<1x256x2560xf32>
    %get3A_169 = vector.shape_cast %get3A_168 : vector<1x256x2560xf32> to vector<256x2560xf32>
    %slice3A_170 = vector.extract_strided_slice %get3A_169 {offsets = [0, 384], sizes = [256, 128], strides = [1, 1]} : vector<256x2560xf32> to vector<256x128xf32>
    %get3A_171 = arith.constant 0 : index
    %get3A_172 = arith.constant 0 : index
    %get3A_173 = vector.load %arg6[%get3A_171, %get3A_172] : memref<128x64xf32, #tpu.memory_space<vmem>>, vector<128x64xf32>
    %dot_general3A_174 = arith.constant dense<0.000000e+00> : vector<256x64xf32>
    %dot_general3A_175 = tpu.matmul %slice3A_170, %get3A_173, %dot_general3A_174 {dimension_numbers = #tpu.dot_dimension_numbers<[1], [0], [0], [1], [0, 0, 1, 1], [], []>, precision = #tpu.contract_precision<fp32>, transpose_lhs_hint = false} : vector<256x128xf32>, vector<128x64xf32>, vector<256x64xf32> -> vector<256x64xf32>
    %add3A_176 = arith.addf %add3A_41, %dot_general3A_175 : vector<256x64xf32>
    %mul3A_177 = vector.broadcast %mul3A_22 : vector<1x64xf32> to vector<256x64xf32>
    %mul3A_178 = arith.mulf %mul3A_177, %add3A_176 : vector<256x64xf32>
    %add3A_179 = vector.broadcast %sub3A_27 : vector<1x64xf32> to vector<256x64xf32>
    %add3A_180 = arith.addf %mul3A_178, %add3A_179 : vector<256x64xf32>
    %max3A_181 = arith.constant 0.000000e+00 : f32
    %max3A_182 = vector.broadcast %max3A_181 : f32 to vector<256x64xf32>
    %max3A_183 = arith.maximumf %add3A_180, %max3A_182 : vector<256x64xf32>
    %get3A_184 = arith.constant 0 : index
    %get3A_185 = arith.constant 0 : index
    %get3A_186 = vector.load %arg10[%get3A_184, %get3A_185] : memref<64x64xf32, #tpu.memory_space<vmem>>, vector<64x64xf32>
    %dot_general3A_187 = arith.constant dense<0.000000e+00> : vector<256x64xf32>
    %dot_general3A_188 = tpu.matmul %max3A_183, %get3A_186, %dot_general3A_187 {dimension_numbers = #tpu.dot_dimension_numbers<[1], [0], [0], [1], [0, 0, 1, 1], [], []>, precision = #tpu.contract_precision<fp32>, transpose_lhs_hint = false} : vector<256x64xf32>, vector<64x64xf32>, vector<256x64xf32> -> vector<256x64xf32>
    %get3A_189 = arith.constant 0 : index
    %get3A_190 = arith.constant 0 : index
    %get3A_191 = vector.load %arg11[%get3A_189, %get3A_190] : memref<1x64xf32, #tpu.memory_space<vmem>>, vector<1x64xf32>
    %add3A_192 = vector.broadcast %get3A_191 : vector<1x64xf32> to vector<256x64xf32>
    %add3A_193 = arith.addf %dot_general3A_188, %add3A_192 : vector<256x64xf32>
    %max3A_194 = arith.maximumf %max3A_154, %add3A_193 : vector<256x64xf32>
    %min3A_195 = arith.minimumf %min3A_155, %add3A_193 : vector<256x64xf32>
    %reduce_sum3A_196 = arith.constant dense<0.000000e+00> : vector<64xf32>
    %reduce_sum3A_197 = vector.multi_reduction <add>, %add3A_193, %reduce_sum3A_196 [0] : vector<256x64xf32> to vector<64xf32>
    %broadcast_in_dim3A_198 = vector.shape_cast %reduce_sum3A_197 : vector<64xf32> to vector<1x64xf32>
    %add3A_199 = arith.addf %add3A_159, %broadcast_in_dim3A_198 : vector<1x64xf32>
    %mul3A_200 = arith.mulf %add3A_193, %add3A_193 : vector<256x64xf32>
    %reduce_sum3A_201 = arith.constant dense<0.000000e+00> : vector<64xf32>
    %reduce_sum3A_202 = vector.multi_reduction <add>, %mul3A_200, %reduce_sum3A_201 [0] : vector<256x64xf32> to vector<64xf32>
    %broadcast_in_dim3A_203 = vector.shape_cast %reduce_sum3A_202 : vector<64xf32> to vector<1x64xf32>
    %add3A_204 = arith.addf %add3A_164, %broadcast_in_dim3A_203 : vector<1x64xf32>
    %get3A_205 = arith.constant 0 : index
    %get3A_206 = arith.constant 0 : index
    %get3A_207 = arith.constant 0 : index
    %get3A_208 = vector.load %arg3[%get3A_205, %get3A_206, %get3A_207] : memref<1x256x2560xf32, #tpu.memory_space<vmem>>, vector<1x256x2560xf32>
    %get3A_209 = vector.shape_cast %get3A_208 : vector<1x256x2560xf32> to vector<256x2560xf32>
    %slice3A_210 = vector.extract_strided_slice %get3A_209 {offsets = [0, 512], sizes = [256, 128], strides = [1, 1]} : vector<256x2560xf32> to vector<256x128xf32>
    %get3A_211 = arith.constant 0 : index
    %get3A_212 = arith.constant 0 : index
    %get3A_213 = vector.load %arg6[%get3A_211, %get3A_212] : memref<128x64xf32, #tpu.memory_space<vmem>>, vector<128x64xf32>
    %dot_general3A_214 = arith.constant dense<0.000000e+00> : vector<256x64xf32>
    %dot_general3A_215 = tpu.matmul %slice3A_210, %get3A_213, %dot_general3A_214 {dimension_numbers = #tpu.dot_dimension_numbers<[1], [0], [0], [1], [0, 0, 1, 1], [], []>, precision = #tpu.contract_precision<fp32>, transpose_lhs_hint = false} : vector<256x128xf32>, vector<128x64xf32>, vector<256x64xf32> -> vector<256x64xf32>
    %add3A_216 = arith.addf %add3A_41, %dot_general3A_215 : vector<256x64xf32>
    %mul3A_217 = vector.broadcast %mul3A_22 : vector<1x64xf32> to vector<256x64xf32>
    %mul3A_218 = arith.mulf %mul3A_217, %add3A_216 : vector<256x64xf32>
    %add3A_219 = vector.broadcast %sub3A_27 : vector<1x64xf32> to vector<256x64xf32>
    %add3A_220 = arith.addf %mul3A_218, %add3A_219 : vector<256x64xf32>
    %max3A_221 = arith.constant 0.000000e+00 : f32
    %max3A_222 = vector.broadcast %max3A_221 : f32 to vector<256x64xf32>
    %max3A_223 = arith.maximumf %add3A_220, %max3A_222 : vector<256x64xf32>
    %get3A_224 = arith.constant 0 : index
    %get3A_225 = arith.constant 0 : index
    %get3A_226 = vector.load %arg10[%get3A_224, %get3A_225] : memref<64x64xf32, #tpu.memory_space<vmem>>, vector<64x64xf32>
    %dot_general3A_227 = arith.constant dense<0.000000e+00> : vector<256x64xf32>
    %dot_general3A_228 = tpu.matmul %max3A_223, %get3A_226, %dot_general3A_227 {dimension_numbers = #tpu.dot_dimension_numbers<[1], [0], [0], [1], [0, 0, 1, 1], [], []>, precision = #tpu.contract_precision<fp32>, transpose_lhs_hint = false} : vector<256x64xf32>, vector<64x64xf32>, vector<256x64xf32> -> vector<256x64xf32>
    %get3A_229 = arith.constant 0 : index
    %get3A_230 = arith.constant 0 : index
    %get3A_231 = vector.load %arg11[%get3A_229, %get3A_230] : memref<1x64xf32, #tpu.memory_space<vmem>>, vector<1x64xf32>
    %add3A_232 = vector.broadcast %get3A_231 : vector<1x64xf32> to vector<256x64xf32>
    %add3A_233 = arith.addf %dot_general3A_228, %add3A_232 : vector<256x64xf32>
    %max3A_234 = arith.maximumf %max3A_194, %add3A_233 : vector<256x64xf32>
    %min3A_235 = arith.minimumf %min3A_195, %add3A_233 : vector<256x64xf32>
    %reduce_sum3A_236 = arith.constant dense<0.000000e+00> : vector<64xf32>
    %reduce_sum3A_237 = vector.multi_reduction <add>, %add3A_233, %reduce_sum3A_236 [0] : vector<256x64xf32> to vector<64xf32>
    %broadcast_in_dim3A_238 = vector.shape_cast %reduce_sum3A_237 : vector<64xf32> to vector<1x64xf32>
    %add3A_239 = arith.addf %add3A_199, %broadcast_in_dim3A_238 : vector<1x64xf32>
    %mul3A_240 = arith.mulf %add3A_233, %add3A_233 : vector<256x64xf32>
    %reduce_sum3A_241 = arith.constant dense<0.000000e+00> : vector<64xf32>
    %reduce_sum3A_242 = vector.multi_reduction <add>, %mul3A_240, %reduce_sum3A_241 [0] : vector<256x64xf32> to vector<64xf32>
    %broadcast_in_dim3A_243 = vector.shape_cast %reduce_sum3A_242 : vector<64xf32> to vector<1x64xf32>
    %add3A_244 = arith.addf %add3A_204, %broadcast_in_dim3A_243 : vector<1x64xf32>
    %get3A_245 = arith.constant 0 : index
    %get3A_246 = arith.constant 0 : index
    %get3A_247 = arith.constant 0 : index
    %get3A_248 = vector.load %arg3[%get3A_245, %get3A_246, %get3A_247] : memref<1x256x2560xf32, #tpu.memory_space<vmem>>, vector<1x256x2560xf32>
    %get3A_249 = vector.shape_cast %get3A_248 : vector<1x256x2560xf32> to vector<256x2560xf32>
    %slice3A_250 = vector.extract_strided_slice %get3A_249 {offsets = [0, 640], sizes = [256, 128], strides = [1, 1]} : vector<256x2560xf32> to vector<256x128xf32>
    %get3A_251 = arith.constant 0 : index
    %get3A_252 = arith.constant 0 : index
    %get3A_253 = vector.load %arg6[%get3A_251, %get3A_252] : memref<128x64xf32, #tpu.memory_space<vmem>>, vector<128x64xf32>
    %dot_general3A_254 = arith.constant dense<0.000000e+00> : vector<256x64xf32>
    %dot_general3A_255 = tpu.matmul %slice3A_250, %get3A_253, %dot_general3A_254 {dimension_numbers = #tpu.dot_dimension_numbers<[1], [0], [0], [1], [0, 0, 1, 1], [], []>, precision = #tpu.contract_precision<fp32>, transpose_lhs_hint = false} : vector<256x128xf32>, vector<128x64xf32>, vector<256x64xf32> -> vector<256x64xf32>
    %add3A_256 = arith.addf %add3A_41, %dot_general3A_255 : vector<256x64xf32>
    %mul3A_257 = vector.broadcast %mul3A_22 : vector<1x64xf32> to vector<256x64xf32>
    %mul3A_258 = arith.mulf %mul3A_257, %add3A_256 : vector<256x64xf32>
    %add3A_259 = vector.broadcast %sub3A_27 : vector<1x64xf32> to vector<256x64xf32>
    %add3A_260 = arith.addf %mul3A_258, %add3A_259 : vector<256x64xf32>
    %max3A_261 = arith.constant 0.000000e+00 : f32
    %max3A_262 = vector.broadcast %max3A_261 : f32 to vector<256x64xf32>
    %max3A_263 = arith.maximumf %add3A_260, %max3A_262 : vector<256x64xf32>
    %get3A_264 = arith.constant 0 : index
    %get3A_265 = arith.constant 0 : index
    %get3A_266 = vector.load %arg10[%get3A_264, %get3A_265] : memref<64x64xf32, #tpu.memory_space<vmem>>, vector<64x64xf32>
    %dot_general3A_267 = arith.constant dense<0.000000e+00> : vector<256x64xf32>
    %dot_general3A_268 = tpu.matmul %max3A_263, %get3A_266, %dot_general3A_267 {dimension_numbers = #tpu.dot_dimension_numbers<[1], [0], [0], [1], [0, 0, 1, 1], [], []>, precision = #tpu.contract_precision<fp32>, transpose_lhs_hint = false} : vector<256x64xf32>, vector<64x64xf32>, vector<256x64xf32> -> vector<256x64xf32>
    %get3A_269 = arith.constant 0 : index
    %get3A_270 = arith.constant 0 : index
    %get3A_271 = vector.load %arg11[%get3A_269, %get3A_270] : memref<1x64xf32, #tpu.memory_space<vmem>>, vector<1x64xf32>
    %add3A_272 = vector.broadcast %get3A_271 : vector<1x64xf32> to vector<256x64xf32>
    %add3A_273 = arith.addf %dot_general3A_268, %add3A_272 : vector<256x64xf32>
    %max3A_274 = arith.maximumf %max3A_234, %add3A_273 : vector<256x64xf32>
    %min3A_275 = arith.minimumf %min3A_235, %add3A_273 : vector<256x64xf32>
    %reduce_sum3A_276 = arith.constant dense<0.000000e+00> : vector<64xf32>
    %reduce_sum3A_277 = vector.multi_reduction <add>, %add3A_273, %reduce_sum3A_276 [0] : vector<256x64xf32> to vector<64xf32>
    %broadcast_in_dim3A_278 = vector.shape_cast %reduce_sum3A_277 : vector<64xf32> to vector<1x64xf32>
    %add3A_279 = arith.addf %add3A_239, %broadcast_in_dim3A_278 : vector<1x64xf32>
    %mul3A_280 = arith.mulf %add3A_273, %add3A_273 : vector<256x64xf32>
    %reduce_sum3A_281 = arith.constant dense<0.000000e+00> : vector<64xf32>
    %reduce_sum3A_282 = vector.multi_reduction <add>, %mul3A_280, %reduce_sum3A_281 [0] : vector<256x64xf32> to vector<64xf32>
    %broadcast_in_dim3A_283 = vector.shape_cast %reduce_sum3A_282 : vector<64xf32> to vector<1x64xf32>
    %add3A_284 = arith.addf %add3A_244, %broadcast_in_dim3A_283 : vector<1x64xf32>
    %get3A_285 = arith.constant 0 : index
    %get3A_286 = arith.constant 0 : index
    %get3A_287 = arith.constant 0 : index
    %get3A_288 = vector.load %arg3[%get3A_285, %get3A_286, %get3A_287] : memref<1x256x2560xf32, #tpu.memory_space<vmem>>, vector<1x256x2560xf32>
    %get3A_289 = vector.shape_cast %get3A_288 : vector<1x256x2560xf32> to vector<256x2560xf32>
    %slice3A_290 = vector.extract_strided_slice %get3A_289 {offsets = [0, 768], sizes = [256, 128], strides = [1, 1]} : vector<256x2560xf32> to vector<256x128xf32>
    %get3A_291 = arith.constant 0 : index
    %get3A_292 = arith.constant 0 : index
    %get3A_293 = vector.load %arg6[%get3A_291, %get3A_292] : memref<128x64xf32, #tpu.memory_space<vmem>>, vector<128x64xf32>
    %dot_general3A_294 = arith.constant dense<0.000000e+00> : vector<256x64xf32>
    %dot_general3A_295 = tpu.matmul %slice3A_290, %get3A_293, %dot_general3A_294 {dimension_numbers = #tpu.dot_dimension_numbers<[1], [0], [0], [1], [0, 0, 1, 1], [], []>, precision = #tpu.contract_precision<fp32>, transpose_lhs_hint = false} : vector<256x128xf32>, vector<128x64xf32>, vector<256x64xf32> -> vector<256x64xf32>
    %add3A_296 = arith.addf %add3A_41, %dot_general3A_295 : vector<256x64xf32>
    %mul3A_297 = vector.broadcast %mul3A_22 : vector<1x64xf32> to vector<256x64xf32>
    %mul3A_298 = arith.mulf %mul3A_297, %add3A_296 : vector<256x64xf32>
    %add3A_299 = vector.broadcast %sub3A_27 : vector<1x64xf32> to vector<256x64xf32>
    %add3A_300 = arith.addf %mul3A_298, %add3A_299 : vector<256x64xf32>
    %max3A_301 = arith.constant 0.000000e+00 : f32
    %max3A_302 = vector.broadcast %max3A_301 : f32 to vector<256x64xf32>
    %max3A_303 = arith.maximumf %add3A_300, %max3A_302 : vector<256x64xf32>
    %get3A_304 = arith.constant 0 : index
    %get3A_305 = arith.constant 0 : index
    %get3A_306 = vector.load %arg10[%get3A_304, %get3A_305] : memref<64x64xf32, #tpu.memory_space<vmem>>, vector<64x64xf32>
    %dot_general3A_307 = arith.constant dense<0.000000e+00> : vector<256x64xf32>
    %dot_general3A_308 = tpu.matmul %max3A_303, %get3A_306, %dot_general3A_307 {dimension_numbers = #tpu.dot_dimension_numbers<[1], [0], [0], [1], [0, 0, 1, 1], [], []>, precision = #tpu.contract_precision<fp32>, transpose_lhs_hint = false} : vector<256x64xf32>, vector<64x64xf32>, vector<256x64xf32> -> vector<256x64xf32>
    %get3A_309 = arith.constant 0 : index
    %get3A_310 = arith.constant 0 : index
    %get3A_311 = vector.load %arg11[%get3A_309, %get3A_310] : memref<1x64xf32, #tpu.memory_space<vmem>>, vector<1x64xf32>
    %add3A_312 = vector.broadcast %get3A_311 : vector<1x64xf32> to vector<256x64xf32>
    %add3A_313 = arith.addf %dot_general3A_308, %add3A_312 : vector<256x64xf32>
    %max3A_314 = arith.maximumf %max3A_274, %add3A_313 : vector<256x64xf32>
    %min3A_315 = arith.minimumf %min3A_275, %add3A_313 : vector<256x64xf32>
    %reduce_sum3A_316 = arith.constant dense<0.000000e+00> : vector<64xf32>
    %reduce_sum3A_317 = vector.multi_reduction <add>, %add3A_313, %reduce_sum3A_316 [0] : vector<256x64xf32> to vector<64xf32>
    %broadcast_in_dim3A_318 = vector.shape_cast %reduce_sum3A_317 : vector<64xf32> to vector<1x64xf32>
    %add3A_319 = arith.addf %add3A_279, %broadcast_in_dim3A_318 : vector<1x64xf32>
    %mul3A_320 = arith.mulf %add3A_313, %add3A_313 : vector<256x64xf32>
    %reduce_sum3A_321 = arith.constant dense<0.000000e+00> : vector<64xf32>
    %reduce_sum3A_322 = vector.multi_reduction <add>, %mul3A_320, %reduce_sum3A_321 [0] : vector<256x64xf32> to vector<64xf32>
    %broadcast_in_dim3A_323 = vector.shape_cast %reduce_sum3A_322 : vector<64xf32> to vector<1x64xf32>
    %add3A_324 = arith.addf %add3A_284, %broadcast_in_dim3A_323 : vector<1x64xf32>
    %get3A_325 = arith.constant 0 : index
    %get3A_326 = arith.constant 0 : index
    %get3A_327 = arith.constant 0 : index
    %get3A_328 = vector.load %arg3[%get3A_325, %get3A_326, %get3A_327] : memref<1x256x2560xf32, #tpu.memory_space<vmem>>, vector<1x256x2560xf32>
    %get3A_329 = vector.shape_cast %get3A_328 : vector<1x256x2560xf32> to vector<256x2560xf32>
    %slice3A_330 = vector.extract_strided_slice %get3A_329 {offsets = [0, 896], sizes = [256, 128], strides = [1, 1]} : vector<256x2560xf32> to vector<256x128xf32>
    %get3A_331 = arith.constant 0 : index
    %get3A_332 = arith.constant 0 : index
    %get3A_333 = vector.load %arg6[%get3A_331, %get3A_332] : memref<128x64xf32, #tpu.memory_space<vmem>>, vector<128x64xf32>
    %dot_general3A_334 = arith.constant dense<0.000000e+00> : vector<256x64xf32>
    %dot_general3A_335 = tpu.matmul %slice3A_330, %get3A_333, %dot_general3A_334 {dimension_numbers = #tpu.dot_dimension_numbers<[1], [0], [0], [1], [0, 0, 1, 1], [], []>, precision = #tpu.contract_precision<fp32>, transpose_lhs_hint = false} : vector<256x128xf32>, vector<128x64xf32>, vector<256x64xf32> -> vector<256x64xf32>
    %add3A_336 = arith.addf %add3A_41, %dot_general3A_335 : vector<256x64xf32>
    %mul3A_337 = vector.broadcast %mul3A_22 : vector<1x64xf32> to vector<256x64xf32>
    %mul3A_338 = arith.mulf %mul3A_337, %add3A_336 : vector<256x64xf32>
    %add3A_339 = vector.broadcast %sub3A_27 : vector<1x64xf32> to vector<256x64xf32>
    %add3A_340 = arith.addf %mul3A_338, %add3A_339 : vector<256x64xf32>
    %max3A_341 = arith.constant 0.000000e+00 : f32
    %max3A_342 = vector.broadcast %max3A_341 : f32 to vector<256x64xf32>
    %max3A_343 = arith.maximumf %add3A_340, %max3A_342 : vector<256x64xf32>
    %get3A_344 = arith.constant 0 : index
    %get3A_345 = arith.constant 0 : index
    %get3A_346 = vector.load %arg10[%get3A_344, %get3A_345] : memref<64x64xf32, #tpu.memory_space<vmem>>, vector<64x64xf32>
    %dot_general3A_347 = arith.constant dense<0.000000e+00> : vector<256x64xf32>
    %dot_general3A_348 = tpu.matmul %max3A_343, %get3A_346, %dot_general3A_347 {dimension_numbers = #tpu.dot_dimension_numbers<[1], [0], [0], [1], [0, 0, 1, 1], [], []>, precision = #tpu.contract_precision<fp32>, transpose_lhs_hint = false} : vector<256x64xf32>, vector<64x64xf32>, vector<256x64xf32> -> vector<256x64xf32>
    %get3A_349 = arith.constant 0 : index
    %get3A_350 = arith.constant 0 : index
    %get3A_351 = vector.load %arg11[%get3A_349, %get3A_350] : memref<1x64xf32, #tpu.memory_space<vmem>>, vector<1x64xf32>
    %add3A_352 = vector.broadcast %get3A_351 : vector<1x64xf32> to vector<256x64xf32>
    %add3A_353 = arith.addf %dot_general3A_348, %add3A_352 : vector<256x64xf32>
    %max3A_354 = arith.maximumf %max3A_314, %add3A_353 : vector<256x64xf32>
    %min3A_355 = arith.minimumf %min3A_315, %add3A_353 : vector<256x64xf32>
    %reduce_sum3A_356 = arith.constant dense<0.000000e+00> : vector<64xf32>
    %reduce_sum3A_357 = vector.multi_reduction <add>, %add3A_353, %reduce_sum3A_356 [0] : vector<256x64xf32> to vector<64xf32>
    %broadcast_in_dim3A_358 = vector.shape_cast %reduce_sum3A_357 : vector<64xf32> to vector<1x64xf32>
    %add3A_359 = arith.addf %add3A_319, %broadcast_in_dim3A_358 : vector<1x64xf32>
    %mul3A_360 = arith.mulf %add3A_353, %add3A_353 : vector<256x64xf32>
    %reduce_sum3A_361 = arith.constant dense<0.000000e+00> : vector<64xf32>
    %reduce_sum3A_362 = vector.multi_reduction <add>, %mul3A_360, %reduce_sum3A_361 [0] : vector<256x64xf32> to vector<64xf32>
    %broadcast_in_dim3A_363 = vector.shape_cast %reduce_sum3A_362 : vector<64xf32> to vector<1x64xf32>
    %add3A_364 = arith.addf %add3A_324, %broadcast_in_dim3A_363 : vector<1x64xf32>
    %get3A_365 = arith.constant 0 : index
    %get3A_366 = arith.constant 0 : index
    %get3A_367 = arith.constant 0 : index
    %get3A_368 = vector.load %arg3[%get3A_365, %get3A_366, %get3A_367] : memref<1x256x2560xf32, #tpu.memory_space<vmem>>, vector<1x256x2560xf32>
    %get3A_369 = vector.shape_cast %get3A_368 : vector<1x256x2560xf32> to vector<256x2560xf32>
    %slice3A_370 = vector.extract_strided_slice %get3A_369 {offsets = [0, 1024], sizes = [256, 128], strides = [1, 1]} : vector<256x2560xf32> to vector<256x128xf32>
    %get3A_371 = arith.constant 0 : index
    %get3A_372 = arith.constant 0 : index
    %get3A_373 = vector.load %arg6[%get3A_371, %get3A_372] : memref<128x64xf32, #tpu.memory_space<vmem>>, vector<128x64xf32>
    %dot_general3A_374 = arith.constant dense<0.000000e+00> : vector<256x64xf32>
    %dot_general3A_375 = tpu.matmul %slice3A_370, %get3A_373, %dot_general3A_374 {dimension_numbers = #tpu.dot_dimension_numbers<[1], [0], [0], [1], [0, 0, 1, 1], [], []>, precision = #tpu.contract_precision<fp32>, transpose_lhs_hint = false} : vector<256x128xf32>, vector<128x64xf32>, vector<256x64xf32> -> vector<256x64xf32>
    %add3A_376 = arith.addf %add3A_41, %dot_general3A_375 : vector<256x64xf32>
    %mul3A_377 = vector.broadcast %mul3A_22 : vector<1x64xf32> to vector<256x64xf32>
    %mul3A_378 = arith.mulf %mul3A_377, %add3A_376 : vector<256x64xf32>
    %add3A_379 = vector.broadcast %sub3A_27 : vector<1x64xf32> to vector<256x64xf32>
    %add3A_380 = arith.addf %mul3A_378, %add3A_379 : vector<256x64xf32>
    %max3A_381 = arith.constant 0.000000e+00 : f32
    %max3A_382 = vector.broadcast %max3A_381 : f32 to vector<256x64xf32>
    %max3A_383 = arith.maximumf %add3A_380, %max3A_382 : vector<256x64xf32>
    %get3A_384 = arith.constant 0 : index
    %get3A_385 = arith.constant 0 : index
    %get3A_386 = vector.load %arg10[%get3A_384, %get3A_385] : memref<64x64xf32, #tpu.memory_space<vmem>>, vector<64x64xf32>
    %dot_general3A_387 = arith.constant dense<0.000000e+00> : vector<256x64xf32>
    %dot_general3A_388 = tpu.matmul %max3A_383, %get3A_386, %dot_general3A_387 {dimension_numbers = #tpu.dot_dimension_numbers<[1], [0], [0], [1], [0, 0, 1, 1], [], []>, precision = #tpu.contract_precision<fp32>, transpose_lhs_hint = false} : vector<256x64xf32>, vector<64x64xf32>, vector<256x64xf32> -> vector<256x64xf32>
    %get3A_389 = arith.constant 0 : index
    %get3A_390 = arith.constant 0 : index
    %get3A_391 = vector.load %arg11[%get3A_389, %get3A_390] : memref<1x64xf32, #tpu.memory_space<vmem>>, vector<1x64xf32>
    %add3A_392 = vector.broadcast %get3A_391 : vector<1x64xf32> to vector<256x64xf32>
    %add3A_393 = arith.addf %dot_general3A_388, %add3A_392 : vector<256x64xf32>
    %max3A_394 = arith.maximumf %max3A_354, %add3A_393 : vector<256x64xf32>
    %min3A_395 = arith.minimumf %min3A_355, %add3A_393 : vector<256x64xf32>
    %reduce_sum3A_396 = arith.constant dense<0.000000e+00> : vector<64xf32>
    %reduce_sum3A_397 = vector.multi_reduction <add>, %add3A_393, %reduce_sum3A_396 [0] : vector<256x64xf32> to vector<64xf32>
    %broadcast_in_dim3A_398 = vector.shape_cast %reduce_sum3A_397 : vector<64xf32> to vector<1x64xf32>
    %add3A_399 = arith.addf %add3A_359, %broadcast_in_dim3A_398 : vector<1x64xf32>
    %mul3A_400 = arith.mulf %add3A_393, %add3A_393 : vector<256x64xf32>
    %reduce_sum3A_401 = arith.constant dense<0.000000e+00> : vector<64xf32>
    %reduce_sum3A_402 = vector.multi_reduction <add>, %mul3A_400, %reduce_sum3A_401 [0] : vector<256x64xf32> to vector<64xf32>
    %broadcast_in_dim3A_403 = vector.shape_cast %reduce_sum3A_402 : vector<64xf32> to vector<1x64xf32>
    %add3A_404 = arith.addf %add3A_364, %broadcast_in_dim3A_403 : vector<1x64xf32>
    %get3A_405 = arith.constant 0 : index
    %get3A_406 = arith.constant 0 : index
    %get3A_407 = arith.constant 0 : index
    %get3A_408 = vector.load %arg3[%get3A_405, %get3A_406, %get3A_407] : memref<1x256x2560xf32, #tpu.memory_space<vmem>>, vector<1x256x2560xf32>
    %get3A_409 = vector.shape_cast %get3A_408 : vector<1x256x2560xf32> to vector<256x2560xf32>
    %slice3A_410 = vector.extract_strided_slice %get3A_409 {offsets = [0, 1152], sizes = [256, 128], strides = [1, 1]} : vector<256x2560xf32> to vector<256x128xf32>
    %get3A_411 = arith.constant 0 : index
    %get3A_412 = arith.constant 0 : index
    %get3A_413 = vector.load %arg6[%get3A_411, %get3A_412] : memref<128x64xf32, #tpu.memory_space<vmem>>, vector<128x64xf32>
    %dot_general3A_414 = arith.constant dense<0.000000e+00> : vector<256x64xf32>
    %dot_general3A_415 = tpu.matmul %slice3A_410, %get3A_413, %dot_general3A_414 {dimension_numbers = #tpu.dot_dimension_numbers<[1], [0], [0], [1], [0, 0, 1, 1], [], []>, precision = #tpu.contract_precision<fp32>, transpose_lhs_hint = false} : vector<256x128xf32>, vector<128x64xf32>, vector<256x64xf32> -> vector<256x64xf32>
    %add3A_416 = arith.addf %add3A_41, %dot_general3A_415 : vector<256x64xf32>
    %mul3A_417 = vector.broadcast %mul3A_22 : vector<1x64xf32> to vector<256x64xf32>
    %mul3A_418 = arith.mulf %mul3A_417, %add3A_416 : vector<256x64xf32>
    %add3A_419 = vector.broadcast %sub3A_27 : vector<1x64xf32> to vector<256x64xf32>
    %add3A_420 = arith.addf %mul3A_418, %add3A_419 : vector<256x64xf32>
    %max3A_421 = arith.constant 0.000000e+00 : f32
    %max3A_422 = vector.broadcast %max3A_421 : f32 to vector<256x64xf32>
    %max3A_423 = arith.maximumf %add3A_420, %max3A_422 : vector<256x64xf32>
    %get3A_424 = arith.constant 0 : index
    %get3A_425 = arith.constant 0 : index
    %get3A_426 = vector.load %arg10[%get3A_424, %get3A_425] : memref<64x64xf32, #tpu.memory_space<vmem>>, vector<64x64xf32>
    %dot_general3A_427 = arith.constant dense<0.000000e+00> : vector<256x64xf32>
    %dot_general3A_428 = tpu.matmul %max3A_423, %get3A_426, %dot_general3A_427 {dimension_numbers = #tpu.dot_dimension_numbers<[1], [0], [0], [1], [0, 0, 1, 1], [], []>, precision = #tpu.contract_precision<fp32>, transpose_lhs_hint = false} : vector<256x64xf32>, vector<64x64xf32>, vector<256x64xf32> -> vector<256x64xf32>
    %get3A_429 = arith.constant 0 : index
    %get3A_430 = arith.constant 0 : index
    %get3A_431 = vector.load %arg11[%get3A_429, %get3A_430] : memref<1x64xf32, #tpu.memory_space<vmem>>, vector<1x64xf32>
    %add3A_432 = vector.broadcast %get3A_431 : vector<1x64xf32> to vector<256x64xf32>
    %add3A_433 = arith.addf %dot_general3A_428, %add3A_432 : vector<256x64xf32>
    %max3A_434 = arith.maximumf %max3A_394, %add3A_433 : vector<256x64xf32>
    %min3A_435 = arith.minimumf %min3A_395, %add3A_433 : vector<256x64xf32>
    %reduce_sum3A_436 = arith.constant dense<0.000000e+00> : vector<64xf32>
    %reduce_sum3A_437 = vector.multi_reduction <add>, %add3A_433, %reduce_sum3A_436 [0] : vector<256x64xf32> to vector<64xf32>
    %broadcast_in_dim3A_438 = vector.shape_cast %reduce_sum3A_437 : vector<64xf32> to vector<1x64xf32>
    %add3A_439 = arith.addf %add3A_399, %broadcast_in_dim3A_438 : vector<1x64xf32>
    %mul3A_440 = arith.mulf %add3A_433, %add3A_433 : vector<256x64xf32>
    %reduce_sum3A_441 = arith.constant dense<0.000000e+00> : vector<64xf32>
    %reduce_sum3A_442 = vector.multi_reduction <add>, %mul3A_440, %reduce_sum3A_441 [0] : vector<256x64xf32> to vector<64xf32>
    %broadcast_in_dim3A_443 = vector.shape_cast %reduce_sum3A_442 : vector<64xf32> to vector<1x64xf32>
    %add3A_444 = arith.addf %add3A_404, %broadcast_in_dim3A_443 : vector<1x64xf32>
    %get3A_445 = arith.constant 0 : index
    %get3A_446 = arith.constant 0 : index
    %get3A_447 = arith.constant 0 : index
    %get3A_448 = vector.load %arg3[%get3A_445, %get3A_446, %get3A_447] : memref<1x256x2560xf32, #tpu.memory_space<vmem>>, vector<1x256x2560xf32>
    %get3A_449 = vector.shape_cast %get3A_448 : vector<1x256x2560xf32> to vector<256x2560xf32>
    %slice3A_450 = vector.extract_strided_slice %get3A_449 {offsets = [0, 1280], sizes = [256, 128], strides = [1, 1]} : vector<256x2560xf32> to vector<256x128xf32>
    %get3A_451 = arith.constant 0 : index
    %get3A_452 = arith.constant 0 : index
    %get3A_453 = vector.load %arg6[%get3A_451, %get3A_452] : memref<128x64xf32, #tpu.memory_space<vmem>>, vector<128x64xf32>
    %dot_general3A_454 = arith.constant dense<0.000000e+00> : vector<256x64xf32>
    %dot_general3A_455 = tpu.matmul %slice3A_450, %get3A_453, %dot_general3A_454 {dimension_numbers = #tpu.dot_dimension_numbers<[1], [0], [0], [1], [0, 0, 1, 1], [], []>, precision = #tpu.contract_precision<fp32>, transpose_lhs_hint = false} : vector<256x128xf32>, vector<128x64xf32>, vector<256x64xf32> -> vector<256x64xf32>
    %add3A_456 = arith.addf %add3A_41, %dot_general3A_455 : vector<256x64xf32>
    %mul3A_457 = vector.broadcast %mul3A_22 : vector<1x64xf32> to vector<256x64xf32>
    %mul3A_458 = arith.mulf %mul3A_457, %add3A_456 : vector<256x64xf32>
    %add3A_459 = vector.broadcast %sub3A_27 : vector<1x64xf32> to vector<256x64xf32>
    %add3A_460 = arith.addf %mul3A_458, %add3A_459 : vector<256x64xf32>
    %max3A_461 = arith.constant 0.000000e+00 : f32
    %max3A_462 = vector.broadcast %max3A_461 : f32 to vector<256x64xf32>
    %max3A_463 = arith.maximumf %add3A_460, %max3A_462 : vector<256x64xf32>
    %get3A_464 = arith.constant 0 : index
    %get3A_465 = arith.constant 0 : index
    %get3A_466 = vector.load %arg10[%get3A_464, %get3A_465] : memref<64x64xf32, #tpu.memory_space<vmem>>, vector<64x64xf32>
    %dot_general3A_467 = arith.constant dense<0.000000e+00> : vector<256x64xf32>
    %dot_general3A_468 = tpu.matmul %max3A_463, %get3A_466, %dot_general3A_467 {dimension_numbers = #tpu.dot_dimension_numbers<[1], [0], [0], [1], [0, 0, 1, 1], [], []>, precision = #tpu.contract_precision<fp32>, transpose_lhs_hint = false} : vector<256x64xf32>, vector<64x64xf32>, vector<256x64xf32> -> vector<256x64xf32>
    %get3A_469 = arith.constant 0 : index
    %get3A_470 = arith.constant 0 : index
    %get3A_471 = vector.load %arg11[%get3A_469, %get3A_470] : memref<1x64xf32, #tpu.memory_space<vmem>>, vector<1x64xf32>
    %add3A_472 = vector.broadcast %get3A_471 : vector<1x64xf32> to vector<256x64xf32>
    %add3A_473 = arith.addf %dot_general3A_468, %add3A_472 : vector<256x64xf32>
    %max3A_474 = arith.maximumf %max3A_434, %add3A_473 : vector<256x64xf32>
    %min3A_475 = arith.minimumf %min3A_435, %add3A_473 : vector<256x64xf32>
    %reduce_sum3A_476 = arith.constant dense<0.000000e+00> : vector<64xf32>
    %reduce_sum3A_477 = vector.multi_reduction <add>, %add3A_473, %reduce_sum3A_476 [0] : vector<256x64xf32> to vector<64xf32>
    %broadcast_in_dim3A_478 = vector.shape_cast %reduce_sum3A_477 : vector<64xf32> to vector<1x64xf32>
    %add3A_479 = arith.addf %add3A_439, %broadcast_in_dim3A_478 : vector<1x64xf32>
    %mul3A_480 = arith.mulf %add3A_473, %add3A_473 : vector<256x64xf32>
    %reduce_sum3A_481 = arith.constant dense<0.000000e+00> : vector<64xf32>
    %reduce_sum3A_482 = vector.multi_reduction <add>, %mul3A_480, %reduce_sum3A_481 [0] : vector<256x64xf32> to vector<64xf32>
    %broadcast_in_dim3A_483 = vector.shape_cast %reduce_sum3A_482 : vector<64xf32> to vector<1x64xf32>
    %add3A_484 = arith.addf %add3A_444, %broadcast_in_dim3A_483 : vector<1x64xf32>
    %get3A_485 = arith.constant 0 : index
    %get3A_486 = arith.constant 0 : index
    %get3A_487 = arith.constant 0 : index
    %get3A_488 = vector.load %arg3[%get3A_485, %get3A_486, %get3A_487] : memref<1x256x2560xf32, #tpu.memory_space<vmem>>, vector<1x256x2560xf32>
    %get3A_489 = vector.shape_cast %get3A_488 : vector<1x256x2560xf32> to vector<256x2560xf32>
    %slice3A_490 = vector.extract_strided_slice %get3A_489 {offsets = [0, 1408], sizes = [256, 128], strides = [1, 1]} : vector<256x2560xf32> to vector<256x128xf32>
    %get3A_491 = arith.constant 0 : index
    %get3A_492 = arith.constant 0 : index
    %get3A_493 = vector.load %arg6[%get3A_491, %get3A_492] : memref<128x64xf32, #tpu.memory_space<vmem>>, vector<128x64xf32>
    %dot_general3A_494 = arith.constant dense<0.000000e+00> : vector<256x64xf32>
    %dot_general3A_495 = tpu.matmul %slice3A_490, %get3A_493, %dot_general3A_494 {dimension_numbers = #tpu.dot_dimension_numbers<[1], [0], [0], [1], [0, 0, 1, 1], [], []>, precision = #tpu.contract_precision<fp32>, transpose_lhs_hint = false} : vector<256x128xf32>, vector<128x64xf32>, vector<256x64xf32> -> vector<256x64xf32>
    %add3A_496 = arith.addf %add3A_41, %dot_general3A_495 : vector<256x64xf32>
    %mul3A_497 = vector.broadcast %mul3A_22 : vector<1x64xf32> to vector<256x64xf32>
    %mul3A_498 = arith.mulf %mul3A_497, %add3A_496 : vector<256x64xf32>
    %add3A_499 = vector.broadcast %sub3A_27 : vector<1x64xf32> to vector<256x64xf32>
    %add3A_500 = arith.addf %mul3A_498, %add3A_499 : vector<256x64xf32>
    %max3A_501 = arith.constant 0.000000e+00 : f32
    %max3A_502 = vector.broadcast %max3A_501 : f32 to vector<256x64xf32>
    %max3A_503 = arith.maximumf %add3A_500, %max3A_502 : vector<256x64xf32>
    %get3A_504 = arith.constant 0 : index
    %get3A_505 = arith.constant 0 : index
    %get3A_506 = vector.load %arg10[%get3A_504, %get3A_505] : memref<64x64xf32, #tpu.memory_space<vmem>>, vector<64x64xf32>
    %dot_general3A_507 = arith.constant dense<0.000000e+00> : vector<256x64xf32>
    %dot_general3A_508 = tpu.matmul %max3A_503, %get3A_506, %dot_general3A_507 {dimension_numbers = #tpu.dot_dimension_numbers<[1], [0], [0], [1], [0, 0, 1, 1], [], []>, precision = #tpu.contract_precision<fp32>, transpose_lhs_hint = false} : vector<256x64xf32>, vector<64x64xf32>, vector<256x64xf32> -> vector<256x64xf32>
    %get3A_509 = arith.constant 0 : index
    %get3A_510 = arith.constant 0 : index
    %get3A_511 = vector.load %arg11[%get3A_509, %get3A_510] : memref<1x64xf32, #tpu.memory_space<vmem>>, vector<1x64xf32>
    %add3A_512 = vector.broadcast %get3A_511 : vector<1x64xf32> to vector<256x64xf32>
    %add3A_513 = arith.addf %dot_general3A_508, %add3A_512 : vector<256x64xf32>
    %max3A_514 = arith.maximumf %max3A_474, %add3A_513 : vector<256x64xf32>
    %min3A_515 = arith.minimumf %min3A_475, %add3A_513 : vector<256x64xf32>
    %reduce_sum3A_516 = arith.constant dense<0.000000e+00> : vector<64xf32>
    %reduce_sum3A_517 = vector.multi_reduction <add>, %add3A_513, %reduce_sum3A_516 [0] : vector<256x64xf32> to vector<64xf32>
    %broadcast_in_dim3A_518 = vector.shape_cast %reduce_sum3A_517 : vector<64xf32> to vector<1x64xf32>
    %add3A_519 = arith.addf %add3A_479, %broadcast_in_dim3A_518 : vector<1x64xf32>
    %mul3A_520 = arith.mulf %add3A_513, %add3A_513 : vector<256x64xf32>
    %reduce_sum3A_521 = arith.constant dense<0.000000e+00> : vector<64xf32>
    %reduce_sum3A_522 = vector.multi_reduction <add>, %mul3A_520, %reduce_sum3A_521 [0] : vector<256x64xf32> to vector<64xf32>
    %broadcast_in_dim3A_523 = vector.shape_cast %reduce_sum3A_522 : vector<64xf32> to vector<1x64xf32>
    %add3A_524 = arith.addf %add3A_484, %broadcast_in_dim3A_523 : vector<1x64xf32>
    %get3A_525 = arith.constant 0 : index
    %get3A_526 = arith.constant 0 : index
    %get3A_527 = arith.constant 0 : index
    %get3A_528 = vector.load %arg3[%get3A_525, %get3A_526, %get3A_527] : memref<1x256x2560xf32, #tpu.memory_space<vmem>>, vector<1x256x2560xf32>
    %get3A_529 = vector.shape_cast %get3A_528 : vector<1x256x2560xf32> to vector<256x2560xf32>
    %slice3A_530 = vector.extract_strided_slice %get3A_529 {offsets = [0, 1536], sizes = [256, 128], strides = [1, 1]} : vector<256x2560xf32> to vector<256x128xf32>
    %get3A_531 = arith.constant 0 : index
    %get3A_532 = arith.constant 0 : index
    %get3A_533 = vector.load %arg6[%get3A_531, %get3A_532] : memref<128x64xf32, #tpu.memory_space<vmem>>, vector<128x64xf32>
    %dot_general3A_534 = arith.constant dense<0.000000e+00> : vector<256x64xf32>
    %dot_general3A_535 = tpu.matmul %slice3A_530, %get3A_533, %dot_general3A_534 {dimension_numbers = #tpu.dot_dimension_numbers<[1], [0], [0], [1], [0, 0, 1, 1], [], []>, precision = #tpu.contract_precision<fp32>, transpose_lhs_hint = false} : vector<256x128xf32>, vector<128x64xf32>, vector<256x64xf32> -> vector<256x64xf32>
    %add3A_536 = arith.addf %add3A_41, %dot_general3A_535 : vector<256x64xf32>
    %mul3A_537 = vector.broadcast %mul3A_22 : vector<1x64xf32> to vector<256x64xf32>
    %mul3A_538 = arith.mulf %mul3A_537, %add3A_536 : vector<256x64xf32>
    %add3A_539 = vector.broadcast %sub3A_27 : vector<1x64xf32> to vector<256x64xf32>
    %add3A_540 = arith.addf %mul3A_538, %add3A_539 : vector<256x64xf32>
    %max3A_541 = arith.constant 0.000000e+00 : f32
    %max3A_542 = vector.broadcast %max3A_541 : f32 to vector<256x64xf32>
    %max3A_543 = arith.maximumf %add3A_540, %max3A_542 : vector<256x64xf32>
    %get3A_544 = arith.constant 0 : index
    %get3A_545 = arith.constant 0 : index
    %get3A_546 = vector.load %arg10[%get3A_544, %get3A_545] : memref<64x64xf32, #tpu.memory_space<vmem>>, vector<64x64xf32>
    %dot_general3A_547 = arith.constant dense<0.000000e+00> : vector<256x64xf32>
    %dot_general3A_548 = tpu.matmul %max3A_543, %get3A_546, %dot_general3A_547 {dimension_numbers = #tpu.dot_dimension_numbers<[1], [0], [0], [1], [0, 0, 1, 1], [], []>, precision = #tpu.contract_precision<fp32>, transpose_lhs_hint = false} : vector<256x64xf32>, vector<64x64xf32>, vector<256x64xf32> -> vector<256x64xf32>
    %get3A_549 = arith.constant 0 : index
    %get3A_550 = arith.constant 0 : index
    %get3A_551 = vector.load %arg11[%get3A_549, %get3A_550] : memref<1x64xf32, #tpu.memory_space<vmem>>, vector<1x64xf32>
    %add3A_552 = vector.broadcast %get3A_551 : vector<1x64xf32> to vector<256x64xf32>
    %add3A_553 = arith.addf %dot_general3A_548, %add3A_552 : vector<256x64xf32>
    %max3A_554 = arith.maximumf %max3A_514, %add3A_553 : vector<256x64xf32>
    %min3A_555 = arith.minimumf %min3A_515, %add3A_553 : vector<256x64xf32>
    %reduce_sum3A_556 = arith.constant dense<0.000000e+00> : vector<64xf32>
    %reduce_sum3A_557 = vector.multi_reduction <add>, %add3A_553, %reduce_sum3A_556 [0] : vector<256x64xf32> to vector<64xf32>
    %broadcast_in_dim3A_558 = vector.shape_cast %reduce_sum3A_557 : vector<64xf32> to vector<1x64xf32>
    %add3A_559 = arith.addf %add3A_519, %broadcast_in_dim3A_558 : vector<1x64xf32>
    %mul3A_560 = arith.mulf %add3A_553, %add3A_553 : vector<256x64xf32>
    %reduce_sum3A_561 = arith.constant dense<0.000000e+00> : vector<64xf32>
    %reduce_sum3A_562 = vector.multi_reduction <add>, %mul3A_560, %reduce_sum3A_561 [0] : vector<256x64xf32> to vector<64xf32>
    %broadcast_in_dim3A_563 = vector.shape_cast %reduce_sum3A_562 : vector<64xf32> to vector<1x64xf32>
    %add3A_564 = arith.addf %add3A_524, %broadcast_in_dim3A_563 : vector<1x64xf32>
    %get3A_565 = arith.constant 0 : index
    %get3A_566 = arith.constant 0 : index
    %get3A_567 = arith.constant 0 : index
    %get3A_568 = vector.load %arg3[%get3A_565, %get3A_566, %get3A_567] : memref<1x256x2560xf32, #tpu.memory_space<vmem>>, vector<1x256x2560xf32>
    %get3A_569 = vector.shape_cast %get3A_568 : vector<1x256x2560xf32> to vector<256x2560xf32>
    %slice3A_570 = vector.extract_strided_slice %get3A_569 {offsets = [0, 1664], sizes = [256, 128], strides = [1, 1]} : vector<256x2560xf32> to vector<256x128xf32>
    %get3A_571 = arith.constant 0 : index
    %get3A_572 = arith.constant 0 : index
    %get3A_573 = vector.load %arg6[%get3A_571, %get3A_572] : memref<128x64xf32, #tpu.memory_space<vmem>>, vector<128x64xf32>
    %dot_general3A_574 = arith.constant dense<0.000000e+00> : vector<256x64xf32>
    %dot_general3A_575 = tpu.matmul %slice3A_570, %get3A_573, %dot_general3A_574 {dimension_numbers = #tpu.dot_dimension_numbers<[1], [0], [0], [1], [0, 0, 1, 1], [], []>, precision = #tpu.contract_precision<fp32>, transpose_lhs_hint = false} : vector<256x128xf32>, vector<128x64xf32>, vector<256x64xf32> -> vector<256x64xf32>
    %add3A_576 = arith.addf %add3A_41, %dot_general3A_575 : vector<256x64xf32>
    %mul3A_577 = vector.broadcast %mul3A_22 : vector<1x64xf32> to vector<256x64xf32>
    %mul3A_578 = arith.mulf %mul3A_577, %add3A_576 : vector<256x64xf32>
    %add3A_579 = vector.broadcast %sub3A_27 : vector<1x64xf32> to vector<256x64xf32>
    %add3A_580 = arith.addf %mul3A_578, %add3A_579 : vector<256x64xf32>
    %max3A_581 = arith.constant 0.000000e+00 : f32
    %max3A_582 = vector.broadcast %max3A_581 : f32 to vector<256x64xf32>
    %max3A_583 = arith.maximumf %add3A_580, %max3A_582 : vector<256x64xf32>
    %get3A_584 = arith.constant 0 : index
    %get3A_585 = arith.constant 0 : index
    %get3A_586 = vector.load %arg10[%get3A_584, %get3A_585] : memref<64x64xf32, #tpu.memory_space<vmem>>, vector<64x64xf32>
    %dot_general3A_587 = arith.constant dense<0.000000e+00> : vector<256x64xf32>
    %dot_general3A_588 = tpu.matmul %max3A_583, %get3A_586, %dot_general3A_587 {dimension_numbers = #tpu.dot_dimension_numbers<[1], [0], [0], [1], [0, 0, 1, 1], [], []>, precision = #tpu.contract_precision<fp32>, transpose_lhs_hint = false} : vector<256x64xf32>, vector<64x64xf32>, vector<256x64xf32> -> vector<256x64xf32>
    %get3A_589 = arith.constant 0 : index
    %get3A_590 = arith.constant 0 : index
    %get3A_591 = vector.load %arg11[%get3A_589, %get3A_590] : memref<1x64xf32, #tpu.memory_space<vmem>>, vector<1x64xf32>
    %add3A_592 = vector.broadcast %get3A_591 : vector<1x64xf32> to vector<256x64xf32>
    %add3A_593 = arith.addf %dot_general3A_588, %add3A_592 : vector<256x64xf32>
    %max3A_594 = arith.maximumf %max3A_554, %add3A_593 : vector<256x64xf32>
    %min3A_595 = arith.minimumf %min3A_555, %add3A_593 : vector<256x64xf32>
    %reduce_sum3A_596 = arith.constant dense<0.000000e+00> : vector<64xf32>
    %reduce_sum3A_597 = vector.multi_reduction <add>, %add3A_593, %reduce_sum3A_596 [0] : vector<256x64xf32> to vector<64xf32>
    %broadcast_in_dim3A_598 = vector.shape_cast %reduce_sum3A_597 : vector<64xf32> to vector<1x64xf32>
    %add3A_599 = arith.addf %add3A_559, %broadcast_in_dim3A_598 : vector<1x64xf32>
    %mul3A_600 = arith.mulf %add3A_593, %add3A_593 : vector<256x64xf32>
    %reduce_sum3A_601 = arith.constant dense<0.000000e+00> : vector<64xf32>
    %reduce_sum3A_602 = vector.multi_reduction <add>, %mul3A_600, %reduce_sum3A_601 [0] : vector<256x64xf32> to vector<64xf32>
    %broadcast_in_dim3A_603 = vector.shape_cast %reduce_sum3A_602 : vector<64xf32> to vector<1x64xf32>
    %add3A_604 = arith.addf %add3A_564, %broadcast_in_dim3A_603 : vector<1x64xf32>
    %get3A_605 = arith.constant 0 : index
    %get3A_606 = arith.constant 0 : index
    %get3A_607 = arith.constant 0 : index
    %get3A_608 = vector.load %arg3[%get3A_605, %get3A_606, %get3A_607] : memref<1x256x2560xf32, #tpu.memory_space<vmem>>, vector<1x256x2560xf32>
    %get3A_609 = vector.shape_cast %get3A_608 : vector<1x256x2560xf32> to vector<256x2560xf32>
    %slice3A_610 = vector.extract_strided_slice %get3A_609 {offsets = [0, 1792], sizes = [256, 128], strides = [1, 1]} : vector<256x2560xf32> to vector<256x128xf32>
    %get3A_611 = arith.constant 0 : index
    %get3A_612 = arith.constant 0 : index
    %get3A_613 = vector.load %arg6[%get3A_611, %get3A_612] : memref<128x64xf32, #tpu.memory_space<vmem>>, vector<128x64xf32>
    %dot_general3A_614 = arith.constant dense<0.000000e+00> : vector<256x64xf32>
    %dot_general3A_615 = tpu.matmul %slice3A_610, %get3A_613, %dot_general3A_614 {dimension_numbers = #tpu.dot_dimension_numbers<[1], [0], [0], [1], [0, 0, 1, 1], [], []>, precision = #tpu.contract_precision<fp32>, transpose_lhs_hint = false} : vector<256x128xf32>, vector<128x64xf32>, vector<256x64xf32> -> vector<256x64xf32>
    %add3A_616 = arith.addf %add3A_41, %dot_general3A_615 : vector<256x64xf32>
    %mul3A_617 = vector.broadcast %mul3A_22 : vector<1x64xf32> to vector<256x64xf32>
    %mul3A_618 = arith.mulf %mul3A_617, %add3A_616 : vector<256x64xf32>
    %add3A_619 = vector.broadcast %sub3A_27 : vector<1x64xf32> to vector<256x64xf32>
    %add3A_620 = arith.addf %mul3A_618, %add3A_619 : vector<256x64xf32>
    %max3A_621 = arith.constant 0.000000e+00 : f32
    %max3A_622 = vector.broadcast %max3A_621 : f32 to vector<256x64xf32>
    %max3A_623 = arith.maximumf %add3A_620, %max3A_622 : vector<256x64xf32>
    %get3A_624 = arith.constant 0 : index
    %get3A_625 = arith.constant 0 : index
    %get3A_626 = vector.load %arg10[%get3A_624, %get3A_625] : memref<64x64xf32, #tpu.memory_space<vmem>>, vector<64x64xf32>
    %dot_general3A_627 = arith.constant dense<0.000000e+00> : vector<256x64xf32>
    %dot_general3A_628 = tpu.matmul %max3A_623, %get3A_626, %dot_general3A_627 {dimension_numbers = #tpu.dot_dimension_numbers<[1], [0], [0], [1], [0, 0, 1, 1], [], []>, precision = #tpu.contract_precision<fp32>, transpose_lhs_hint = false} : vector<256x64xf32>, vector<64x64xf32>, vector<256x64xf32> -> vector<256x64xf32>
    %get3A_629 = arith.constant 0 : index
    %get3A_630 = arith.constant 0 : index
    %get3A_631 = vector.load %arg11[%get3A_629, %get3A_630] : memref<1x64xf32, #tpu.memory_space<vmem>>, vector<1x64xf32>
    %add3A_632 = vector.broadcast %get3A_631 : vector<1x64xf32> to vector<256x64xf32>
    %add3A_633 = arith.addf %dot_general3A_628, %add3A_632 : vector<256x64xf32>
    %max3A_634 = arith.maximumf %max3A_594, %add3A_633 : vector<256x64xf32>
    %min3A_635 = arith.minimumf %min3A_595, %add3A_633 : vector<256x64xf32>
    %reduce_sum3A_636 = arith.constant dense<0.000000e+00> : vector<64xf32>
    %reduce_sum3A_637 = vector.multi_reduction <add>, %add3A_633, %reduce_sum3A_636 [0] : vector<256x64xf32> to vector<64xf32>
    %broadcast_in_dim3A_638 = vector.shape_cast %reduce_sum3A_637 : vector<64xf32> to vector<1x64xf32>
    %add3A_639 = arith.addf %add3A_599, %broadcast_in_dim3A_638 : vector<1x64xf32>
    %mul3A_640 = arith.mulf %add3A_633, %add3A_633 : vector<256x64xf32>
    %reduce_sum3A_641 = arith.constant dense<0.000000e+00> : vector<64xf32>
    %reduce_sum3A_642 = vector.multi_reduction <add>, %mul3A_640, %reduce_sum3A_641 [0] : vector<256x64xf32> to vector<64xf32>
    %broadcast_in_dim3A_643 = vector.shape_cast %reduce_sum3A_642 : vector<64xf32> to vector<1x64xf32>
    %add3A_644 = arith.addf %add3A_604, %broadcast_in_dim3A_643 : vector<1x64xf32>
    %get3A_645 = arith.constant 0 : index
    %get3A_646 = arith.constant 0 : index
    %get3A_647 = arith.constant 0 : index
    %get3A_648 = vector.load %arg3[%get3A_645, %get3A_646, %get3A_647] : memref<1x256x2560xf32, #tpu.memory_space<vmem>>, vector<1x256x2560xf32>
    %get3A_649 = vector.shape_cast %get3A_648 : vector<1x256x2560xf32> to vector<256x2560xf32>
    %slice3A_650 = vector.extract_strided_slice %get3A_649 {offsets = [0, 1920], sizes = [256, 128], strides = [1, 1]} : vector<256x2560xf32> to vector<256x128xf32>
    %get3A_651 = arith.constant 0 : index
    %get3A_652 = arith.constant 0 : index
    %get3A_653 = vector.load %arg6[%get3A_651, %get3A_652] : memref<128x64xf32, #tpu.memory_space<vmem>>, vector<128x64xf32>
    %dot_general3A_654 = arith.constant dense<0.000000e+00> : vector<256x64xf32>
    %dot_general3A_655 = tpu.matmul %slice3A_650, %get3A_653, %dot_general3A_654 {dimension_numbers = #tpu.dot_dimension_numbers<[1], [0], [0], [1], [0, 0, 1, 1], [], []>, precision = #tpu.contract_precision<fp32>, transpose_lhs_hint = false} : vector<256x128xf32>, vector<128x64xf32>, vector<256x64xf32> -> vector<256x64xf32>
    %add3A_656 = arith.addf %add3A_41, %dot_general3A_655 : vector<256x64xf32>
    %mul3A_657 = vector.broadcast %mul3A_22 : vector<1x64xf32> to vector<256x64xf32>
    %mul3A_658 = arith.mulf %mul3A_657, %add3A_656 : vector<256x64xf32>
    %add3A_659 = vector.broadcast %sub3A_27 : vector<1x64xf32> to vector<256x64xf32>
    %add3A_660 = arith.addf %mul3A_658, %add3A_659 : vector<256x64xf32>
    %max3A_661 = arith.constant 0.000000e+00 : f32
    %max3A_662 = vector.broadcast %max3A_661 : f32 to vector<256x64xf32>
    %max3A_663 = arith.maximumf %add3A_660, %max3A_662 : vector<256x64xf32>
    %get3A_664 = arith.constant 0 : index
    %get3A_665 = arith.constant 0 : index
    %get3A_666 = vector.load %arg10[%get3A_664, %get3A_665] : memref<64x64xf32, #tpu.memory_space<vmem>>, vector<64x64xf32>
    %dot_general3A_667 = arith.constant dense<0.000000e+00> : vector<256x64xf32>
    %dot_general3A_668 = tpu.matmul %max3A_663, %get3A_666, %dot_general3A_667 {dimension_numbers = #tpu.dot_dimension_numbers<[1], [0], [0], [1], [0, 0, 1, 1], [], []>, precision = #tpu.contract_precision<fp32>, transpose_lhs_hint = false} : vector<256x64xf32>, vector<64x64xf32>, vector<256x64xf32> -> vector<256x64xf32>
    %get3A_669 = arith.constant 0 : index
    %get3A_670 = arith.constant 0 : index
    %get3A_671 = vector.load %arg11[%get3A_669, %get3A_670] : memref<1x64xf32, #tpu.memory_space<vmem>>, vector<1x64xf32>
    %add3A_672 = vector.broadcast %get3A_671 : vector<1x64xf32> to vector<256x64xf32>
    %add3A_673 = arith.addf %dot_general3A_668, %add3A_672 : vector<256x64xf32>
    %max3A_674 = arith.maximumf %max3A_634, %add3A_673 : vector<256x64xf32>
    %min3A_675 = arith.minimumf %min3A_635, %add3A_673 : vector<256x64xf32>
    %reduce_sum3A_676 = arith.constant dense<0.000000e+00> : vector<64xf32>
    %reduce_sum3A_677 = vector.multi_reduction <add>, %add3A_673, %reduce_sum3A_676 [0] : vector<256x64xf32> to vector<64xf32>
    %broadcast_in_dim3A_678 = vector.shape_cast %reduce_sum3A_677 : vector<64xf32> to vector<1x64xf32>
    %add3A_679 = arith.addf %add3A_639, %broadcast_in_dim3A_678 : vector<1x64xf32>
    %mul3A_680 = arith.mulf %add3A_673, %add3A_673 : vector<256x64xf32>
    %reduce_sum3A_681 = arith.constant dense<0.000000e+00> : vector<64xf32>
    %reduce_sum3A_682 = vector.multi_reduction <add>, %mul3A_680, %reduce_sum3A_681 [0] : vector<256x64xf32> to vector<64xf32>
    %broadcast_in_dim3A_683 = vector.shape_cast %reduce_sum3A_682 : vector<64xf32> to vector<1x64xf32>
    %add3A_684 = arith.addf %add3A_644, %broadcast_in_dim3A_683 : vector<1x64xf32>
    %get3A_685 = arith.constant 0 : index
    %get3A_686 = arith.constant 0 : index
    %get3A_687 = arith.constant 0 : index
    %get3A_688 = vector.load %arg3[%get3A_685, %get3A_686, %get3A_687] : memref<1x256x2560xf32, #tpu.memory_space<vmem>>, vector<1x256x2560xf32>
    %get3A_689 = vector.shape_cast %get3A_688 : vector<1x256x2560xf32> to vector<256x2560xf32>
    %slice3A_690 = vector.extract_strided_slice %get3A_689 {offsets = [0, 2048], sizes = [256, 128], strides = [1, 1]} : vector<256x2560xf32> to vector<256x128xf32>
    %get3A_691 = arith.constant 0 : index
    %get3A_692 = arith.constant 0 : index
    %get3A_693 = vector.load %arg6[%get3A_691, %get3A_692] : memref<128x64xf32, #tpu.memory_space<vmem>>, vector<128x64xf32>
    %dot_general3A_694 = arith.constant dense<0.000000e+00> : vector<256x64xf32>
    %dot_general3A_695 = tpu.matmul %slice3A_690, %get3A_693, %dot_general3A_694 {dimension_numbers = #tpu.dot_dimension_numbers<[1], [0], [0], [1], [0, 0, 1, 1], [], []>, precision = #tpu.contract_precision<fp32>, transpose_lhs_hint = false} : vector<256x128xf32>, vector<128x64xf32>, vector<256x64xf32> -> vector<256x64xf32>
    %add3A_696 = arith.addf %add3A_41, %dot_general3A_695 : vector<256x64xf32>
    %mul3A_697 = vector.broadcast %mul3A_22 : vector<1x64xf32> to vector<256x64xf32>
    %mul3A_698 = arith.mulf %mul3A_697, %add3A_696 : vector<256x64xf32>
    %add3A_699 = vector.broadcast %sub3A_27 : vector<1x64xf32> to vector<256x64xf32>
    %add3A_700 = arith.addf %mul3A_698, %add3A_699 : vector<256x64xf32>
    %max3A_701 = arith.constant 0.000000e+00 : f32
    %max3A_702 = vector.broadcast %max3A_701 : f32 to vector<256x64xf32>
    %max3A_703 = arith.maximumf %add3A_700, %max3A_702 : vector<256x64xf32>
    %get3A_704 = arith.constant 0 : index
    %get3A_705 = arith.constant 0 : index
    %get3A_706 = vector.load %arg10[%get3A_704, %get3A_705] : memref<64x64xf32, #tpu.memory_space<vmem>>, vector<64x64xf32>
    %dot_general3A_707 = arith.constant dense<0.000000e+00> : vector<256x64xf32>
    %dot_general3A_708 = tpu.matmul %max3A_703, %get3A_706, %dot_general3A_707 {dimension_numbers = #tpu.dot_dimension_numbers<[1], [0], [0], [1], [0, 0, 1, 1], [], []>, precision = #tpu.contract_precision<fp32>, transpose_lhs_hint = false} : vector<256x64xf32>, vector<64x64xf32>, vector<256x64xf32> -> vector<256x64xf32>
    %get3A_709 = arith.constant 0 : index
    %get3A_710 = arith.constant 0 : index
    %get3A_711 = vector.load %arg11[%get3A_709, %get3A_710] : memref<1x64xf32, #tpu.memory_space<vmem>>, vector<1x64xf32>
    %add3A_712 = vector.broadcast %get3A_711 : vector<1x64xf32> to vector<256x64xf32>
    %add3A_713 = arith.addf %dot_general3A_708, %add3A_712 : vector<256x64xf32>
    %max3A_714 = arith.maximumf %max3A_674, %add3A_713 : vector<256x64xf32>
    %min3A_715 = arith.minimumf %min3A_675, %add3A_713 : vector<256x64xf32>
    %reduce_sum3A_716 = arith.constant dense<0.000000e+00> : vector<64xf32>
    %reduce_sum3A_717 = vector.multi_reduction <add>, %add3A_713, %reduce_sum3A_716 [0] : vector<256x64xf32> to vector<64xf32>
    %broadcast_in_dim3A_718 = vector.shape_cast %reduce_sum3A_717 : vector<64xf32> to vector<1x64xf32>
    %add3A_719 = arith.addf %add3A_679, %broadcast_in_dim3A_718 : vector<1x64xf32>
    %mul3A_720 = arith.mulf %add3A_713, %add3A_713 : vector<256x64xf32>
    %reduce_sum3A_721 = arith.constant dense<0.000000e+00> : vector<64xf32>
    %reduce_sum3A_722 = vector.multi_reduction <add>, %mul3A_720, %reduce_sum3A_721 [0] : vector<256x64xf32> to vector<64xf32>
    %broadcast_in_dim3A_723 = vector.shape_cast %reduce_sum3A_722 : vector<64xf32> to vector<1x64xf32>
    %add3A_724 = arith.addf %add3A_684, %broadcast_in_dim3A_723 : vector<1x64xf32>
    %get3A_725 = arith.constant 0 : index
    %get3A_726 = arith.constant 0 : index
    %get3A_727 = arith.constant 0 : index
    %get3A_728 = vector.load %arg3[%get3A_725, %get3A_726, %get3A_727] : memref<1x256x2560xf32, #tpu.memory_space<vmem>>, vector<1x256x2560xf32>
    %get3A_729 = vector.shape_cast %get3A_728 : vector<1x256x2560xf32> to vector<256x2560xf32>
    %slice3A_730 = vector.extract_strided_slice %get3A_729 {offsets = [0, 2176], sizes = [256, 128], strides = [1, 1]} : vector<256x2560xf32> to vector<256x128xf32>
    %get3A_731 = arith.constant 0 : index
    %get3A_732 = arith.constant 0 : index
    %get3A_733 = vector.load %arg6[%get3A_731, %get3A_732] : memref<128x64xf32, #tpu.memory_space<vmem>>, vector<128x64xf32>
    %dot_general3A_734 = arith.constant dense<0.000000e+00> : vector<256x64xf32>
    %dot_general3A_735 = tpu.matmul %slice3A_730, %get3A_733, %dot_general3A_734 {dimension_numbers = #tpu.dot_dimension_numbers<[1], [0], [0], [1], [0, 0, 1, 1], [], []>, precision = #tpu.contract_precision<fp32>, transpose_lhs_hint = false} : vector<256x128xf32>, vector<128x64xf32>, vector<256x64xf32> -> vector<256x64xf32>
    %add3A_736 = arith.addf %add3A_41, %dot_general3A_735 : vector<256x64xf32>
    %mul3A_737 = vector.broadcast %mul3A_22 : vector<1x64xf32> to vector<256x64xf32>
    %mul3A_738 = arith.mulf %mul3A_737, %add3A_736 : vector<256x64xf32>
    %add3A_739 = vector.broadcast %sub3A_27 : vector<1x64xf32> to vector<256x64xf32>
    %add3A_740 = arith.addf %mul3A_738, %add3A_739 : vector<256x64xf32>
    %max3A_741 = arith.constant 0.000000e+00 : f32
    %max3A_742 = vector.broadcast %max3A_741 : f32 to vector<256x64xf32>
    %max3A_743 = arith.maximumf %add3A_740, %max3A_742 : vector<256x64xf32>
    %get3A_744 = arith.constant 0 : index
    %get3A_745 = arith.constant 0 : index
    %get3A_746 = vector.load %arg10[%get3A_744, %get3A_745] : memref<64x64xf32, #tpu.memory_space<vmem>>, vector<64x64xf32>
    %dot_general3A_747 = arith.constant dense<0.000000e+00> : vector<256x64xf32>
    %dot_general3A_748 = tpu.matmul %max3A_743, %get3A_746, %dot_general3A_747 {dimension_numbers = #tpu.dot_dimension_numbers<[1], [0], [0], [1], [0, 0, 1, 1], [], []>, precision = #tpu.contract_precision<fp32>, transpose_lhs_hint = false} : vector<256x64xf32>, vector<64x64xf32>, vector<256x64xf32> -> vector<256x64xf32>
    %get3A_749 = arith.constant 0 : index
    %get3A_750 = arith.constant 0 : index
    %get3A_751 = vector.load %arg11[%get3A_749, %get3A_750] : memref<1x64xf32, #tpu.memory_space<vmem>>, vector<1x64xf32>
    %add3A_752 = vector.broadcast %get3A_751 : vector<1x64xf32> to vector<256x64xf32>
    %add3A_753 = arith.addf %dot_general3A_748, %add3A_752 : vector<256x64xf32>
    %max3A_754 = arith.maximumf %max3A_714, %add3A_753 : vector<256x64xf32>
    %min3A_755 = arith.minimumf %min3A_715, %add3A_753 : vector<256x64xf32>
    %reduce_sum3A_756 = arith.constant dense<0.000000e+00> : vector<64xf32>
    %reduce_sum3A_757 = vector.multi_reduction <add>, %add3A_753, %reduce_sum3A_756 [0] : vector<256x64xf32> to vector<64xf32>
    %broadcast_in_dim3A_758 = vector.shape_cast %reduce_sum3A_757 : vector<64xf32> to vector<1x64xf32>
    %add3A_759 = arith.addf %add3A_719, %broadcast_in_dim3A_758 : vector<1x64xf32>
    %mul3A_760 = arith.mulf %add3A_753, %add3A_753 : vector<256x64xf32>
    %reduce_sum3A_761 = arith.constant dense<0.000000e+00> : vector<64xf32>
    %reduce_sum3A_762 = vector.multi_reduction <add>, %mul3A_760, %reduce_sum3A_761 [0] : vector<256x64xf32> to vector<64xf32>
    %broadcast_in_dim3A_763 = vector.shape_cast %reduce_sum3A_762 : vector<64xf32> to vector<1x64xf32>
    %add3A_764 = arith.addf %add3A_724, %broadcast_in_dim3A_763 : vector<1x64xf32>
    %get3A_765 = arith.constant 0 : index
    %get3A_766 = arith.constant 0 : index
    %get3A_767 = arith.constant 0 : index
    %get3A_768 = vector.load %arg3[%get3A_765, %get3A_766, %get3A_767] : memref<1x256x2560xf32, #tpu.memory_space<vmem>>, vector<1x256x2560xf32>
    %get3A_769 = vector.shape_cast %get3A_768 : vector<1x256x2560xf32> to vector<256x2560xf32>
    %slice3A_770 = vector.extract_strided_slice %get3A_769 {offsets = [0, 2304], sizes = [256, 128], strides = [1, 1]} : vector<256x2560xf32> to vector<256x128xf32>
    %get3A_771 = arith.constant 0 : index
    %get3A_772 = arith.constant 0 : index
    %get3A_773 = vector.load %arg6[%get3A_771, %get3A_772] : memref<128x64xf32, #tpu.memory_space<vmem>>, vector<128x64xf32>
    %dot_general3A_774 = arith.constant dense<0.000000e+00> : vector<256x64xf32>
    %dot_general3A_775 = tpu.matmul %slice3A_770, %get3A_773, %dot_general3A_774 {dimension_numbers = #tpu.dot_dimension_numbers<[1], [0], [0], [1], [0, 0, 1, 1], [], []>, precision = #tpu.contract_precision<fp32>, transpose_lhs_hint = false} : vector<256x128xf32>, vector<128x64xf32>, vector<256x64xf32> -> vector<256x64xf32>
    %add3A_776 = arith.addf %add3A_41, %dot_general3A_775 : vector<256x64xf32>
    %mul3A_777 = vector.broadcast %mul3A_22 : vector<1x64xf32> to vector<256x64xf32>
    %mul3A_778 = arith.mulf %mul3A_777, %add3A_776 : vector<256x64xf32>
    %add3A_779 = vector.broadcast %sub3A_27 : vector<1x64xf32> to vector<256x64xf32>
    %add3A_780 = arith.addf %mul3A_778, %add3A_779 : vector<256x64xf32>
    %max3A_781 = arith.constant 0.000000e+00 : f32
    %max3A_782 = vector.broadcast %max3A_781 : f32 to vector<256x64xf32>
    %max3A_783 = arith.maximumf %add3A_780, %max3A_782 : vector<256x64xf32>
    %get3A_784 = arith.constant 0 : index
    %get3A_785 = arith.constant 0 : index
    %get3A_786 = vector.load %arg10[%get3A_784, %get3A_785] : memref<64x64xf32, #tpu.memory_space<vmem>>, vector<64x64xf32>
    %dot_general3A_787 = arith.constant dense<0.000000e+00> : vector<256x64xf32>
    %dot_general3A_788 = tpu.matmul %max3A_783, %get3A_786, %dot_general3A_787 {dimension_numbers = #tpu.dot_dimension_numbers<[1], [0], [0], [1], [0, 0, 1, 1], [], []>, precision = #tpu.contract_precision<fp32>, transpose_lhs_hint = false} : vector<256x64xf32>, vector<64x64xf32>, vector<256x64xf32> -> vector<256x64xf32>
    %get3A_789 = arith.constant 0 : index
    %get3A_790 = arith.constant 0 : index
    %get3A_791 = vector.load %arg11[%get3A_789, %get3A_790] : memref<1x64xf32, #tpu.memory_space<vmem>>, vector<1x64xf32>
    %add3A_792 = vector.broadcast %get3A_791 : vector<1x64xf32> to vector<256x64xf32>
    %add3A_793 = arith.addf %dot_general3A_788, %add3A_792 : vector<256x64xf32>
    %max3A_794 = arith.maximumf %max3A_754, %add3A_793 : vector<256x64xf32>
    %min3A_795 = arith.minimumf %min3A_755, %add3A_793 : vector<256x64xf32>
    %reduce_sum3A_796 = arith.constant dense<0.000000e+00> : vector<64xf32>
    %reduce_sum3A_797 = vector.multi_reduction <add>, %add3A_793, %reduce_sum3A_796 [0] : vector<256x64xf32> to vector<64xf32>
    %broadcast_in_dim3A_798 = vector.shape_cast %reduce_sum3A_797 : vector<64xf32> to vector<1x64xf32>
    %add3A_799 = arith.addf %add3A_759, %broadcast_in_dim3A_798 : vector<1x64xf32>
    %mul3A_800 = arith.mulf %add3A_793, %add3A_793 : vector<256x64xf32>
    %reduce_sum3A_801 = arith.constant dense<0.000000e+00> : vector<64xf32>
    %reduce_sum3A_802 = vector.multi_reduction <add>, %mul3A_800, %reduce_sum3A_801 [0] : vector<256x64xf32> to vector<64xf32>
    %broadcast_in_dim3A_803 = vector.shape_cast %reduce_sum3A_802 : vector<64xf32> to vector<1x64xf32>
    %add3A_804 = arith.addf %add3A_764, %broadcast_in_dim3A_803 : vector<1x64xf32>
    %get3A_805 = arith.constant 0 : index
    %get3A_806 = arith.constant 0 : index
    %get3A_807 = arith.constant 0 : index
    %get3A_808 = vector.load %arg3[%get3A_805, %get3A_806, %get3A_807] : memref<1x256x2560xf32, #tpu.memory_space<vmem>>, vector<1x256x2560xf32>
    %get3A_809 = vector.shape_cast %get3A_808 : vector<1x256x2560xf32> to vector<256x2560xf32>
    %slice3A_810 = vector.extract_strided_slice %get3A_809 {offsets = [0, 2432], sizes = [256, 128], strides = [1, 1]} : vector<256x2560xf32> to vector<256x128xf32>
    %get3A_811 = arith.constant 0 : index
    %get3A_812 = arith.constant 0 : index
    %get3A_813 = vector.load %arg6[%get3A_811, %get3A_812] : memref<128x64xf32, #tpu.memory_space<vmem>>, vector<128x64xf32>
    %dot_general3A_814 = arith.constant dense<0.000000e+00> : vector<256x64xf32>
    %dot_general3A_815 = tpu.matmul %slice3A_810, %get3A_813, %dot_general3A_814 {dimension_numbers = #tpu.dot_dimension_numbers<[1], [0], [0], [1], [0, 0, 1, 1], [], []>, precision = #tpu.contract_precision<fp32>, transpose_lhs_hint = false} : vector<256x128xf32>, vector<128x64xf32>, vector<256x64xf32> -> vector<256x64xf32>
    %add3A_816 = arith.addf %add3A_41, %dot_general3A_815 : vector<256x64xf32>
    %mul3A_817 = vector.broadcast %mul3A_22 : vector<1x64xf32> to vector<256x64xf32>
    %mul3A_818 = arith.mulf %mul3A_817, %add3A_816 : vector<256x64xf32>
    %add3A_819 = vector.broadcast %sub3A_27 : vector<1x64xf32> to vector<256x64xf32>
    %add3A_820 = arith.addf %mul3A_818, %add3A_819 : vector<256x64xf32>
    %max3A_821 = arith.constant 0.000000e+00 : f32
    %max3A_822 = vector.broadcast %max3A_821 : f32 to vector<256x64xf32>
    %max3A_823 = arith.maximumf %add3A_820, %max3A_822 : vector<256x64xf32>
    %get3A_824 = arith.constant 0 : index
    %get3A_825 = arith.constant 0 : index
    %get3A_826 = vector.load %arg10[%get3A_824, %get3A_825] : memref<64x64xf32, #tpu.memory_space<vmem>>, vector<64x64xf32>
    %dot_general3A_827 = arith.constant dense<0.000000e+00> : vector<256x64xf32>
    %dot_general3A_828 = tpu.matmul %max3A_823, %get3A_826, %dot_general3A_827 {dimension_numbers = #tpu.dot_dimension_numbers<[1], [0], [0], [1], [0, 0, 1, 1], [], []>, precision = #tpu.contract_precision<fp32>, transpose_lhs_hint = false} : vector<256x64xf32>, vector<64x64xf32>, vector<256x64xf32> -> vector<256x64xf32>
    %get3A_829 = arith.constant 0 : index
    %get3A_830 = arith.constant 0 : index
    %get3A_831 = vector.load %arg11[%get3A_829, %get3A_830] : memref<1x64xf32, #tpu.memory_space<vmem>>, vector<1x64xf32>
    %add3A_832 = vector.broadcast %get3A_831 : vector<1x64xf32> to vector<256x64xf32>
    %add3A_833 = arith.addf %dot_general3A_828, %add3A_832 : vector<256x64xf32>
    %max3A_834 = arith.maximumf %max3A_794, %add3A_833 : vector<256x64xf32>
    %min3A_835 = arith.minimumf %min3A_795, %add3A_833 : vector<256x64xf32>
    %reduce_sum3A_836 = arith.constant dense<0.000000e+00> : vector<64xf32>
    %reduce_sum3A_837 = vector.multi_reduction <add>, %add3A_833, %reduce_sum3A_836 [0] : vector<256x64xf32> to vector<64xf32>
    %broadcast_in_dim3A_838 = vector.shape_cast %reduce_sum3A_837 : vector<64xf32> to vector<1x64xf32>
    %add3A_839 = arith.addf %add3A_799, %broadcast_in_dim3A_838 : vector<1x64xf32>
    %mul3A_840 = arith.mulf %add3A_833, %add3A_833 : vector<256x64xf32>
    %reduce_sum3A_841 = arith.constant dense<0.000000e+00> : vector<64xf32>
    %reduce_sum3A_842 = vector.multi_reduction <add>, %mul3A_840, %reduce_sum3A_841 [0] : vector<256x64xf32> to vector<64xf32>
    %broadcast_in_dim3A_843 = vector.shape_cast %reduce_sum3A_842 : vector<64xf32> to vector<1x64xf32>
    %add3A_844 = arith.addf %add3A_804, %broadcast_in_dim3A_843 : vector<1x64xf32>
    %swap3A = arith.constant 0 : index
    %swap3A_845 = arith.constant 0 : index
    %swap3A_846 = arith.constant 0 : index
    %swap3A_847 = vector.load %arg12[%swap3A, %swap3A_845, %swap3A_846] : memref<1x256x64xf32, #tpu.memory_space<vmem>>, vector<1x256x64xf32>
    %swap3A_848 = vector.shape_cast %swap3A_847 : vector<1x256x64xf32> to vector<256x64xf32>
    %swap3A_849 = vector.shape_cast %max3A_834 : vector<256x64xf32> to vector<1x256x64xf32>
    tpu.vector_store %arg12[%swap3A, %swap3A_845, %swap3A_846], %swap3A_849 {strides = array<i32>} : memref<1x256x64xf32, #tpu.memory_space<vmem>>, vector<1x256x64xf32>,
    %swap3A_850 = arith.constant 0 : index
    %swap3A_851 = arith.constant 0 : index
    %swap3A_852 = arith.constant 0 : index
    %swap3A_853 = vector.load %arg13[%swap3A_850, %swap3A_851, %swap3A_852] : memref<1x256x64xf32, #tpu.memory_space<vmem>>, vector<1x256x64xf32>
    %swap3A_854 = vector.shape_cast %swap3A_853 : vector<1x256x64xf32> to vector<256x64xf32>
    %swap3A_855 = vector.shape_cast %min3A_835 : vector<256x64xf32> to vector<1x256x64xf32>
    tpu.vector_store %arg13[%swap3A_850, %swap3A_851, %swap3A_852], %swap3A_855 {strides = array<i32>} : memref<1x256x64xf32, #tpu.memory_space<vmem>>, vector<1x256x64xf32>,
    %get3A_856 = arith.constant 0 : index
    %get3A_857 = arith.constant 0 : index
    %get3A_858 = vector.load %arg14[%get3A_856, %get3A_857] : memref<8x128xf32, #tpu.memory_space<vmem>>, vector<1x64xf32>
    %add3A_859 = arith.addf %get3A_858, %add3A_839 : vector<1x64xf32>
    %swap3A_860 = arith.constant 0 : index
    %swap3A_861 = arith.constant 0 : index
    %swap3A_862 = vector.load %arg14[%swap3A_860, %swap3A_861] : memref<8x128xf32, #tpu.memory_space<vmem>>, vector<1x64xf32>
    tpu.vector_store %arg14[%swap3A_860, %swap3A_861], %add3A_859 {strides = array<i32>} : memref<8x128xf32, #tpu.memory_space<vmem>>, vector<1x64xf32>,
    %get3A_863 = arith.constant 1 : index
    %get3A_864 = arith.constant 0 : index
    %get3A_865 = vector.load %arg14[%get3A_863, %get3A_864] : memref<8x128xf32, #tpu.memory_space<vmem>>, vector<1x64xf32>
    %add3A_866 = arith.addf %get3A_865, %add3A_844 : vector<1x64xf32>
    %swap3A_867 = arith.constant 1 : index
    %swap3A_868 = arith.constant 0 : index
    %swap3A_869 = vector.load %arg14[%swap3A_867, %swap3A_868] : memref<8x128xf32, #tpu.memory_space<vmem>>, vector<1x64xf32>
    tpu.vector_store %arg14[%swap3A_867, %swap3A_868], %add3A_866 {strides = array<i32>} : memref<8x128xf32, #tpu.memory_space<vmem>>, vector<1x64xf32>,
    return
  }
  func.func @transform_0(%arg0: i32, %arg1: i32) -> (i32, i32, i32) {
    %c0_i32 = arith.constant 0 : i32
    %c0_i32_0 = arith.constant 0 : i32
    return %arg0, %arg1, %c0_i32 : i32, i32, i32
  }
  func.func @transform_1(%arg0: i32, %arg1: i32) -> (i32, i32, i32) {
    %c0_i32 = arith.constant 0 : i32
    %c0_i32_0 = arith.constant 0 : i32
    return %arg0, %arg1, %c0_i32 : i32, i32, i32
  }
  func.func @transform_2(%arg0: i32, %arg1: i32) -> (i32, i32) {
    %c0_i32 = arith.constant 0 : i32
    %c0_i32_0 = arith.constant 0 : i32
    %c0_i32_1 = arith.constant 0 : i32
    return %c0_i32, %c0_i32_0 : i32, i32
  }
  func.func @transform_3(%arg0: i32, %arg1: i32) -> (i32, i32) {
    %c0_i32 = arith.constant 0 : i32
    %c0_i32_0 = arith.constant 0 : i32
    %c0_i32_1 = arith.constant 0 : i32
    return %c0_i32, %c0_i32_0 : i32, i32
  }
  func.func @transform_4(%arg0: i32, %arg1: i32) -> (i32, i32) {
    %c0_i32 = arith.constant 0 : i32
    %c0_i32_0 = arith.constant 0 : i32
    %c0_i32_1 = arith.constant 0 : i32
    return %c0_i32, %c0_i32_0 : i32, i32
  }
  func.func @transform_5(%arg0: i32, %arg1: i32) -> (i32, i32) {
    %c0_i32 = arith.constant 0 : i32
    %c0_i32_0 = arith.constant 0 : i32
    %c0_i32_1 = arith.constant 0 : i32
    return %c0_i32, %c0_i32_0 : i32, i32
  }
  func.func @transform_6(%arg0: i32, %arg1: i32) -> (i32, i32) {
    %c0_i32 = arith.constant 0 : i32
    %c0_i32_0 = arith.constant 0 : i32
    %c0_i32_1 = arith.constant 0 : i32
    return %c0_i32, %c0_i32_0 : i32, i32
  }
  func.func @transform_7(%arg0: i32, %arg1: i32) -> (i32, i32) {
    %c0_i32 = arith.constant 0 : i32
    %c0_i32_0 = arith.constant 0 : i32
    %c0_i32_1 = arith.constant 0 : i32
    return %c0_i32, %c0_i32_0 : i32, i32
  }
  func.func @transform_8(%arg0: i32, %arg1: i32) -> (i32, i32) {
    %c0_i32 = arith.constant 0 : i32
    %c0_i32_0 = arith.constant 0 : i32
    %c0_i32_1 = arith.constant 0 : i32
    return %c0_i32, %c0_i32_0 : i32, i32
  }
  func.func @transform_9(%arg0: i32, %arg1: i32) -> (i32, i32) {
    %c0_i32 = arith.constant 0 : i32
    %c0_i32_0 = arith.constant 0 : i32
    %c0_i32_1 = arith.constant 0 : i32
    return %c0_i32, %c0_i32_0 : i32, i32
  }
  func.func @transform_10(%arg0: i32, %arg1: i32) -> (i32, i32, i32) {
    %c0_i32 = arith.constant 0 : i32
    %c0_i32_0 = arith.constant 0 : i32
    return %arg0, %arg1, %c0_i32 : i32, i32, i32
  }
  func.func @transform_11(%arg0: i32, %arg1: i32) -> (i32, i32, i32) {
    %c0_i32 = arith.constant 0 : i32
    %c0_i32_0 = arith.constant 0 : i32
    return %arg0, %arg1, %c0_i32 : i32, i32, i32
  }
  func.func @transform_12(%arg0: i32, %arg1: i32) -> (i32, i32) {
    %c0_i32 = arith.constant 0 : i32
    %c0_i32_0 = arith.constant 0 : i32
    %c0_i32_1 = arith.constant 0 : i32
    return %c0_i32, %c0_i32_0 : i32, i32
  }
}

module attributes {stable_mosaic.version = 14 : i64} {
  func.func @_finish_body(%arg0: i32, %arg1: memref<1x2048x64xf32, #tpu.memory_space<vmem>>, %arg2: memref<1x2048x64xf32, #tpu.memory_space<vmem>>, %arg3: memref<8x128xf32, #tpu.memory_space<vmem>>, %arg4: memref<1x64xf32, #tpu.memory_space<vmem>>, %arg5: memref<1x64xf32, #tpu.memory_space<vmem>>, %arg6: memref<1x2048x64xf32, #tpu.memory_space<vmem>>) attributes {dimension_semantics = [#tpu.dimension_semantics<arbitrary>], iteration_bounds = array<i64: 8>, scalar_prefetch = 0 : i64, scratch_operands = 0 : i64, tpu.core_type = #tpu.core_type<tc>, window_params = [{transform_indices = @transform_0, window_bounds = array<i64: 1, 2048, 64>}, {transform_indices = @transform_1, window_bounds = array<i64: 1, 2048, 64>}, {pipeline_mode = #tpu.pipeline_mode<synchronous>, transform_indices = @transform_2, window_bounds = array<i64: 8, 128>}, {pipeline_mode = #tpu.pipeline_mode<synchronous>, transform_indices = @transform_3, window_bounds = array<i64: 1, 64>}, {pipeline_mode = #tpu.pipeline_mode<synchronous>, transform_indices = @transform_4, window_bounds = array<i64: 1, 64>}, {transform_indices = @transform_5, window_bounds = array<i64: 1, 2048, 64>}]} {
    %get3A = arith.constant 0 : index
    %get3A_0 = arith.constant 0 : index
    %get3A_1 = vector.load %arg3[%get3A, %get3A_0] : memref<8x128xf32, #tpu.memory_space<vmem>>, vector<1x64xf32>
    %div3A = arith.constant 3.276800e+05 : f32
    %div3A_2 = vector.broadcast %div3A : f32 to vector<1x64xf32>
    %div3A_3 = arith.divf %get3A_1, %div3A_2 : vector<1x64xf32>
    %get3A_4 = arith.constant 1 : index
    %get3A_5 = arith.constant 0 : index
    %get3A_6 = vector.load %arg3[%get3A_4, %get3A_5] : memref<8x128xf32, #tpu.memory_space<vmem>>, vector<1x64xf32>
    %div3A_7 = arith.constant 3.276800e+05 : f32
    %div3A_8 = vector.broadcast %div3A_7 : f32 to vector<1x64xf32>
    %div3A_9 = arith.divf %get3A_6, %div3A_8 : vector<1x64xf32>
    %mul3A = arith.mulf %div3A_3, %div3A_3 : vector<1x64xf32>
    %sub3A = arith.subf %div3A_9, %mul3A : vector<1x64xf32>
    %add3A = arith.constant 9.99999974E-6 : f32
    %add3A_10 = vector.broadcast %add3A : f32 to vector<1x64xf32>
    %add3A_11 = arith.addf %sub3A, %add3A_10 : vector<1x64xf32>
    %sqrt3A = math.sqrt %add3A_11 : vector<1x64xf32>
    %div3A_12 = arith.constant 1.000000e+00 : f32
    %div3A_13 = vector.broadcast %div3A_12 : f32 to vector<1x64xf32>
    %div3A_14 = arith.divf %div3A_13, %sqrt3A : vector<1x64xf32>
    %get3A_15 = arith.constant 0 : index
    %get3A_16 = arith.constant 0 : index
    %get3A_17 = vector.load %arg4[%get3A_15, %get3A_16] : memref<1x64xf32, #tpu.memory_space<vmem>>, vector<1x64xf32>
    %mul3A_18 = arith.mulf %get3A_17, %div3A_14 : vector<1x64xf32>
    %get3A_19 = arith.constant 0 : index
    %get3A_20 = arith.constant 0 : index
    %get3A_21 = vector.load %arg5[%get3A_19, %get3A_20] : memref<1x64xf32, #tpu.memory_space<vmem>>, vector<1x64xf32>
    %mul3A_22 = arith.mulf %div3A_3, %mul3A_18 : vector<1x64xf32>
    %sub3A_23 = arith.subf %get3A_21, %mul3A_22 : vector<1x64xf32>
    %ge3A = arith.constant 0.000000e+00 : f32
    %ge3A_24 = vector.broadcast %ge3A : f32 to vector<1x64xf32>
    %ge3A_25 = arith.cmpf oge, %mul3A_18, %ge3A_24 : vector<1x64xf32>
    %get3A_26 = arith.constant 0 : index
    %get3A_27 = arith.constant 0 : index
    %get3A_28 = arith.constant 0 : index
    %get3A_29 = vector.load %arg1[%get3A_26, %get3A_27, %get3A_28] : memref<1x2048x64xf32, #tpu.memory_space<vmem>>, vector<1x2048x64xf32>
    %get3A_30 = vector.shape_cast %get3A_29 : vector<1x2048x64xf32> to vector<2048x64xf32>
    %get3A_31 = arith.constant 0 : index
    %get3A_32 = arith.constant 0 : index
    %get3A_33 = arith.constant 0 : index
    %get3A_34 = vector.load %arg2[%get3A_31, %get3A_32, %get3A_33] : memref<1x2048x64xf32, #tpu.memory_space<vmem>>, vector<1x2048x64xf32>
    %get3A_35 = vector.shape_cast %get3A_34 : vector<1x2048x64xf32> to vector<2048x64xf32>
    %broadcast_in_dim3A = vector.shape_cast %ge3A_25 : vector<1x64xi1> to vector<1x64xi1>
    %broadcast_in_dim3A_36 = vector.broadcast %broadcast_in_dim3A : vector<1x64xi1> to vector<2048x64xi1>
    %select_n3A = arith.select %broadcast_in_dim3A_36, %get3A_30, %get3A_35 : vector<2048x64xi1>, vector<2048x64xf32>
    %mul3A_37 = vector.broadcast %mul3A_18 : vector<1x64xf32> to vector<2048x64xf32>
    %mul3A_38 = arith.mulf %mul3A_37, %select_n3A : vector<2048x64xf32>
    %add3A_39 = vector.broadcast %sub3A_23 : vector<1x64xf32> to vector<2048x64xf32>
    %add3A_40 = arith.addf %mul3A_38, %add3A_39 : vector<2048x64xf32>
    %max3A = arith.constant 0.000000e+00 : f32
    %max3A_41 = vector.broadcast %max3A : f32 to vector<2048x64xf32>
    %max3A_42 = arith.maximumf %add3A_40, %max3A_41 : vector<2048x64xf32>
    %swap3A = arith.constant 0 : index
    %swap3A_43 = arith.constant 0 : index
    %swap3A_44 = arith.constant 0 : index
    %swap3A_45 = vector.load %arg6[%swap3A, %swap3A_43, %swap3A_44] : memref<1x2048x64xf32, #tpu.memory_space<vmem>>, vector<1x2048x64xf32>
    %swap3A_46 = vector.shape_cast %swap3A_45 : vector<1x2048x64xf32> to vector<2048x64xf32>
    %swap3A_47 = vector.shape_cast %max3A_42 : vector<2048x64xf32> to vector<1x2048x64xf32>
    tpu.vector_store %arg6[%swap3A, %swap3A_43, %swap3A_44], %swap3A_47 {strides = array<i32>} : memref<1x2048x64xf32, #tpu.memory_space<vmem>>, vector<1x2048x64xf32>,
    return
  }
  func.func @transform_0(%arg0: i32) -> (i32, i32, i32) {
    %c0_i32 = arith.constant 0 : i32
    %c0_i32_0 = arith.constant 0 : i32
    %c0_i32_1 = arith.constant 0 : i32
    return %arg0, %c0_i32, %c0_i32_0 : i32, i32, i32
  }
  func.func @transform_1(%arg0: i32) -> (i32, i32, i32) {
    %c0_i32 = arith.constant 0 : i32
    %c0_i32_0 = arith.constant 0 : i32
    %c0_i32_1 = arith.constant 0 : i32
    return %arg0, %c0_i32, %c0_i32_0 : i32, i32, i32
  }
  func.func @transform_2(%arg0: i32) -> (i32, i32) {
    %c0_i32 = arith.constant 0 : i32
    %c0_i32_0 = arith.constant 0 : i32
    %c0_i32_1 = arith.constant 0 : i32
    return %c0_i32, %c0_i32_0 : i32, i32
  }
  func.func @transform_3(%arg0: i32) -> (i32, i32) {
    %c0_i32 = arith.constant 0 : i32
    %c0_i32_0 = arith.constant 0 : i32
    %c0_i32_1 = arith.constant 0 : i32
    return %c0_i32, %c0_i32_0 : i32, i32
  }
  func.func @transform_4(%arg0: i32) -> (i32, i32) {
    %c0_i32 = arith.constant 0 : i32
    %c0_i32_0 = arith.constant 0 : i32
    %c0_i32_1 = arith.constant 0 : i32
    return %c0_i32, %c0_i32_0 : i32, i32
  }
  func.func @transform_5(%arg0: i32) -> (i32, i32, i32) {
    %c0_i32 = arith.constant 0 : i32
    %c0_i32_0 = arith.constant 0 : i32
    %c0_i32_1 = arith.constant 0 : i32
    return %arg0, %c0_i32, %c0_i32_0 : i32, i32, i32
  }
}

</mosaic_0001>

<sc_bundles>
// kernel: kernel.7.cloned.1.call-start
scs
__scs_entry_jumppad:
0x0: {  	(pc) =	sbr.rel $0x88, $3  }
0x1: {  	(tag) =	ssettag $0x0;
	lr =	simm.s32 $0x1  }
0x2: {  	[smem:$0x3F98] =	sst lr;
	_ =	strace $0xD0000000  }
0x3: {  	_ = 	snop  }
0x4: {  	_ = 	snop  }
0x5: {  	_ = 	snop  }
0x6: {  	_ = 	snop  }
0x7: {  	_ = 	snop  }
__scs_overlays_trampoline_lowered:
0x8: {  	[smem:$0x3FA7] =	sst s0  }
0x9: {  	[smem:$0x3FA8] =	sst s1  }
0xa: {  	[smem:$0x3FA9] =	sst s2  }
0xb: {  	[smem:$0x3FAA] =	sst s3  }
0xc: {  	[smem:$0x3FAB] =	sst s4  }
0xd: {  	[smem:$0x3FAC] =	sst s5  }
0xe: {  	[smem:$0x3FAD] =	sst s6  }
0xf: {  	[smem:$0x3FAE] =	sst s7  }
0x10: {  	[smem:$0x3FAF] =	sst s8  }
0x11: {  	[smem:$0x3FB0] =	sst s9;
	s0 =	simm.s32 @!p0 $0x0  }
0x12: {  	s1 =	sld [smem:$0x3F96];
	s0 =	simm.s32 @p0 $0x1  }
0x13: {  	[smem:$0x3FB1] =	sst s0;
	s0 =	simm.s32 @!p1 $0x0  }
0x14: {  	s2 =	sld [smem:$0x3F95];
	s0 =	simm.s32 @p1 $0x1  }
0x15: {  	[smem:$0x3FB2] =	sst s0;
	s0 =	simm.s32 @!p2 $0x0  }
0x16: {  	s3 =	sld [smem:$0x3FDB];
	s0 =	simm.s32 @p2 $0x1  }
0x17: {  	s4 =	simm.s32 $0x1BF5;
	[smem:$0x3FB4] =	sst s0  }
0x18: {  	s0 =	sld [smem:$0x3F97];
	_ =	swait.ge [sflag:s4], $0x0  }
0x19: {  	s7 =	sld [smem:$0x3F98]  }
0x1a: {  	s8 =	sadd.s32 $0xFFFFE003, lr  }
0x1b: {  	s9 =	sadd.s32 $0xFFFFFEF7, lr;
	s5 =	simm.s32 $0xFFFFFFFF;
	p2 =	slt.u32 s8, $0xFFFFF086  }
0x1c: {  	p1 =	slt.u32 s9, $0xF7A;
	s5 =	simm.s32 @!p2 $0x0  }
0x1d: {  	s5 =	simm.s32 @p1 $0x1;
	p0 =	seq.s32 s7, s2  }
0x1e: {  	s7 =	smul.u32 @!p0 $0xF7A, s2;
	p2 =	seq.s32 @!p0 s5, $0x0  }
0x1f: {  	s9 =	smul.u32 $0xF7A, s1;
	s8 =	simm.s32 @!p0 $0x1BF5;
	p2 =	por !p2, p0  }
0x20: {  	[sflag:s8] =	ssyncset.s32 @!p0 $0xFFFFF086;
	s6 =	sadd.s32 @!p0 s3, s7;
	s7 =	simm.s32 @!p0 $0x108  }
0x21: {  	s3 =	sadd.s32 s3, s9;
	s6 =	sadd.s32 @!p0 $0x88, s6;
	s7 =	simm.s32 @p2 $0x1082  }
0x22: {  	[simem:s7], [sflag:s8] =	dma.local @!p0 [hbm:s6], $0xF7A  }
0x23: {  	s9 =	sor.u32 $0xD0000000, s2;
	s6 =	simm.s32 $0x108;
	_ =	swait.ge @!p0 [sflag:s8], $0x0  }
0x24: {  	s3 =	sadd.s32 $0x88, s3;
	s6 =	simm.s32 @!p1 $0x1082;
	[sflag:s4] =	ssyncset.s32 $0xFFFFF086  }
0x25: {  	[simem:s6], [sflag:s4] =	dma.local [hbm:s3], $0xF7A  }
0x26: {  	[smem:$0x3F98] =	sst s1;
	(tag) =	ssettag s2;
	_ =	strace s9  }
0x27: {  	s1 =	sld [smem:$0x3FA8]  }
0x28: {  	s2 =	sld [smem:$0x3FA9]  }
0x29: {  	s4 =	sld [smem:$0x3FAB]  }
0x2a: {  	p0 =	seq.s32 s5, $0x0;
	s5 =	sld [smem:$0x3FAC]  }
0x2b: {  	s6 =	sld [smem:$0x3FAD]  }
0x2c: {  	s7 =	sld [smem:$0x3FAE]  }
0x2d: {  	s3 =	simm.s32 $0x108;
	s8 =	sld [smem:$0x3FAF]  }
0x2e: {  	s3 =	simm.s32 @!p0 $0x1082;
	s9 =	sld [smem:$0x3FB0]  }
0x2f: {  	lr =	sadd.s32 s0, s3;
	s0 =	sld [smem:$0x3FA7]  }
0x30: {  	s3 =	sld [smem:$0x3FAA]  }
0x31: {  	[smem:$0x3FB3] =	sst s10  }
0x32: {  	s10 =	sld [smem:$0x3FB1];
	_ =	sdelay $0x3  }
0x33: {  	p0 =	seq.s32 s10, $0x1;
	s10 =	sld [smem:$0x3FB3];
	_ =	sdelay $0x3  }
0x34: {  	[smem:$0x3FB3] =	sst s10  }
0x35: {  	s10 =	sld [smem:$0x3FB2];
	_ =	sdelay $0x3  }
0x36: {  	p1 =	seq.s32 s10, $0x1;
	s10 =	sld [smem:$0x3FB3];
	_ =	sdelay $0x3  }
0x37: {  	[smem:$0x3FB3] =	sst s10  }
0x38: {  	s10 =	sld [smem:$0x3FB4]  }
0x39: {  	_ = 	snop;
	(pc) =	sbr.ind lr, $3  }
0x3a: {  	_ = 	snop  }
0x3b: {  	_ = 	snop  }
0x3c: {  	p2 =	seq.s32 s10, $0x1;
	s10 =	sld [smem:$0x3FB3]  }
0x3d: {  	_ =	shalt  }
0x3e: {  	_ =	shalt  }
0x3f: {  	_ =	shalt  }
0x40: {  	_ =	shalt  }
0x41: {  	_ =	shalt  }
0x42: {  	_ =	shalt  }
0x43: {  	_ =	shalt  }
0x44: {  	_ =	shalt  }
0x45: {  	_ =	shalt  }
0x46: {  	_ =	shalt  }
0x47: {  	_ =	shalt  }
0x48: {  	_ =	shalt  }
0x49: {  	_ =	shalt  }
0x4a: {  	_ =	shalt  }
0x4b: {  	_ =	shalt  }
0x4c: {  	_ =	shalt  }
0x4d: {  	_ =	shalt  }
0x4e: {  	_ =	shalt  }
0x4f: {  	_ =	shalt  }
0x50: {  	_ =	shalt  }
0x51: {  	_ =	shalt  }
0x52: {  	_ =	shalt  }
0x53: {  	_ =	shalt  }
0x54: {  	_ =	shalt  }
0x55: {  	_ =	shalt  }
0x56: {  	_ =	shalt  }
0x57: {  	_ =	shalt  }
0x58: {  	_ =	shalt  }
0x59: {  	_ =	shalt  }
0x5a: {  	_ =	shalt  }
0x5b: {  	_ =	shalt  }
0x5c: {  	_ =	shalt  }
0x5d: {  	_ =	shalt  }
0x5e: {  	_ =	shalt  }
0x5f: {  	_ =	shalt  }
0x60: {  	_ =	shalt  }
0x61: {  	_ =	shalt  }
0x62: {  	_ =	shalt  }
0x63: {  	_ =	shalt  }
0x64: {  	_ =	shalt  }
0x65: {  	_ =	shalt  }
0x66: {  	_ =	shalt  }
0x67: {  	_ =	shalt  }
0x68: {  	_ =	shalt  }
0x69: {  	_ =	shalt  }
0x6a: {  	_ =	shalt  }
0x6b: {  	_ =	shalt  }
0x6c: {  	_ =	shalt  }
0x6d: {  	_ =	shalt  }
0x6e: {  	_ =	shalt  }
0x6f: {  	_ =	shalt  }
0x70: {  	_ =	shalt  }
0x71: {  	_ =	shalt  }
0x72: {  	_ =	shalt  }
0x73: {  	_ =	shalt  }
0x74: {  	_ =	shalt  }
0x75: {  	_ =	shalt  }
0x76: {  	_ =	shalt  }
0x77: {  	_ =	shalt  }
0x78: {  	_ =	shalt  }
0x79: {  	_ =	shalt  }
0x7a: {  	_ =	shalt  }
0x7b: {  	_ =	shalt  }
0x7c: {  	_ =	shalt  }
0x7d: {  	_ =	shalt  }
0x7e: {  	_ =	shalt  }
0x7f: {  	_ =	shalt  }
0x80: {  	_ =	shalt  }
0x81: {  	_ =	shalt  }
0x82: {  	_ =	shalt  }
0x83: {  	_ =	shalt  }
0x84: {  	_ =	shalt  }
0x85: {  	_ =	shalt  }
0x86: {  	_ =	shalt  }
0x87: {  	_ =	shalt  }
.Lfunc_end0:
.L_simem_size_0:
called_computation_lowered:
.L_overlay_start_0:
0x88: {  	s2 =	sld [smem:$0x3FD9]  }
0x89: {  	s3 =	sld [smem:$0x3FFE];
	_ =	sdelay $0x1  }
0x8a: {  	s1 =	srdreg.scid  }
0x8b: {  	s0 =	sand.u32 $0x1, s1  }
0x8c: {  	s17 =	sshll.u32 s0, $0xA;
	s2 =	sadd.s32 s3, s2  }
0x8d: {  	s2 =	sadd.s32 s2, s17  }
0x8e: {  	[smem:$0x3FBF] =	sst s2  }
0x8f: {  	_ = 	snop  }
0x90: {  	s2 =	sld [smem:$0x3FD0];
	(tm) =	ssettm $0x1  }
0x91: {  	s18 =	sld [smem:$0x3FFB];
	_ =	sdelay $0x3  }
0x92: {  	_ =	strace s18  }
0x93: {  	s3 =	sld [smem:$0x3FFC];
	_ =	sdelay $0x3  }
0x94: {  	_ =	strace s3  }
0x95: {  	s3 =	sld [smem:$0x3FFD];
	_ =	sdelay $0x3  }
0x96: {  	_ =	strace s3  }
0x97: {  	_ =	strace $0x8FFFFFFF  }
0x98: {  	s19 =	sld [smem:$0x3FDB];
	_ =	sdelay $0x1  }
0x99: {  	s4 =	simm.s32 $_scs_section_size  }
0x9a: {  	s5 =	simm.s32 $_size__tile_overlayer_lowered;
	s6 =	simm.s32 $_tile_overlayer_lowered  }
0x9b: {  	s22 =	simm.s32 $0x1BFF;
	s21 =	sshll.u32 s6, $0x1;
	s3 =	sadd.s32 s4, s19  }
0x9c: {  	s7 =	simm.s32 $0x0;
	s20 =	sshll.u32 s5, $0x1;
	s5 =	sadd.s32 s21, s3  }
0x9d: {  	[timem:s7], [sflag:s22] =	dma.local [hbm:s5], s20  }
0x9e: {  	_ =	swait.ge [sflag:s22], s20  }
0x9f: {  	s4 =	ssub.s32 $0x0, s20;
	[sflag:s22] =	ssyncset.done $0x0  }
0xa0: {  	[sflag:s22] =	ssyncadd.s32 s4;
	_ =	sdelay $0x1  }
0xa1: {  	s23 =	simm.s32 $0x1B8B  }
0xa2: {  	_ =	swait.ge [sflag:s23], $0x1  }
0xa3: {  	[sflag:s23] =	ssyncset.done $0x0  }
0xa4: {  	s25 =	simm.s32 $0x1B8E;
	s24 =	sld [smem:$0x3FFE];
	[sflag:s23] =	ssyncadd.s32 $0xFFFFFFFF  }
0xa5: {  	s26 =	simm.s32 $execute0_lowered;
	[smem:$0x3FD2] =	sst s25  }
0xa6: {  	s5 =	sshll.u32 s26, $0x1;
	_ =	strace $0x80000046;
	[dreg:$0x1] =	wrdreg $0xFFFFFFFF  }
0xa7: {  	s28 =	simm.s32 $_size_execute0_lowered;
	s3 =	sadd.s32 s3, s5;
	[dreg:$0x0] =	wrdreg $0x0  }
0xa8: {  	s5 =	sshll.u32 s28, $0x1;
	[dreg:$0x2] =	wrdreg s3  }
0xa9: {  	[dreg:$0x3] =	wrdreg s5  }
0xaa: {  	[dreg:$0x4] =	wrdreg $0xC0  }
0xab: {  	_ =	task [dreg:s7], $0x5FFFF  }
0xac: {  	[dreg:$0x1] =	wrdreg $0xFFFFFFFF  }
0xad: {  	[dreg:$0x0] =	wrdreg $0x60  }
0xae: {  	[dreg:$0x2] =	wrdreg s24  }
0xaf: {  	[dreg:$0x3] =	wrdreg s2  }
0xb0: {  	[dreg:$0x4] =	wrdreg $0x9  }
0xb1: {  	_ =	task.clear_ibuf [dreg:s7], $0x5FFFF;
	_ =	strace $0x90000046  }
0xb2: {  	s29 =	simm.s32 $0x9;
	_ =	strace $0x80000048  }
0xb3: {  	_ =	swait.ge [sflag:s29], $0x1  }
0xb4: {  	[sflag:s29] =	ssyncadd.s32 $0xFFFFFFFF  }
0xb5: {  	_ =	strace $0x90000048  }
0xb6: {  	_ =	sfence  }
0xb7: {  	s30 =	sld [smem:$0x0];
	_ =	sdelay $0x2  }
0xb8: {  	s31 =	sshll.u32 s1, $0xD;
	s1 =	sshrl.u32 s1, $0x2  }
0xb9: {  	s3 =	sand.u32 $0x4000, s31;
	s1 =	sadd.s32 s1, s30  }
0xba: {  	s0 =	sor.u32 s3, s0;
	s1 =	sshll.u32 s1, $0x11  }
0xbb: {  	s0 =	sor.u32 s1, s0  }
0xbc: {  	s0 =	sadd.s32 $0x8F2B, s0  }
0xbd: {  	[sflag:s0] =	ssyncadd.remote.s32 $0x1  }
0xbe: {  	_ =	sfence.sel $0xFFFF  }
0xbf: {  	[dreg:$0x0] =	wrdreg $0xFFFFFFFF;
	(pc) =	sbr.abs _section_cstart, $3  }
0xc0: {  	[dreg:$0x1] =	wrdreg $0xFFFFFFFF  }
0xc1: {  	_ =	task.clear_ibuf [dreg:s7], $0x2FFFF;
	_ =	strace $0x9FFFFFFF  }
0xc2: {  	(tm) =	ssettm $0x7FFFFFFF  }
0xc3: {  	_ =	shalt  }
tec
execute0_lowered:
.L_overlay_start_1:
0x0: {  	(tag) =	ssettag $0x1  }
0x1: {  	s4 =	rddreg [dreg:$0x0]  }
0x2: {  	s2 =	rddreg [dreg:$0x1]  }
0x3: {  	s0 =	rddreg [dreg:$0x2]  }
0x4: {  	s1 =	stileid.u32;
	s5 =	srdreg.scid  }
0x5: {  	s3 =	simm.s32 $0x0;
	s11 =	simm.s32 $0x4200;
	s12 =	simm.s32 $0x100  }
0x6: {  	s13 =	simm.s32 $0x8200;
	s14 =	simm.s32 $0x180;
	s15 =	simm.s32 $0xC200  }
0x7: {  	s16 =	simm.s32 $0x1;
	s17 =	simm.s32 $0x0;
	s6 =	smul.u32 $0x50000, s1  }
0x8: {  	s5 =	sand.u32 $0x1, s5;
	[smem:$0x7FF] =	sst s3;
	s10 =	smul.u32 $0x5000, s1  }
0x9: {  	s7 =	ssub.s32 $0x2, s5;
	s8 =	smul.u32 $0x28000, s5;
	_ =	strace $0x80000047  }
0xa: {  	s31 =	smul.u32 $0x2800, s5;
	s9 =	sshrl.u32 s7, $0x1;
	s6 =	sadd.s32 s6, s4  }
0xb: {  	s4 =	sadd.s32 $0x42200, s4;
	s7 =	ssub.s32 s7, s9;
	s6 =	sadd.s32 s8, s6  }
0xc: {  	s8 =	simm.s32 $0x2;
	s9 =	simm.s32 $0x80;
	s5 =	smax.u32 s7, $0x1  }
0xd: {  	s6 =	sadd.s32 $0x82200, s6;
	s7 =	sadd.s32 s31, s10;
	s10 =	simm.s32 $0x200  }
.LBB2_1:
0xe: {  	s18 =	sadd.s32 $0x0, s7  }
0xf: {  	s19 =	sand.u32 $0x200, s3;
	s18 =	sand.u32 $0xFFC00, s18  }
0x10: {  	s18 =	sor.u32 s19, s18  }
0x11: {  	s18 =	sshrl.u32 s18, $0x3  }
0x12: {  	s18 =	sadd.s32 s2, s18  }
0x13: {  	[tilespmem:s3], [sflag:$0x2] =	stream.linear.gather [hbm4b:s18+s3], $0x200, $0x38;
	[tilespmem:$0x10200] =	vst v63  }
0x14: {  	_ =	swait.ge [sflag:s8], $0x200  }
0x15: {  	[sflag:s8] =	ssyncset.done $0x0  }
0x16: {  	[sflag:s8] =	ssyncadd.s32 $0xFFFFFE00  }
0x17: {  	[tilespmem:s10], [sflag:$0x1] =	stream.indirect.gather [hbm4b:s4+s9], $0x80, s3, s9, $0xb8;
	[tilespmem:$0x10200] =	vst v63  }
0x18: {  	_ = 	snop  }
0x19: {  	[tilespmem:s11], [sflag:$0x1] =	stream.indirect.gather [hbm4b:s4+s9], $0x80, s9, s9, $0xb8;
	[tilespmem:$0x10200] =	vst v63  }
0x1a: {  	_ = 	snop  }
0x1b: {  	[tilespmem:s13], [sflag:$0x1] =	stream.indirect.gather [hbm4b:s4+s9], $0x80, s12, s9, $0xb8;
	[tilespmem:$0x10200] =	vst v63  }
0x1c: {  	_ = 	snop  }
0x1d: {  	[tilespmem:s15], [sflag:$0x1] =	stream.indirect.gather [hbm4b:s4+s9], $0x80, s14, s9, $0xb8;
	[tilespmem:$0x10200] =	vst v63  }
0x1e: {  	_ =	swait.ge [sflag:s16], $0x4000  }
0x1f: {  	[sflag:s16] =	ssyncset.done $0x0  }
0x20: {  	[sflag:s16] =	ssyncadd.s32 $0xFFFFC000  }
0x21: {  	_ =	swait.ge [sflag:s16], $0x4000  }
0x22: {  	[sflag:s16] =	ssyncset.done $0x0  }
0x23: {  	[sflag:s16] =	ssyncadd.s32 $0xFFFFC000  }
0x24: {  	_ =	swait.ge [sflag:s16], $0x4000  }
0x25: {  	s31 =	sadd.s32 $0x200, s7;
	[sflag:s16] =	ssyncset.done $0x0  }
0x26: {  	s30 =	simm.s32 $0x200;
	s20 =	sand.u32 $0xFFC00, s31;
	[sflag:s16] =	ssyncadd.s32 $0xFFFFC000  }
0x27: {  	s19 =	simm.s32 $0x400;
	s18 =	sand.u32 $0x200, s30;
	_ =	swait.ge [sflag:s16], $0x4000  }
0x28: {  	s18 =	sor.u32 s18, s20;
	s20 =	smov.u32 s6;
	[sflag:s16] =	ssyncset.done $0x0  }
0x29: {  	s21 =	sshrl.u32 s18, $0x3;
	s18 =	sadd.s32 $0x2000, s6;
	[sflag:s16] =	ssyncadd.s32 $0xFFFFC000  }
.LBB2_2:
0x2a: {  	[hbm4b:s20+s3] =	stream.linear.scatter [tilespmem:s10], [sflag:$0x2], $0x10000, $0x38;
	[tilespmem:$0x10200] =	vst v63  }
0x2b: {  	s22 =	smov.u32 s19;
	s20 =	smov.u32 s18  }
0x2c: {  	p0 =	sne.s32 s19, $0x2600;
	s19 =	sadd.s32 $0x200, s19;
	_ =	swait.ge [sflag:s8], $0x10000  }
0x2d: {  	[sflag:s8] =	ssyncset.done $0x0  }
0x2e: {  	s21 =	sadd.s32 s2, s21;
	[sflag:s8] =	ssyncadd.s32 $0xFFFF0000  }
0x2f: {  	[tilespmem:s3], [sflag:$0x2] =	stream.linear.gather [hbm4b:s21+s3], $0x200, $0x38;
	[tilespmem:$0x10200] =	vst v63  }
0x30: {  	_ =	swait.ge [sflag:s8], $0x200  }
0x31: {  	[sflag:s8] =	ssyncset.done $0x0  }
0x32: {  	[sflag:s8] =	ssyncadd.s32 $0xFFFFFE00  }
0x33: {  	[tilespmem:s10], [sflag:$0x1] =	stream.indirect.gather [hbm4b:s4+s9], $0x80, s3, s9, $0xb8;
	[tilespmem:$0x10200] =	vst v63  }
0x34: {  	_ = 	snop  }
0x35: {  	[tilespmem:s11], [sflag:$0x1] =	stream.indirect.gather [hbm4b:s4+s9], $0x80, s9, s9, $0xb8;
	[tilespmem:$0x10200] =	vst v63  }
0x36: {  	_ = 	snop  }
0x37: {  	[tilespmem:s13], [sflag:$0x1] =	stream.indirect.gather [hbm4b:s4+s9], $0x80, s12, s9, $0xb8;
	[tilespmem:$0x10200] =	vst v63  }
0x38: {  	_ = 	snop  }
0x39: {  	[tilespmem:s15], [sflag:$0x1] =	stream.indirect.gather [hbm4b:s4+s9], $0x80, s14, s9, $0xb8;
	[tilespmem:$0x10200] =	vst v63  }
0x3a: {  	_ =	swait.ge [sflag:s16], $0x4000  }
0x3b: {  	[sflag:s16] =	ssyncset.done $0x0  }
0x3c: {  	[sflag:s16] =	ssyncadd.s32 $0xFFFFC000  }
0x3d: {  	_ =	swait.ge [sflag:s16], $0x4000  }
0x3e: {  	[sflag:s16] =	ssyncset.done $0x0  }
0x3f: {  	[sflag:s16] =	ssyncadd.s32 $0xFFFFC000  }
0x40: {  	_ =	swait.ge [sflag:s16], $0x4000  }
.Ltmp0:
0x41: {  	[sflag:s16] =	ssyncset.done $0x0;
	(pc) =	sbr.rel @p0 .LBB2_2-.Ltmp0, $4  }
0x42: {  	s21 =	sadd.s32 s22, s7;
	[sflag:s16] =	ssyncadd.s32 $0xFFFFC000  }
0x43: {  	s22 =	sand.u32 $0x200, s22;
	s21 =	sand.u32 $0xFFC00, s21;
	_ =	swait.ge [sflag:s16], $0x4000  }
0x44: {  	s21 =	sor.u32 s22, s21;
	[sflag:s16] =	ssyncset.done $0x0  }
0x45: {  	s18 =	sadd.s32 $0x2000, s18;
	s21 =	sshrl.u32 s21, $0x3;
	[sflag:s16] =	ssyncadd.s32 $0xFFFFC000  }
0x46: {  	[hbm4b:s20+s3] =	stream.linear.scatter [tilespmem:s10], [sflag:$0x2], $0x10000, $0x38;
	[tilespmem:$0x10200] =	vst v63  }
0x47: {  	_ =	swait.ge [sflag:s8], $0x10000  }
0x48: {  	[sflag:s8] =	ssyncset.done $0x0  }
0x49: {  	s19 =	sadd.s32 s2, s21;
	[sflag:s8] =	ssyncadd.s32 $0xFFFF0000  }
0x4a: {  	[tilespmem:s3], [sflag:$0x2] =	stream.linear.gather [hbm4b:s19+s3], $0x200, $0x38;
	[tilespmem:$0x10200] =	vst v63  }
0x4b: {  	_ =	swait.ge [sflag:s8], $0x200  }
0x4c: {  	[sflag:s8] =	ssyncset.done $0x0  }
0x4d: {  	[sflag:s8] =	ssyncadd.s32 $0xFFFFFE00  }
0x4e: {  	[tilespmem:s10], [sflag:$0x1] =	stream.indirect.gather [hbm4b:s4+s9], $0x80, s3, s9, $0xb8;
	[tilespmem:$0x10200] =	vst v63  }
0x4f: {  	_ = 	snop  }
0x50: {  	[tilespmem:s11], [sflag:$0x1] =	stream.indirect.gather [hbm4b:s4+s9], $0x80, s9, s9, $0xb8;
	[tilespmem:$0x10200] =	vst v63  }
0x51: {  	_ = 	snop  }
0x52: {  	[tilespmem:s13], [sflag:$0x1] =	stream.indirect.gather [hbm4b:s4+s9], $0x80, s12, s9, $0xb8;
	[tilespmem:$0x10200] =	vst v63  }
0x53: {  	_ = 	snop  }
0x54: {  	[tilespmem:s15], [sflag:$0x1] =	stream.indirect.gather [hbm4b:s4+s9], $0x80, s14, s9, $0xb8;
	[tilespmem:$0x10200] =	vst v63  }
0x55: {  	_ =	swait.ge [sflag:s16], $0x4000  }
0x56: {  	[sflag:s16] =	ssyncset.done $0x0  }
0x57: {  	[sflag:s16] =	ssyncadd.s32 $0xFFFFC000  }
0x58: {  	_ =	swait.ge [sflag:s16], $0x4000  }
0x59: {  	[sflag:s16] =	ssyncset.done $0x0  }
0x5a: {  	[sflag:s16] =	ssyncadd.s32 $0xFFFFC000  }
0x5b: {  	_ =	swait.ge [sflag:s16], $0x4000  }
0x5c: {  	[sflag:s16] =	ssyncset.done $0x0  }
0x5d: {  	[sflag:s16] =	ssyncadd.s32 $0xFFFFC000  }
0x5e: {  	s17 =	sadd.s32 $0x1, s17;
	_ =	swait.ge [sflag:s16], $0x4000  }
0x5f: {  	p0 =	sne.s32 s17, s5;
	[sflag:s16] =	ssyncset.done $0x0  }
.Ltmp1:
0x60: {  	[sflag:s16] =	ssyncadd.s32 $0xFFFFC000;
	(pc) =	sbr.rel @p0 .LBB2_1-.Ltmp1, $4  }
0x61: {  	[hbm4b:s18+s3] =	stream.linear.scatter [tilespmem:s10], [sflag:$0x2], $0x10000, $0x38;
	[tilespmem:$0x10200] =	vst v63  }
0x62: {  	_ =	swait.ge [sflag:s8], $0x10000  }
0x63: {  	[sflag:s8] =	ssyncset.done $0x0  }
0x64: {  	[sflag:s8] =	ssyncadd.s32 $0xFFFF0000  }
0x65: {  	_ =	sfence.sel $0x180000  }
0x66: {  	[bflag:$0x0] =	sbarrier.arrive $0xFFFF  }
0x67: {  	p0 =	sne.s32 s1, $0x0;
	_ =	strace $0x90000047  }
0x68: {  	s0 =	sadd.s32 @!p0 $0x100000, s0;
	[bflag:$0x2] =	sbarrier.arrive $0xFFFF  }
0x69: {  	[sflag:s0] =	ssyncadd.tile.s32 @!p0 $0x1;
	_ =	shalt  }
.Lfunc_end2:
_tile_overlayer_lowered:
.L_overlay_start_2:
0x6a: {  	(tag) =	ssettag $0x2  }
0x6b: {  	s0 =	rddreg [dreg:$0x0];
	s2 =	stileid.u32  }
0x6c: {  	s1 =	rddreg [dreg:$0x1];
	p0 =	sne.s32 s2, $0x0  }
0x6d: {  	s3 =	rddreg [dreg:$0x2];
	[bflag:$0x3] =	sbarrier.arrive $0xFFFF;
	s2 =	simm.s32 @!p0 $0x1C02  }
0x6e: {  	[timem:s3], [sflag:s2] =	dma.local @!p0 [hbm:s0], s1  }
0x6f: {  	s0 =	simm.s32 @!p0 $0x2  }
0x70: {  	_ =	swait.ge @!p0 [sflag:s0], s1  }
0x71: {  	s1 =	ssub.s32 @!p0 $0x0, s1;
	[sflag:s0] =	ssyncset.done @!p0 $0x0  }
0x72: {  	[sflag:s0] =	ssyncadd.s32 @!p0 s1  }
0x73: {  	[bflag:$0x3] =	sbarrier.arrive $0xFFFF  }
0x74: {  	_ =	shalt  }

</sc_bundles>
